<compile_context>
chip_gen: v7x
topology: tpu7x:2x2x1
jax: 0.10.2.dev20260603
libtpu: 0.0.44.dev20260713+nightly
codegen_flags: <defaults>
</compile_context>

<pallas_src>
import functools

import jax
import jax.numpy as jnp
from jax import lax
from jax.experimental import pallas as pl
from jax.experimental.pallas import tpu as pltpu
from jax.experimental.pallas import tpu_sc as plsc

N = 10000
E = 320000
NHF = 128
NRBF = 50
NRP = 64
CUTOFF = 5.0
NW = 32
EW = E // NW
C = 128
NPAD = 10240
RPT = NPAD // 16
NCH = 84
EPAD = NCH * NW * C
EALLOC = EPAD

_LN2 = 0.6931471805599453
_W = CUTOFF / (NRBF - 1)
_COEF = -0.5 / (_W * _W)


def _ssp(x):
    return jnp.maximum(x, 0.0) + jnp.log(1.0 + jnp.exp(-jnp.abs(x))) - _LN2


def _make_dist():
    mesh = plsc.VectorSubcoreMesh(core_axis_name="c", subcore_axis_name="s")

    @functools.partial(
        pl.kernel,
        mesh=mesh,
        out_type=jax.ShapeDtypeStruct((E,), jnp.float32),
        compiler_params=pltpu.CompilerParams(needs_layout_passes=False),
        scratch_types=[
            pltpu.VMEM((N,), jnp.float32),
            pltpu.VMEM((N,), jnp.float32),
            pltpu.VMEM((N,), jnp.float32),
            pltpu.VMEM((EW,), jnp.int32),
            pltpu.VMEM((EW,), jnp.int32),
            pltpu.VMEM((EW,), jnp.float32),
        ],
    )
    def dist_kernel(cx_hbm, cy_hbm, cz_hbm, row_hbm, col_hbm, d2_hbm,
                    cx, cy, cz, ri, ci, dv):
        cid = lax.axis_index("c")
        sid = lax.axis_index("s")
        wid = cid * 16 + sid
        base = pl.multiple_of(wid * EW, 8)
        pltpu.sync_copy(cx_hbm, cx)
        pltpu.sync_copy(cy_hbm, cy)
        pltpu.sync_copy(cz_hbm, cz)
        pltpu.sync_copy(row_hbm.at[pl.ds(base, EW)], ri)
        pltpu.sync_copy(col_hbm.at[pl.ds(base, EW)], ci)

        def body(i, carry):
            o = i * 16
            r = ri[pl.ds(o, 16)]
            c = ci[pl.ds(o, 16)]
            dx = plsc.load_gather(cx, [r]) - plsc.load_gather(cx, [c])
            dy = plsc.load_gather(cy, [r]) - plsc.load_gather(cy, [c])
            dz = plsc.load_gather(cz, [r]) - plsc.load_gather(cz, [c])
            dv[pl.ds(o, 16)] = dx * dx + dy * dy + dz * dz
            return carry

        lax.fori_loop(0, EW // 16, body, 0)
        pltpu.sync_copy(dv, d2_hbm.at[pl.ds(base, EW)])

    return dist_kernel


def _make_message():
    mesh = plsc.VectorSubcoreMesh(core_axis_name="c", subcore_axis_name="s")

    @functools.partial(
        pl.kernel,
        mesh=mesh,
        out_type=jax.ShapeDtypeStruct((2, NPAD, NHF), jnp.float32),
        compiler_params=pltpu.CompilerParams(needs_layout_passes=False),
        scratch_types=[
            pltpu.VMEM_SHARED((NPAD, NHF), jnp.float32),
            pltpu.VMEM((1, C), jnp.int32),
            pltpu.VMEM((C,), jnp.int32),
            pltpu.VMEM((C, NHF), jnp.float32),
            pltpu.VMEM((C, NHF), jnp.float32),
            pltpu.SemaphoreType.DMA,
        ],
    )
    def msg_kernel(xf_hbm, wij_hbm, row_hbm, col_hbm, out_hbm,
                   acc, rowv, colv, gath, wv, sem):
        cid = lax.axis_index("c")
        sid = lax.axis_index("s")
        wid = cid * 16 + sid

        def zbody(i, carry):
            for k in range(NHF // 16):
                wv[i, pl.ds(k * 16, 16)] = jnp.zeros((16,), jnp.float32)
            return carry

        lax.fori_loop(0, C, zbody, 0)
        r0 = pl.multiple_of(sid * RPT, 128)
        for j in range(RPT // C):
            pltpu.sync_copy(wv, acc.at[pl.ds(r0 + j * C, C)])
        plsc.subcore_barrier()

        def chunk(j, carry):
            base = pl.multiple_of((j * NW + wid) * C, 8)
            pltpu.sync_copy(row_hbm.at[pl.ds(base, C)], rowv.at[0])
            pltpu.sync_copy(col_hbm.at[pl.ds(base, C)], colv)
            pltpu.async_copy(xf_hbm.at[colv], gath, sem).wait()
            pltpu.sync_copy(wij_hbm.at[pl.ds(base, C)], wv)

            def mbody(r, mc):
                for k in range(NHF // 16):
                    sl = pl.ds(k * 16, 16)
                    gath[r, sl] = gath[r, sl] * wv[r, sl]
                return mc

            lax.fori_loop(0, C, mbody, 0)
            pltpu.sync_copy(gath, acc.at[rowv.at[0]], add=True)
            return carry

        lax.fori_loop(0, NCH, chunk, 0)
        plsc.subcore_barrier()

        for j in range(RPT // C):
            pltpu.sync_copy(acc.at[pl.ds(r0 + j * C, C)],
                            out_hbm.at[cid, pl.ds(r0 + j * C, C)])

    return msg_kernel


_dist = _make_dist()
_message = _make_message()


BN = 1000
BE = 2048


def _emb_body(z_ref, emb_ref, w0_ref, h_ref, xf_ref):
    z = z_ref[...]
    iot = lax.broadcasted_iota(jnp.int32, (BN, 128), 1)
    onehot = (iot == z).astype(jnp.float32)
    h = jnp.dot(onehot, emb_ref[...], preferred_element_type=jnp.float32)
    h_ref[...] = h
    xf_ref[...] = jnp.dot(h, w0_ref[...], preferred_element_type=jnp.float32)


def _emb_in2f(z2, embp, w0):
    return pl.pallas_call(
        _emb_body,
        grid=(N // BN,),
        in_specs=[
            pl.BlockSpec((BN, 1), lambda i: (i, 0)),
            pl.BlockSpec((128, NHF), lambda i: (0, 0)),
            pl.BlockSpec((NHF, NHF), lambda i: (0, 0)),
        ],
        out_specs=[
            pl.BlockSpec((BN, NHF), lambda i: (i, 0)),
            pl.BlockSpec((BN, NHF), lambda i: (i, 0)),
        ],
        out_shape=[
            jax.ShapeDtypeStruct((N, NHF), jnp.float32),
            jax.ShapeDtypeStruct((N, NHF), jnp.float32),
        ],
    )(z2, embp, w0)


ED = EALLOC // 128


def _prep_body(d2_ref, em_ref, d_out, cut_out):
    d = jnp.sqrt(d2_ref[...])
    cut = 0.5 * (jnp.cos(d * (jnp.pi / CUTOFF)) + 1.0)
    cut = cut * (d < CUTOFF).astype(jnp.float32) * em_ref[...]
    d_out[...] = d
    cut_out[...] = cut


def _prep(d2d, emd):
    return pl.pallas_call(
        _prep_body,
        grid=(4,),
        in_specs=[
            pl.BlockSpec((ED // 4, 128), lambda i: (i, 0)),
            pl.BlockSpec((ED // 4, 128), lambda i: (i, 0)),
        ],
        out_specs=[
            pl.BlockSpec((ED // 4, 128), lambda i: (i, 0)),
            pl.BlockSpec((ED // 4, 128), lambda i: (i, 0)),
        ],
        out_shape=[
            jax.ShapeDtypeStruct((ED, 128), jnp.float32),
            jax.ShapeDtypeStruct((ED, 128), jnp.float32),
        ],
    )(d2d, emd)


def _filter_body(d_ref, cut_ref, wf1_ref, bf1_ref, wf2_ref, bf2_ref, wij_ref):
    d = d_ref[...]
    offs = lax.broadcasted_iota(jnp.int32, (BE, NRP), 1).astype(jnp.float32) * _W
    rbf = jnp.exp(_COEF * (d - offs) ** 2)
    g = _ssp(jnp.dot(rbf, wf1_ref[...], preferred_element_type=jnp.float32)
             + bf1_ref[...])
    w = jnp.dot(g, wf2_ref[...], preferred_element_type=jnp.float32) + bf2_ref[...]
    wij_ref[...] = w * cut_ref[...]


def _filter(d, cut, wf1p, bf1, wf2, bf2):
    return pl.pallas_call(
        _filter_body,
        grid=(EALLOC // BE,),
        in_specs=[
            pl.BlockSpec((BE, 1), lambda i: (i, 0)),
            pl.BlockSpec((BE, 1), lambda i: (i, 0)),
            pl.BlockSpec((NRP, NHF), lambda i: (0, 0)),
            pl.BlockSpec((1, NHF), lambda i: (0, 0)),
            pl.BlockSpec((NHF, NHF), lambda i: (0, 0)),
            pl.BlockSpec((1, NHF), lambda i: (0, 0)),
        ],
        out_specs=pl.BlockSpec((BE, NHF), lambda i: (i, 0)),
        out_shape=jax.ShapeDtypeStruct((EALLOC, NHF), jnp.float32),
    )(d, cut, wf1p, bf1, wf2, bf2)


def _agg_body(ms_ref, h_ref, wo1_ref, bo1_ref, wo2_ref, bo2_ref, wn_ref,
              h_out, xf_out):
    m = ms_ref[0] + ms_ref[1]
    t = _ssp(jnp.dot(m, wo1_ref[...], preferred_element_type=jnp.float32)
             + bo1_ref[...])
    m2 = jnp.dot(t, wo2_ref[...], preferred_element_type=jnp.float32) + bo2_ref[...]
    hn = h_ref[...] + m2
    h_out[...] = hn
    xf_out[...] = jnp.dot(hn, wn_ref[...], preferred_element_type=jnp.float32)


def _agg(ms, h, wo1, bo1, wo2, bo2, wnext):
    return pl.pallas_call(
        _agg_body,
        grid=(N // BN,),
        in_specs=[
            pl.BlockSpec((2, BN, NHF), lambda i: (0, i, 0)),
            pl.BlockSpec((BN, NHF), lambda i: (i, 0)),
            pl.BlockSpec((NHF, NHF), lambda i: (0, 0)),
            pl.BlockSpec((1, NHF), lambda i: (0, 0)),
            pl.BlockSpec((NHF, NHF), lambda i: (0, 0)),
            pl.BlockSpec((1, NHF), lambda i: (0, 0)),
            pl.BlockSpec((NHF, NHF), lambda i: (0, 0)),
        ],
        out_specs=[
            pl.BlockSpec((BN, NHF), lambda i: (i, 0)),
            pl.BlockSpec((BN, NHF), lambda i: (i, 0)),
        ],
        out_shape=[
            jax.ShapeDtypeStruct((N, NHF), jnp.float32),
            jax.ShapeDtypeStruct((N, NHF), jnp.float32),
        ],
    )(ms, h, wo1, bo1, wo2, bo2, wnext)


def _agg_pool_body(ms_ref, h_ref, wo1_ref, bo1_ref, wo2_ref, bo2_ref,
                   am_ref, hs_out):
    m = ms_ref[0] + ms_ref[1]
    t = _ssp(jnp.dot(m, wo1_ref[...], preferred_element_type=jnp.float32)
             + bo1_ref[...])
    m2 = jnp.dot(t, wo2_ref[...], preferred_element_type=jnp.float32) + bo2_ref[...]
    hn = (h_ref[...] + m2) * am_ref[...]
    blk = jnp.sum(hn, axis=0, keepdims=True)
    i = pl.program_id(0)

    @pl.when(i == 0)
    def _():
        hs_out[...] = blk

    @pl.when(i > 0)
    def _():
        hs_out[...] += blk


def _agg_pool(ms, h, wo1, bo1, wo2, bo2, amask):
    return pl.pallas_call(
        _agg_pool_body,
        grid=(N // BN,),
        in_specs=[
            pl.BlockSpec((2, BN, NHF), lambda i: (0, i, 0)),
            pl.BlockSpec((BN, NHF), lambda i: (i, 0)),
            pl.BlockSpec((NHF, NHF), lambda i: (0, 0)),
            pl.BlockSpec((1, NHF), lambda i: (0, 0)),
            pl.BlockSpec((NHF, NHF), lambda i: (0, 0)),
            pl.BlockSpec((1, NHF), lambda i: (0, 0)),
            pl.BlockSpec((BN, 1), lambda i: (i, 0)),
        ],
        out_specs=pl.BlockSpec((1, NHF), lambda i: (0, 0)),
        out_shape=jax.ShapeDtypeStruct((1, NHF), jnp.float32),
    )(ms, h, wo1, bo1, wo2, bo2, amask)


def _decoder_body(hs_ref, nn_ref, w1_ref, b1_ref, w2_ref, b2_ref, p_out):
    x = hs_ref[...] + float(N) * nn_ref[...]
    t = _ssp(jnp.dot(x, w1_ref[...], preferred_element_type=jnp.float32)
             + b1_ref[...])
    p_out[...] = jnp.dot(t, w2_ref[...], preferred_element_type=jnp.float32) \
        + b2_ref[...]


def _decoder(hs, nn, w1, b1, w2, b2):
    return pl.pallas_call(
        _decoder_body,
        grid=(1,),
        in_specs=[
            pl.BlockSpec((1, NHF), lambda i: (0, 0)),
            pl.BlockSpec((1, 1), lambda i: (0, 0)),
            pl.BlockSpec((NHF, NHF // 2), lambda i: (0, 0)),
            pl.BlockSpec((1, NHF // 2), lambda i: (0, 0)),
            pl.BlockSpec((NHF // 2, 1), lambda i: (0, 0)),
            pl.BlockSpec((1, 1), lambda i: (0, 0)),
        ],
        out_specs=pl.BlockSpec((1, 1), lambda i: (0, 0)),
        out_shape=jax.ShapeDtypeStruct((1, 1), jnp.float32),
    )(hs, nn, w1, b1, w2, b2)


def kernel(z, coord, edge_index, n_nodes, atom_mask, edge_mask, dummy1,
           dummy2, embedding, layers, decoder):
    row = edge_index[0].astype(jnp.int32)
    col = edge_index[1].astype(jnp.int32)
    c3 = coord.T.astype(jnp.float32)

    d2 = _dist(c3[0], c3[1], c3[2], row, col)
    npe = EALLOC - E
    rowp = jnp.concatenate([row, jnp.full((npe,), NPAD - 1, jnp.int32)])
    colp = jnp.concatenate([col, jnp.zeros((npe,), jnp.int32)])
    d2p = jnp.concatenate([d2, jnp.full((npe,), 1e9, jnp.float32)])
    emaskp = jnp.concatenate([edge_mask,
                              jnp.zeros((npe, 1), jnp.float32)], axis=0)
    dd, cutd = _prep(d2p.reshape(ED, 128), emaskp.reshape(ED, 128))
    dcol = dd.reshape(EALLOC, 1)
    cutcol = cutd.reshape(EALLOC, 1)

    embp = jnp.zeros((128, NHF), jnp.float32).at[:embedding.shape[0]].set(embedding)
    z2 = z.astype(jnp.int32).reshape(N, 1)
    h, xf = _emb_in2f(z2, embp, layers[0]['W_in2f'])

    delta = (jnp.asarray(n_nodes, jnp.float32) - float(N)).reshape(1, 1)

    hs = None
    for li in range(len(layers)):
        p = layers[li]
        wf1p = jnp.zeros((NRP, NHF), jnp.float32).at[:NRBF].set(p['Wf1'])
        wij = _filter(dcol, cutcol, wf1p, p['bf1'].reshape(1, NHF),
                      p['Wf2'], p['bf2'].reshape(1, NHF))
        ms = _message(xf, wij, rowp, colp)
        if li + 1 < len(layers):
            h, xf = _agg(ms, h, p['Wo1'], p['bo1'].reshape(1, NHF),
                         p['Wo2'], p['bo2'].reshape(1, NHF),
                         layers[li + 1]['W_in2f'])
        else:
            hs = _agg_pool(ms, h, p['Wo1'], p['bo1'].reshape(1, NHF),
                           p['Wo2'], p['bo2'].reshape(1, NHF), atom_mask)
    pred = _decoder(hs, delta, decoder['W1'],
                    decoder['b1'].reshape(1, NHF // 2), decoder['W2'],
                    decoder['b2'].reshape(1, 1))
    return pred.reshape(1)

# --- scband reference (transcript-rebuilt; emitter-appended) ---
"""Pipeline reference for scband-sch-net-61924838474466 (READ-ONLY COPY).

The authoritative reference and input builder live on the scoring server;
editing this copy changes nothing except your own understanding.
"""

import jax, jax.numpy as jnp
import numpy as np

N = 10000
E = 320000
NHF = 128
NRBF = 50
CUTOFF = 5.0
NINT = 3
MAXZ = 100


def ssp(x):
    # shifted softplus: softplus(x) - log(2)
    return jnp.logaddexp(x, 0.0) - jnp.log(2.0)


def setup_inputs(seed: int = 0) -> dict:
    key = jax.random.key(seed)
    ks = jax.random.split(key, 64)
    z = jax.random.randint(ks[0], (N,), 0, MAXZ)
    coord = jax.random.normal(ks[1], (N, 3), dtype=jnp.float32)
    edge_index = jax.random.randint(ks[2], (2, E), 0, N)
    atom_mask = jnp.ones((N, 1), dtype=jnp.float32)
    edge_mask = jnp.ones((E, 1), dtype=jnp.float32)
    embedding = jax.random.normal(ks[3], (MAXZ, NHF), dtype=jnp.float32) * 0.05
    embedding = embedding.at[0].set(0.0)  # padding_idx=0
    layers = []
    ki = 4
    for li in range(NINT):
        p = {
            'W_in2f': jax.random.normal(ks[ki + 0], (NHF, NHF), dtype=jnp.float32) * 0.05,
            'Wf1': jax.random.normal(ks[ki + 1], (NRBF, NHF), dtype=jnp.float32) * 0.05,
            'bf1': jnp.zeros((NHF,), dtype=jnp.float32),
            'Wf2': jax.random.normal(ks[ki + 2], (NHF, NHF), dtype=jnp.float32) * 0.05,
            'bf2': jnp.zeros((NHF,), dtype=jnp.float32),
            'Wo1': jax.random.normal(ks[ki + 3], (NHF, NHF), dtype=jnp.float32) * 0.05,
            'bo1': jnp.zeros((NHF,), dtype=jnp.float32),
            'Wo2': jax.random.normal(ks[ki + 4], (NHF, NHF), dtype=jnp.float32) * 0.05,
            'bo2': jnp.zeros((NHF,), dtype=jnp.float32),
        }
        layers.append(p)
        ki += 5
    decoder = {
        'W1': jax.random.normal(ks[ki + 0], (NHF, NHF // 2), dtype=jnp.float32) * 0.05,
        'b1': jnp.zeros((NHF // 2,), dtype=jnp.float32),
        'W2': jax.random.normal(ks[ki + 1], (NHF // 2, 1), dtype=jnp.float32) * 0.05,
        'b2': jnp.zeros((1,), dtype=jnp.float32),
    }
    return {
        'z': z, 'coord': coord, 'edge_index': edge_index, 'n_nodes': N,
        'atom_mask': atom_mask, 'edge_mask': edge_mask,
        'dummy1': jnp.zeros((1,), dtype=jnp.float32), 'dummy2': jnp.zeros((1,), dtype=jnp.float32),
        'embedding': embedding, 'layers': layers, 'decoder': decoder,
    }


def reference(z, coord, edge_index, n_nodes, atom_mask, edge_mask, dummy1, dummy2, embedding, layers, decoder):
    row = edge_index[0]
    col = edge_index[1]
    # getDistances
    coord_diff = coord[row] - coord[col]
    radial = jnp.linalg.norm(coord_diff, axis=1)[:, None]  # [E,1]
    # embedding lookup
    h = embedding[z]  # [N, NHF]
    # GaussianRBF
    offsets = jnp.linspace(0.0, CUTOFF, NRBF)
    width = offsets[1] - offsets[0]
    coeff = -0.5 / (width ** 2)
    d = radial[:, 0]
    rbf = jnp.exp(coeff * (d[:, None] - offsets[None, :]) ** 2)  # [E, NRBF]
    rbf = rbf * edge_mask
    # CosineCutoff
    dist_cut = 0.5 * (jnp.cos(radial * jnp.pi / CUTOFF) + 1.0)
    dist_cut = dist_cut * (radial < CUTOFF).astype(radial.dtype)
    dist_cut = dist_cut * edge_mask  # [E,1]
    # interaction layers
    for p in layers:
        xf = h @ p['W_in2f']  # in2f, no bias
        Wij = ssp(rbf @ p['Wf1'] + p['bf1']) @ p['Wf2'] + p['bf2']  # filter_network
        Wij = Wij * dist_cut
        x_j = xf[col]          # gather neighbors
        x_ij = x_j * Wij
        m = jax.ops.segment_sum(x_ij, row, num_segments=h.shape[0])  # scatter-add
        m = ssp(m @ p['Wo1'] + p['bo1']) @ p['Wo2'] + p['bo2']       # f2out
        h = h + m
    h = h * atom_mask
    n_nodes_static = h.shape[0]
    h = h + (jnp.asarray(n_nodes) - n_nodes_static).astype(h.dtype)
    h = h.reshape(-1, n_nodes_static, NHF)
    h = jnp.sum(h, axis=1)
    pred = ssp(h @ decoder['W1'] + decoder['b1']) @ decoder['W2'] + decoder['b2']
    return pred[:, 0]

if __name__ == "__main__":
    import jax
    _d = setup_inputs()
    print(jax.jit(kernel)(*tuple(_d.values())))

</pallas_src>

<mosaic_0001>
#map = affine_map<(d0, d1) -> (0, 0)>
#map1 = affine_map<(d0, d1) -> (0)>
#map2 = affine_map<(d0, d1) -> (0, 0, 0)>
module attributes {stable_mosaic.version = 14 : i64} {
  func.func @msg_kernel(%arg0: i32, %arg1: i32, %arg2: memref<10000x128xf32, #tpu.memory_space<hbm>>, %arg3: memref<344064x128xf32, #tpu.memory_space<hbm>>, %arg4: memref<344064xi32, #tpu.memory_space<hbm>>, %arg5: memref<344064xi32, #tpu.memory_space<hbm>>, %arg6: memref<2x10240x128xf32, #tpu.memory_space<hbm>>, %arg7: memref<10240x128xf32, #tpu.memory_space<vmem_shared>>, %arg8: memref<1x128xi32, #tpu.memory_space<vmem>>, %arg9: memref<128xi32, #tpu.memory_space<vmem>>, %arg10: memref<128x128xf32, #tpu.memory_space<vmem>>, %arg11: memref<128x128xf32, #tpu.memory_space<vmem>>, %arg12: memref<!tpu.dma_semaphore, #tpu.memory_space<semaphore_mem>>) attributes {dimension_semantics = [#tpu.dimension_semantics<core_parallel>, #tpu.dimension_semantics<subcore_parallel>], iteration_bounds = array<i64: 2, 16>, scalar_prefetch = 0 : i64, scratch_operands = 6 : i64, tpu.core_type = #tpu.core_type<sc_vector_subcore>, window_params = [{transform_indices = #map}, {transform_indices = #map}, {transform_indices = #map1}, {transform_indices = #map1}, {transform_indices = #map2}]} {
    %mul3A = arith.constant 16 : i32
    %mul3A_0 = arith.muli %arg0, %mul3A : i32
    %add3A = arith.addi %mul3A_0, %arg1 : i32
    %scan3A = arith.constant 0 : i32
    %scan3A_1 = arith.constant 0 : i32
    %scan3A_2 = arith.constant 128 : i32
    %scan3A_3 = arith.addi %scan3A_1, %scan3A_2 : i32
    %scan3A_4 = arith.constant 1 : i32
    scf.for %scan3A_45 = %scan3A_1 to %scan3A_3 step %scan3A_4  : i32 {
      %broadcast_in_dim3A = arith.constant 0.000000e+00 : f32
      %broadcast_in_dim3A_46 = vector.broadcast %broadcast_in_dim3A : f32 to vector<16xf32>
      %swap3A = arith.index_cast %scan3A_45 : i32 to index
      %swap3A_47 = arith.constant 0 : index
      %swap3A_48 = tpu.vector_load %arg11[%swap3A, %swap3A_47] {strides = array<i32>} : memref<128x128xf32, #tpu.memory_space<vmem>>, vector<16xf32>,
      tpu.vector_store %arg11[%swap3A, %swap3A_47], %broadcast_in_dim3A_46 {strides = array<i32>} : memref<128x128xf32, #tpu.memory_space<vmem>>, vector<16xf32>,
      %broadcast_in_dim3A_49 = arith.constant 0.000000e+00 : f32
      %broadcast_in_dim3A_50 = vector.broadcast %broadcast_in_dim3A_49 : f32 to vector<16xf32>
      %swap3A_51 = arith.index_cast %scan3A_45 : i32 to index
      %swap3A_52 = arith.constant 16 : index
      %swap3A_53 = tpu.vector_load %arg11[%swap3A_51, %swap3A_52] {strides = array<i32>} : memref<128x128xf32, #tpu.memory_space<vmem>>, vector<16xf32>,
      tpu.vector_store %arg11[%swap3A_51, %swap3A_52], %broadcast_in_dim3A_50 {strides = array<i32>} : memref<128x128xf32, #tpu.memory_space<vmem>>, vector<16xf32>,
      %broadcast_in_dim3A_54 = arith.constant 0.000000e+00 : f32
      %broadcast_in_dim3A_55 = vector.broadcast %broadcast_in_dim3A_54 : f32 to vector<16xf32>
      %swap3A_56 = arith.index_cast %scan3A_45 : i32 to index
      %swap3A_57 = arith.constant 32 : index
      %swap3A_58 = tpu.vector_load %arg11[%swap3A_56, %swap3A_57] {strides = array<i32>} : memref<128x128xf32, #tpu.memory_space<vmem>>, vector<16xf32>,
      tpu.vector_store %arg11[%swap3A_56, %swap3A_57], %broadcast_in_dim3A_55 {strides = array<i32>} : memref<128x128xf32, #tpu.memory_space<vmem>>, vector<16xf32>,
      %broadcast_in_dim3A_59 = arith.constant 0.000000e+00 : f32
      %broadcast_in_dim3A_60 = vector.broadcast %broadcast_in_dim3A_59 : f32 to vector<16xf32>
      %swap3A_61 = arith.index_cast %scan3A_45 : i32 to index
      %swap3A_62 = arith.constant 48 : index
      %swap3A_63 = tpu.vector_load %arg11[%swap3A_61, %swap3A_62] {strides = array<i32>} : memref<128x128xf32, #tpu.memory_space<vmem>>, vector<16xf32>,
      tpu.vector_store %arg11[%swap3A_61, %swap3A_62], %broadcast_in_dim3A_60 {strides = array<i32>} : memref<128x128xf32, #tpu.memory_space<vmem>>, vector<16xf32>,
      %broadcast_in_dim3A_64 = arith.constant 0.000000e+00 : f32
      %broadcast_in_dim3A_65 = vector.broadcast %broadcast_in_dim3A_64 : f32 to vector<16xf32>
      %swap3A_66 = arith.index_cast %scan3A_45 : i32 to index
      %swap3A_67 = arith.constant 64 : index
      %swap3A_68 = tpu.vector_load %arg11[%swap3A_66, %swap3A_67] {strides = array<i32>} : memref<128x128xf32, #tpu.memory_space<vmem>>, vector<16xf32>,
      tpu.vector_store %arg11[%swap3A_66, %swap3A_67], %broadcast_in_dim3A_65 {strides = array<i32>} : memref<128x128xf32, #tpu.memory_space<vmem>>, vector<16xf32>,
      %broadcast_in_dim3A_69 = arith.constant 0.000000e+00 : f32
      %broadcast_in_dim3A_70 = vector.broadcast %broadcast_in_dim3A_69 : f32 to vector<16xf32>
      %swap3A_71 = arith.index_cast %scan3A_45 : i32 to index
      %swap3A_72 = arith.constant 80 : index
      %swap3A_73 = tpu.vector_load %arg11[%swap3A_71, %swap3A_72] {strides = array<i32>} : memref<128x128xf32, #tpu.memory_space<vmem>>, vector<16xf32>,
      tpu.vector_store %arg11[%swap3A_71, %swap3A_72], %broadcast_in_dim3A_70 {strides = array<i32>} : memref<128x128xf32, #tpu.memory_space<vmem>>, vector<16xf32>,
      %broadcast_in_dim3A_74 = arith.constant 0.000000e+00 : f32
      %broadcast_in_dim3A_75 = vector.broadcast %broadcast_in_dim3A_74 : f32 to vector<16xf32>
      %swap3A_76 = arith.index_cast %scan3A_45 : i32 to index
      %swap3A_77 = arith.constant 96 : index
      %swap3A_78 = tpu.vector_load %arg11[%swap3A_76, %swap3A_77] {strides = array<i32>} : memref<128x128xf32, #tpu.memory_space<vmem>>, vector<16xf32>,
      tpu.vector_store %arg11[%swap3A_76, %swap3A_77], %broadcast_in_dim3A_75 {strides = array<i32>} : memref<128x128xf32, #tpu.memory_space<vmem>>, vector<16xf32>,
      %broadcast_in_dim3A_79 = arith.constant 0.000000e+00 : f32
      %broadcast_in_dim3A_80 = vector.broadcast %broadcast_in_dim3A_79 : f32 to vector<16xf32>
      %swap3A_81 = arith.index_cast %scan3A_45 : i32 to index
      %swap3A_82 = arith.constant 112 : index
      %swap3A_83 = tpu.vector_load %arg11[%swap3A_81, %swap3A_82] {strides = array<i32>} : memref<128x128xf32, #tpu.memory_space<vmem>>, vector<16xf32>,
      tpu.vector_store %arg11[%swap3A_81, %swap3A_82], %broadcast_in_dim3A_80 {strides = array<i32>} : memref<128x128xf32, #tpu.memory_space<vmem>>, vector<16xf32>,
    }
    %scan3A_5 = arith.constant 128 : i32
    %mul3A_6 = arith.constant 640 : i32
    %mul3A_7 = arith.muli %arg1, %mul3A_6 : i32
    %multiple_of3A = tpu.assume_multiple %mul3A_7, 128 : i32
    %add3A_8 = arith.constant 0 : i32
    %add3A_9 = arith.addi %multiple_of3A, %add3A_8 : i32
    "tpu.region"() ({
      %run_scoped3A = tpu.sem_alloc : memref<!tpu.dma_semaphore, #tpu.memory_space<semaphore_mem>>
      %dma_start3A = arith.constant 0 : i32
      %dma_start3A_45 = tpu.memref_slice %arg7[%add3A_9, %dma_start3A] : memref<10240x128xf32, #tpu.memory_space<vmem_shared>> -> memref<128x128xf32, #tpu.memory_space<vmem_shared>>
      %dma_start3A_46 = arith.constant 0 : i32
      %dma_start3A_47 = tpu.memref_slice %arg7[%add3A_9, %dma_start3A_46] : memref<10240x128xf32, #tpu.memory_space<vmem_shared>> -> memref<128x128xf32, #tpu.memory_space<vmem_shared>>
      tpu.enqueue_dma source(%arg11 : memref<128x128xf32, #tpu.memory_space<vmem>>) target(%dma_start3A_47 : memref<128x128xf32, #tpu.memory_space<vmem_shared>>) target_semaphore(%run_scoped3A : memref<!tpu.dma_semaphore, #tpu.memory_space<semaphore_mem>>)
      %dma_wait3A = arith.constant 0 : i32
      %dma_wait3A_48 = tpu.memref_slice %arg7[%add3A_9, %dma_wait3A] : memref<10240x128xf32, #tpu.memory_space<vmem_shared>> -> memref<128x128xf32, #tpu.memory_space<vmem_shared>>
      %dma_wait3A_49 = arith.constant 0 : i32
      %dma_wait3A_50 = tpu.memref_slice %arg7[%add3A_9, %dma_wait3A_49] : memref<10240x128xf32, #tpu.memory_space<vmem_shared>> -> memref<128x128xf32, #tpu.memory_space<vmem_shared>>
      tpu.wait_dma2 semaphore(%run_scoped3A : memref<!tpu.dma_semaphore, #tpu.memory_space<semaphore_mem>>) src(%arg11 : memref<128x128xf32, #tpu.memory_space<vmem>>) dst(%dma_wait3A_50 : memref<128x128xf32, #tpu.memory_space<vmem_shared>>)
      tpu.yield
    }) : () -> ()
    %add3A_10 = arith.constant 128 : i32
    %add3A_11 = arith.addi %multiple_of3A, %add3A_10 : i32
    "tpu.region"() ({
      %run_scoped3A = tpu.sem_alloc : memref<!tpu.dma_semaphore, #tpu.memory_space<semaphore_mem>>
      %dma_start3A = arith.constant 0 : i32
      %dma_start3A_45 = tpu.memref_slice %arg7[%add3A_11, %dma_start3A] : memref<10240x128xf32, #tpu.memory_space<vmem_shared>> -> memref<128x128xf32, #tpu.memory_space<vmem_shared>>
      %dma_start3A_46 = arith.constant 0 : i32
      %dma_start3A_47 = tpu.memref_slice %arg7[%add3A_11, %dma_start3A_46] : memref<10240x128xf32, #tpu.memory_space<vmem_shared>> -> memref<128x128xf32, #tpu.memory_space<vmem_shared>>
      tpu.enqueue_dma source(%arg11 : memref<128x128xf32, #tpu.memory_space<vmem>>) target(%dma_start3A_47 : memref<128x128xf32, #tpu.memory_space<vmem_shared>>) target_semaphore(%run_scoped3A : memref<!tpu.dma_semaphore, #tpu.memory_space<semaphore_mem>>)
      %dma_wait3A = arith.constant 0 : i32
      %dma_wait3A_48 = tpu.memref_slice %arg7[%add3A_11, %dma_wait3A] : memref<10240x128xf32, #tpu.memory_space<vmem_shared>> -> memref<128x128xf32, #tpu.memory_space<vmem_shared>>
      %dma_wait3A_49 = arith.constant 0 : i32
      %dma_wait3A_50 = tpu.memref_slice %arg7[%add3A_11, %dma_wait3A_49] : memref<10240x128xf32, #tpu.memory_space<vmem_shared>> -> memref<128x128xf32, #tpu.memory_space<vmem_shared>>
      tpu.wait_dma2 semaphore(%run_scoped3A : memref<!tpu.dma_semaphore, #tpu.memory_space<semaphore_mem>>) src(%arg11 : memref<128x128xf32, #tpu.memory_space<vmem>>) dst(%dma_wait3A_50 : memref<128x128xf32, #tpu.memory_space<vmem_shared>>)
      tpu.yield
    }) : () -> ()
    %add3A_12 = arith.constant 256 : i32
    %add3A_13 = arith.addi %multiple_of3A, %add3A_12 : i32
    "tpu.region"() ({
      %run_scoped3A = tpu.sem_alloc : memref<!tpu.dma_semaphore, #tpu.memory_space<semaphore_mem>>
      %dma_start3A = arith.constant 0 : i32
      %dma_start3A_45 = tpu.memref_slice %arg7[%add3A_13, %dma_start3A] : memref<10240x128xf32, #tpu.memory_space<vmem_shared>> -> memref<128x128xf32, #tpu.memory_space<vmem_shared>>
      %dma_start3A_46 = arith.constant 0 : i32
      %dma_start3A_47 = tpu.memref_slice %arg7[%add3A_13, %dma_start3A_46] : memref<10240x128xf32, #tpu.memory_space<vmem_shared>> -> memref<128x128xf32, #tpu.memory_space<vmem_shared>>
      tpu.enqueue_dma source(%arg11 : memref<128x128xf32, #tpu.memory_space<vmem>>) target(%dma_start3A_47 : memref<128x128xf32, #tpu.memory_space<vmem_shared>>) target_semaphore(%run_scoped3A : memref<!tpu.dma_semaphore, #tpu.memory_space<semaphore_mem>>)
      %dma_wait3A = arith.constant 0 : i32
      %dma_wait3A_48 = tpu.memref_slice %arg7[%add3A_13, %dma_wait3A] : memref<10240x128xf32, #tpu.memory_space<vmem_shared>> -> memref<128x128xf32, #tpu.memory_space<vmem_shared>>
      %dma_wait3A_49 = arith.constant 0 : i32
      %dma_wait3A_50 = tpu.memref_slice %arg7[%add3A_13, %dma_wait3A_49] : memref<10240x128xf32, #tpu.memory_space<vmem_shared>> -> memref<128x128xf32, #tpu.memory_space<vmem_shared>>
      tpu.wait_dma2 semaphore(%run_scoped3A : memref<!tpu.dma_semaphore, #tpu.memory_space<semaphore_mem>>) src(%arg11 : memref<128x128xf32, #tpu.memory_space<vmem>>) dst(%dma_wait3A_50 : memref<128x128xf32, #tpu.memory_space<vmem_shared>>)
      tpu.yield
    }) : () -> ()
    %add3A_14 = arith.constant 384 : i32
    %add3A_15 = arith.addi %multiple_of3A, %add3A_14 : i32
    "tpu.region"() ({
      %run_scoped3A = tpu.sem_alloc : memref<!tpu.dma_semaphore, #tpu.memory_space<semaphore_mem>>
      %dma_start3A = arith.constant 0 : i32
      %dma_start3A_45 = tpu.memref_slice %arg7[%add3A_15, %dma_start3A] : memref<10240x128xf32, #tpu.memory_space<vmem_shared>> -> memref<128x128xf32, #tpu.memory_space<vmem_shared>>
      %dma_start3A_46 = arith.constant 0 : i32
      %dma_start3A_47 = tpu.memref_slice %arg7[%add3A_15, %dma_start3A_46] : memref<10240x128xf32, #tpu.memory_space<vmem_shared>> -> memref<128x128xf32, #tpu.memory_space<vmem_shared>>
      tpu.enqueue_dma source(%arg11 : memref<128x128xf32, #tpu.memory_space<vmem>>) target(%dma_start3A_47 : memref<128x128xf32, #tpu.memory_space<vmem_shared>>) target_semaphore(%run_scoped3A : memref<!tpu.dma_semaphore, #tpu.memory_space<semaphore_mem>>)
      %dma_wait3A = arith.constant 0 : i32
      %dma_wait3A_48 = tpu.memref_slice %arg7[%add3A_15, %dma_wait3A] : memref<10240x128xf32, #tpu.memory_space<vmem_shared>> -> memref<128x128xf32, #tpu.memory_space<vmem_shared>>
      %dma_wait3A_49 = arith.constant 0 : i32
      %dma_wait3A_50 = tpu.memref_slice %arg7[%add3A_15, %dma_wait3A_49] : memref<10240x128xf32, #tpu.memory_space<vmem_shared>> -> memref<128x128xf32, #tpu.memory_space<vmem_shared>>
      tpu.wait_dma2 semaphore(%run_scoped3A : memref<!tpu.dma_semaphore, #tpu.memory_space<semaphore_mem>>) src(%arg11 : memref<128x128xf32, #tpu.memory_space<vmem>>) dst(%dma_wait3A_50 : memref<128x128xf32, #tpu.memory_space<vmem_shared>>)
      tpu.yield
    }) : () -> ()
    %add3A_16 = arith.constant 512 : i32
    %add3A_17 = arith.addi %multiple_of3A, %add3A_16 : i32
    "tpu.region"() ({
      %run_scoped3A = tpu.sem_alloc : memref<!tpu.dma_semaphore, #tpu.memory_space<semaphore_mem>>
      %dma_start3A = arith.constant 0 : i32
      %dma_start3A_45 = tpu.memref_slice %arg7[%add3A_17, %dma_start3A] : memref<10240x128xf32, #tpu.memory_space<vmem_shared>> -> memref<128x128xf32, #tpu.memory_space<vmem_shared>>
      %dma_start3A_46 = arith.constant 0 : i32
      %dma_start3A_47 = tpu.memref_slice %arg7[%add3A_17, %dma_start3A_46] : memref<10240x128xf32, #tpu.memory_space<vmem_shared>> -> memref<128x128xf32, #tpu.memory_space<vmem_shared>>
      tpu.enqueue_dma source(%arg11 : memref<128x128xf32, #tpu.memory_space<vmem>>) target(%dma_start3A_47 : memref<128x128xf32, #tpu.memory_space<vmem_shared>>) target_semaphore(%run_scoped3A : memref<!tpu.dma_semaphore, #tpu.memory_space<semaphore_mem>>)
      %dma_wait3A = arith.constant 0 : i32
      %dma_wait3A_48 = tpu.memref_slice %arg7[%add3A_17, %dma_wait3A] : memref<10240x128xf32, #tpu.memory_space<vmem_shared>> -> memref<128x128xf32, #tpu.memory_space<vmem_shared>>
      %dma_wait3A_49 = arith.constant 0 : i32
      %dma_wait3A_50 = tpu.memref_slice %arg7[%add3A_17, %dma_wait3A_49] : memref<10240x128xf32, #tpu.memory_space<vmem_shared>> -> memref<128x128xf32, #tpu.memory_space<vmem_shared>>
      tpu.wait_dma2 semaphore(%run_scoped3A : memref<!tpu.dma_semaphore, #tpu.memory_space<semaphore_mem>>) src(%arg11 : memref<128x128xf32, #tpu.memory_space<vmem>>) dst(%dma_wait3A_50 : memref<128x128xf32, #tpu.memory_space<vmem_shared>>)
      tpu.yield
    }) : () -> ()
    %barrier3A = arith.constant 0 : index
    tpu.barrier barrier_id(%barrier3A)
    %scan3A_18 = arith.constant 0 : i32
    %scan3A_19 = arith.constant 0 : i32
    %scan3A_20 = arith.constant 84 : i32
    %scan3A_21 = arith.addi %scan3A_19, %scan3A_20 : i32
    %scan3A_22 = arith.constant 1 : i32
    scf.for %scan3A_45 = %scan3A_19 to %scan3A_21 step %scan3A_22  : i32 {
      %mul3A_46 = arith.constant 32 : i32
      %mul3A_47 = arith.muli %scan3A_45, %mul3A_46 : i32
      %add3A_48 = arith.addi %mul3A_47, %add3A : i32
      %mul3A_49 = arith.constant 128 : i32
      %mul3A_50 = arith.muli %add3A_48, %mul3A_49 : i32
      %multiple_of3A_51 = tpu.assume_multiple %mul3A_50, 8 : i32
      %run_scoped3A = arith.constant 0 : i32
      "tpu.region"() ({
        %run_scoped3A_63 = tpu.sem_alloc : memref<!tpu.dma_semaphore, #tpu.memory_space<semaphore_mem>>
        %dma_start3A_64 = arith.constant 0 : i32
        %dma_start3A_65 = tpu.memref_slice %arg8[%run_scoped3A, %dma_start3A_64] : memref<1x128xi32, #tpu.memory_space<vmem>> -> memref<1x128xi32, #tpu.memory_space<vmem>>
        %dma_start3A_66 = tpu.memref_squeeze %dma_start3A_65 : memref<1x128xi32, #tpu.memory_space<vmem>> -> memref<128xi32, #tpu.memory_space<vmem>>
        %dma_start3A_67 = tpu.memref_slice %arg4[%multiple_of3A_51] : memref<344064xi32, #tpu.memory_space<hbm>> -> memref<128xi32, #tpu.memory_space<hbm>>
        %dma_start3A_68 = arith.constant 0 : i32
        %dma_start3A_69 = tpu.memref_slice %arg8[%run_scoped3A, %dma_start3A_68] : memref<1x128xi32, #tpu.memory_space<vmem>> -> memref<1x128xi32, #tpu.memory_space<vmem>>
        %dma_start3A_70 = tpu.memref_squeeze %dma_start3A_69 : memref<1x128xi32, #tpu.memory_space<vmem>> -> memref<128xi32, #tpu.memory_space<vmem>>
        %dma_start3A_71 = tpu.memref_slice %arg4[%multiple_of3A_51] : memref<344064xi32, #tpu.memory_space<hbm>> -> memref<128xi32, #tpu.memory_space<hbm>>
        tpu.enqueue_dma source(%dma_start3A_71 : memref<128xi32, #tpu.memory_space<hbm>>) target(%dma_start3A_70 : memref<128xi32, #tpu.memory_space<vmem>>) target_semaphore(%run_scoped3A_63 : memref<!tpu.dma_semaphore, #tpu.memory_space<semaphore_mem>>)
        %dma_wait3A_72 = arith.constant 0 : i32
        %dma_wait3A_73 = tpu.memref_slice %arg8[%run_scoped3A, %dma_wait3A_72] : memref<1x128xi32, #tpu.memory_space<vmem>> -> memref<1x128xi32, #tpu.memory_space<vmem>>
        %dma_wait3A_74 = tpu.memref_squeeze %dma_wait3A_73 : memref<1x128xi32, #tpu.memory_space<vmem>> -> memref<128xi32, #tpu.memory_space<vmem>>
        %dma_wait3A_75 = tpu.memref_slice %arg4[%multiple_of3A_51] : memref<344064xi32, #tpu.memory_space<hbm>> -> memref<128xi32, #tpu.memory_space<hbm>>
        %dma_wait3A_76 = arith.constant 0 : i32
        %dma_wait3A_77 = tpu.memref_slice %arg8[%run_scoped3A, %dma_wait3A_76] : memref<1x128xi32, #tpu.memory_space<vmem>> -> memref<1x128xi32, #tpu.memory_space<vmem>>
        %dma_wait3A_78 = tpu.memref_squeeze %dma_wait3A_77 : memref<1x128xi32, #tpu.memory_space<vmem>> -> memref<128xi32, #tpu.memory_space<vmem>>
        %dma_wait3A_79 = tpu.memref_slice %arg4[%multiple_of3A_51] : memref<344064xi32, #tpu.memory_space<hbm>> -> memref<128xi32, #tpu.memory_space<hbm>>
        tpu.wait_dma2 semaphore(%run_scoped3A_63 : memref<!tpu.dma_semaphore, #tpu.memory_space<semaphore_mem>>) src(%dma_wait3A_79 : memref<128xi32, #tpu.memory_space<hbm>>) dst(%dma_wait3A_78 : memref<128xi32, #tpu.memory_space<vmem>>)
        tpu.yield
      }) : () -> ()
      "tpu.region"() ({
        %run_scoped3A_63 = tpu.sem_alloc : memref<!tpu.dma_semaphore, #tpu.memory_space<semaphore_mem>>
        %dma_start3A_64 = tpu.memref_slice %arg5[%multiple_of3A_51] : memref<344064xi32, #tpu.memory_space<hbm>> -> memref<128xi32, #tpu.memory_space<hbm>>
        %dma_start3A_65 = tpu.memref_slice %arg5[%multiple_of3A_51] : memref<344064xi32, #tpu.memory_space<hbm>> -> memref<128xi32, #tpu.memory_space<hbm>>
        tpu.enqueue_dma source(%dma_start3A_65 : memref<128xi32, #tpu.memory_space<hbm>>) target(%arg9 : memref<128xi32, #tpu.memory_space<vmem>>) target_semaphore(%run_scoped3A_63 : memref<!tpu.dma_semaphore, #tpu.memory_space<semaphore_mem>>)
        %dma_wait3A_66 = tpu.memref_slice %arg5[%multiple_of3A_51] : memref<344064xi32, #tpu.memory_space<hbm>> -> memref<128xi32, #tpu.memory_space<hbm>>
        %dma_wait3A_67 = tpu.memref_slice %arg5[%multiple_of3A_51] : memref<344064xi32, #tpu.memory_space<hbm>> -> memref<128xi32, #tpu.memory_space<hbm>>
        tpu.wait_dma2 semaphore(%run_scoped3A_63 : memref<!tpu.dma_semaphore, #tpu.memory_space<semaphore_mem>>) src(%dma_wait3A_67 : memref<128xi32, #tpu.memory_space<hbm>>) dst(%arg9 : memref<128xi32, #tpu.memory_space<vmem>>)
        tpu.yield
      }) : () -> ()
      %dma_start3A = arith.constant 0 : i32
      %dma_start3A_52 = arith.constant 0 : i32
      %dma_start3A_53 = tpu.memref_slice %arg2[%dma_start3A, %dma_start3A_52] : memref<10000x128xf32, #tpu.memory_space<hbm>> -> memref<10000x128xf32, #tpu.memory_space<hbm>>
      tpu.enqueue_indirect_dma source(%dma_start3A_53 : memref<10000x128xf32, #tpu.memory_space<hbm>>) target(%arg10 : memref<128x128xf32, #tpu.memory_space<vmem>>) offsets(%arg9 : memref<128xi32, #tpu.memory_space<vmem>>) semaphore(%arg12 : memref<!tpu.dma_semaphore, #tpu.memory_space<semaphore_mem>>)
      %dma_wait3A = arith.constant 0 : i32
      %dma_wait3A_54 = arith.constant 0 : i32
      %dma_wait3A_55 = tpu.memref_slice %arg2[%dma_wait3A, %dma_wait3A_54] : memref<10000x128xf32, #tpu.memory_space<hbm>> -> memref<10000x128xf32, #tpu.memory_space<hbm>>
      tpu.wait_indirect_dma semaphore(%arg12 : memref<!tpu.dma_semaphore, #tpu.memory_space<semaphore_mem>>) src(%dma_wait3A_55 : memref<10000x128xf32, #tpu.memory_space<hbm>>) dst(%arg10 : memref<128x128xf32, #tpu.memory_space<vmem>>)
      "tpu.region"() ({
        %run_scoped3A_63 = tpu.sem_alloc : memref<!tpu.dma_semaphore, #tpu.memory_space<semaphore_mem>>
        %dma_start3A_64 = arith.constant 0 : i32
        %dma_start3A_65 = tpu.memref_slice %arg3[%multiple_of3A_51, %dma_start3A_64] : memref<344064x128xf32, #tpu.memory_space<hbm>> -> memref<128x128xf32, #tpu.memory_space<hbm>>
        %dma_start3A_66 = arith.constant 0 : i32
        %dma_start3A_67 = tpu.memref_slice %arg3[%multiple_of3A_51, %dma_start3A_66] : memref<344064x128xf32, #tpu.memory_space<hbm>> -> memref<128x128xf32, #tpu.memory_space<hbm>>
        tpu.enqueue_dma source(%dma_start3A_67 : memref<128x128xf32, #tpu.memory_space<hbm>>) target(%arg11 : memref<128x128xf32, #tpu.memory_space<vmem>>) target_semaphore(%run_scoped3A_63 : memref<!tpu.dma_semaphore, #tpu.memory_space<semaphore_mem>>)
        %dma_wait3A_68 = arith.constant 0 : i32
        %dma_wait3A_69 = tpu.memref_slice %arg3[%multiple_of3A_51, %dma_wait3A_68] : memref<344064x128xf32, #tpu.memory_space<hbm>> -> memref<128x128xf32, #tpu.memory_space<hbm>>
        %dma_wait3A_70 = arith.constant 0 : i32
        %dma_wait3A_71 = tpu.memref_slice %arg3[%multiple_of3A_51, %dma_wait3A_70] : memref<344064x128xf32, #tpu.memory_space<hbm>> -> memref<128x128xf32, #tpu.memory_space<hbm>>
        tpu.wait_dma2 semaphore(%run_scoped3A_63 : memref<!tpu.dma_semaphore, #tpu.memory_space<semaphore_mem>>) src(%dma_wait3A_71 : memref<128x128xf32, #tpu.memory_space<hbm>>) dst(%arg11 : memref<128x128xf32, #tpu.memory_space<vmem>>)
        tpu.yield
      }) : () -> ()
      %scan3A_56 = arith.constant 0 : i32
      %scan3A_57 = arith.constant 0 : i32
      %scan3A_58 = arith.constant 128 : i32
      %scan3A_59 = arith.addi %scan3A_57, %scan3A_58 : i32
      %scan3A_60 = arith.constant 1 : i32
      scf.for %scan3A_63 = %scan3A_57 to %scan3A_59 step %scan3A_60  : i32 {
        %get3A = arith.index_cast %scan3A_63 : i32 to index
        %get3A_64 = arith.constant 0 : index
        %get3A_65 = tpu.vector_load %arg10[%get3A, %get3A_64] {strides = array<i32>} : memref<128x128xf32, #tpu.memory_space<vmem>>, vector<16xf32>,
        %get3A_66 = arith.index_cast %scan3A_63 : i32 to index
        %get3A_67 = arith.constant 0 : index
        %get3A_68 = tpu.vector_load %arg11[%get3A_66, %get3A_67] {strides = array<i32>} : memref<128x128xf32, #tpu.memory_space<vmem>>, vector<16xf32>,
        %mul3A_69 = arith.mulf %get3A_65, %get3A_68 : vector<16xf32>
        %swap3A = arith.index_cast %scan3A_63 : i32 to index
        %swap3A_70 = arith.constant 0 : index
        %swap3A_71 = tpu.vector_load %arg10[%swap3A, %swap3A_70] {strides = array<i32>} : memref<128x128xf32, #tpu.memory_space<vmem>>, vector<16xf32>,
        tpu.vector_store %arg10[%swap3A, %swap3A_70], %mul3A_69 {strides = array<i32>} : memref<128x128xf32, #tpu.memory_space<vmem>>, vector<16xf32>,
        %get3A_72 = arith.index_cast %scan3A_63 : i32 to index
        %get3A_73 = arith.constant 16 : index
        %get3A_74 = tpu.vector_load %arg10[%get3A_72, %get3A_73] {strides = array<i32>} : memref<128x128xf32, #tpu.memory_space<vmem>>, vector<16xf32>,
        %get3A_75 = arith.index_cast %scan3A_63 : i32 to index
        %get3A_76 = arith.constant 16 : index
        %get3A_77 = tpu.vector_load %arg11[%get3A_75, %get3A_76] {strides = array<i32>} : memref<128x128xf32, #tpu.memory_space<vmem>>, vector<16xf32>,
        %mul3A_78 = arith.mulf %get3A_74, %get3A_77 : vector<16xf32>
        %swap3A_79 = arith.index_cast %scan3A_63 : i32 to index
        %swap3A_80 = arith.constant 16 : index
        %swap3A_81 = tpu.vector_load %arg10[%swap3A_79, %swap3A_80] {strides = array<i32>} : memref<128x128xf32, #tpu.memory_space<vmem>>, vector<16xf32>,
        tpu.vector_store %arg10[%swap3A_79, %swap3A_80], %mul3A_78 {strides = array<i32>} : memref<128x128xf32, #tpu.memory_space<vmem>>, vector<16xf32>,
        %get3A_82 = arith.index_cast %scan3A_63 : i32 to index
        %get3A_83 = arith.constant 32 : index
        %get3A_84 = tpu.vector_load %arg10[%get3A_82, %get3A_83] {strides = array<i32>} : memref<128x128xf32, #tpu.memory_space<vmem>>, vector<16xf32>,
        %get3A_85 = arith.index_cast %scan3A_63 : i32 to index
        %get3A_86 = arith.constant 32 : index
        %get3A_87 = tpu.vector_load %arg11[%get3A_85, %get3A_86] {strides = array<i32>} : memref<128x128xf32, #tpu.memory_space<vmem>>, vector<16xf32>,
        %mul3A_88 = arith.mulf %get3A_84, %get3A_87 : vector<16xf32>
        %swap3A_89 = arith.index_cast %scan3A_63 : i32 to index
        %swap3A_90 = arith.constant 32 : index
        %swap3A_91 = tpu.vector_load %arg10[%swap3A_89, %swap3A_90] {strides = array<i32>} : memref<128x128xf32, #tpu.memory_space<vmem>>, vector<16xf32>,
        tpu.vector_store %arg10[%swap3A_89, %swap3A_90], %mul3A_88 {strides = array<i32>} : memref<128x128xf32, #tpu.memory_space<vmem>>, vector<16xf32>,
        %get3A_92 = arith.index_cast %scan3A_63 : i32 to index
        %get3A_93 = arith.constant 48 : index
        %get3A_94 = tpu.vector_load %arg10[%get3A_92, %get3A_93] {strides = array<i32>} : memref<128x128xf32, #tpu.memory_space<vmem>>, vector<16xf32>,
        %get3A_95 = arith.index_cast %scan3A_63 : i32 to index
        %get3A_96 = arith.constant 48 : index
        %get3A_97 = tpu.vector_load %arg11[%get3A_95, %get3A_96] {strides = array<i32>} : memref<128x128xf32, #tpu.memory_space<vmem>>, vector<16xf32>,
        %mul3A_98 = arith.mulf %get3A_94, %get3A_97 : vector<16xf32>
        %swap3A_99 = arith.index_cast %scan3A_63 : i32 to index
        %swap3A_100 = arith.constant 48 : index
        %swap3A_101 = tpu.vector_load %arg10[%swap3A_99, %swap3A_100] {strides = array<i32>} : memref<128x128xf32, #tpu.memory_space<vmem>>, vector<16xf32>,
        tpu.vector_store %arg10[%swap3A_99, %swap3A_100], %mul3A_98 {strides = array<i32>} : memref<128x128xf32, #tpu.memory_space<vmem>>, vector<16xf32>,
        %get3A_102 = arith.index_cast %scan3A_63 : i32 to index
        %get3A_103 = arith.constant 64 : index
        %get3A_104 = tpu.vector_load %arg10[%get3A_102, %get3A_103] {strides = array<i32>} : memref<128x128xf32, #tpu.memory_space<vmem>>, vector<16xf32>,
        %get3A_105 = arith.index_cast %scan3A_63 : i32 to index
        %get3A_106 = arith.constant 64 : index
        %get3A_107 = tpu.vector_load %arg11[%get3A_105, %get3A_106] {strides = array<i32>} : memref<128x128xf32, #tpu.memory_space<vmem>>, vector<16xf32>,
        %mul3A_108 = arith.mulf %get3A_104, %get3A_107 : vector<16xf32>
        %swap3A_109 = arith.index_cast %scan3A_63 : i32 to index
        %swap3A_110 = arith.constant 64 : index
        %swap3A_111 = tpu.vector_load %arg10[%swap3A_109, %swap3A_110] {strides = array<i32>} : memref<128x128xf32, #tpu.memory_space<vmem>>, vector<16xf32>,
        tpu.vector_store %arg10[%swap3A_109, %swap3A_110], %mul3A_108 {strides = array<i32>} : memref<128x128xf32, #tpu.memory_space<vmem>>, vector<16xf32>,
        %get3A_112 = arith.index_cast %scan3A_63 : i32 to index
        %get3A_113 = arith.constant 80 : index
        %get3A_114 = tpu.vector_load %arg10[%get3A_112, %get3A_113] {strides = array<i32>} : memref<128x128xf32, #tpu.memory_space<vmem>>, vector<16xf32>,
        %get3A_115 = arith.index_cast %scan3A_63 : i32 to index
        %get3A_116 = arith.constant 80 : index
        %get3A_117 = tpu.vector_load %arg11[%get3A_115, %get3A_116] {strides = array<i32>} : memref<128x128xf32, #tpu.memory_space<vmem>>, vector<16xf32>,
        %mul3A_118 = arith.mulf %get3A_114, %get3A_117 : vector<16xf32>
        %swap3A_119 = arith.index_cast %scan3A_63 : i32 to index
        %swap3A_120 = arith.constant 80 : index
        %swap3A_121 = tpu.vector_load %arg10[%swap3A_119, %swap3A_120] {strides = array<i32>} : memref<128x128xf32, #tpu.memory_space<vmem>>, vector<16xf32>,
        tpu.vector_store %arg10[%swap3A_119, %swap3A_120], %mul3A_118 {strides = array<i32>} : memref<128x128xf32, #tpu.memory_space<vmem>>, vector<16xf32>,
        %get3A_122 = arith.index_cast %scan3A_63 : i32 to index
        %get3A_123 = arith.constant 96 : index
        %get3A_124 = tpu.vector_load %arg10[%get3A_122, %get3A_123] {strides = array<i32>} : memref<128x128xf32, #tpu.memory_space<vmem>>, vector<16xf32>,
        %get3A_125 = arith.index_cast %scan3A_63 : i32 to index
        %get3A_126 = arith.constant 96 : index
        %get3A_127 = tpu.vector_load %arg11[%get3A_125, %get3A_126] {strides = array<i32>} : memref<128x128xf32, #tpu.memory_space<vmem>>, vector<16xf32>,
        %mul3A_128 = arith.mulf %get3A_124, %get3A_127 : vector<16xf32>
        %swap3A_129 = arith.index_cast %scan3A_63 : i32 to index
        %swap3A_130 = arith.constant 96 : index
        %swap3A_131 = tpu.vector_load %arg10[%swap3A_129, %swap3A_130] {strides = array<i32>} : memref<128x128xf32, #tpu.memory_space<vmem>>, vector<16xf32>,
        tpu.vector_store %arg10[%swap3A_129, %swap3A_130], %mul3A_128 {strides = array<i32>} : memref<128x128xf32, #tpu.memory_space<vmem>>, vector<16xf32>,
        %get3A_132 = arith.index_cast %scan3A_63 : i32 to index
        %get3A_133 = arith.constant 112 : index
        %get3A_134 = tpu.vector_load %arg10[%get3A_132, %get3A_133] {strides = array<i32>} : memref<128x128xf32, #tpu.memory_space<vmem>>, vector<16xf32>,
        %get3A_135 = arith.index_cast %scan3A_63 : i32 to index
        %get3A_136 = arith.constant 112 : index
        %get3A_137 = tpu.vector_load %arg11[%get3A_135, %get3A_136] {strides = array<i32>} : memref<128x128xf32, #tpu.memory_space<vmem>>, vector<16xf32>,
        %mul3A_138 = arith.mulf %get3A_134, %get3A_137 : vector<16xf32>
        %swap3A_139 = arith.index_cast %scan3A_63 : i32 to index
        %swap3A_140 = arith.constant 112 : index
        %swap3A_141 = tpu.vector_load %arg10[%swap3A_139, %swap3A_140] {strides = array<i32>} : memref<128x128xf32, #tpu.memory_space<vmem>>, vector<16xf32>,
        tpu.vector_store %arg10[%swap3A_139, %swap3A_140], %mul3A_138 {strides = array<i32>} : memref<128x128xf32, #tpu.memory_space<vmem>>, vector<16xf32>,
      }
      %scan3A_61 = arith.constant 128 : i32
      %run_scoped3A_62 = arith.constant 0 : i32
      "tpu.region"() ({
        %run_scoped3A_63 = tpu.sem_alloc : memref<!tpu.dma_semaphore, #tpu.memory_space<semaphore_mem>>
        %dma_start3A_64 = arith.constant 0 : i32
        %dma_start3A_65 = tpu.memref_slice %arg8[%run_scoped3A_62, %dma_start3A_64] : memref<1x128xi32, #tpu.memory_space<vmem>> -> memref<1x128xi32, #tpu.memory_space<vmem>>
        %dma_start3A_66 = tpu.memref_squeeze %dma_start3A_65 : memref<1x128xi32, #tpu.memory_space<vmem>> -> memref<128xi32, #tpu.memory_space<vmem>>
        %dma_start3A_67 = arith.constant 0 : i32
        %dma_start3A_68 = arith.constant 0 : i32
        %dma_start3A_69 = tpu.memref_slice %arg7[%dma_start3A_67, %dma_start3A_68] : memref<10240x128xf32, #tpu.memory_space<vmem_shared>> -> memref<10240x128xf32, #tpu.memory_space<vmem_shared>>
        tpu.enqueue_indirect_dma source(%arg10 : memref<128x128xf32, #tpu.memory_space<vmem>>) target(%dma_start3A_69 : memref<10240x128xf32, #tpu.memory_space<vmem_shared>>) offsets(%dma_start3A_66 : memref<128xi32, #tpu.memory_space<vmem>>) semaphore(%run_scoped3A_63 : memref<!tpu.dma_semaphore, #tpu.memory_space<semaphore_mem>>) {add = true}
        %dma_wait3A_70 = arith.constant 0 : i32
        %dma_wait3A_71 = tpu.memref_slice %arg8[%run_scoped3A_62, %dma_wait3A_70] : memref<1x128xi32, #tpu.memory_space<vmem>> -> memref<1x128xi32, #tpu.memory_space<vmem>>
        %dma_wait3A_72 = tpu.memref_squeeze %dma_wait3A_71 : memref<1x128xi32, #tpu.memory_space<vmem>> -> memref<128xi32, #tpu.memory_space<vmem>>
        %dma_wait3A_73 = arith.constant 0 : i32
        %dma_wait3A_74 = arith.constant 0 : i32
        %dma_wait3A_75 = tpu.memref_slice %arg7[%dma_wait3A_73, %dma_wait3A_74] : memref<10240x128xf32, #tpu.memory_space<vmem_shared>> -> memref<10240x128xf32, #tpu.memory_space<vmem_shared>>
        tpu.wait_indirect_dma semaphore(%run_scoped3A_63 : memref<!tpu.dma_semaphore, #tpu.memory_space<semaphore_mem>>) src(%arg10 : memref<128x128xf32, #tpu.memory_space<vmem>>) dst(%dma_wait3A_75 : memref<10240x128xf32, #tpu.memory_space<vmem_shared>>)
        tpu.yield
      }) : () -> ()
    }
    %scan3A_23 = arith.constant 84 : i32
    %barrier3A_24 = arith.constant 0 : index
    tpu.barrier barrier_id(%barrier3A_24)
    %add3A_25 = arith.constant 0 : i32
    %add3A_26 = arith.addi %multiple_of3A, %add3A_25 : i32
    %add3A_27 = arith.constant 0 : i32
    %add3A_28 = arith.addi %multiple_of3A, %add3A_27 : i32
    "tpu.region"() ({
      %run_scoped3A = tpu.sem_alloc : memref<!tpu.dma_semaphore, #tpu.memory_space<semaphore_mem>>
      %dma_start3A = arith.constant 0 : i32
      %dma_start3A_45 = tpu.memref_slice %arg6[%arg0, %add3A_28, %dma_start3A] : memref<2x10240x128xf32, #tpu.memory_space<hbm>> -> memref<1x128x128xf32, #tpu.memory_space<hbm>>
      %dma_start3A_46 = tpu.memref_squeeze %dma_start3A_45 : memref<1x128x128xf32, #tpu.memory_space<hbm>> -> memref<128x128xf32, #tpu.memory_space<hbm>>
      %dma_start3A_47 = arith.constant 0 : i32
      %dma_start3A_48 = tpu.memref_slice %arg7[%add3A_26, %dma_start3A_47] : memref<10240x128xf32, #tpu.memory_space<vmem_shared>> -> memref<128x128xf32, #tpu.memory_space<vmem_shared>>
      tpu.enqueue_dma source(%dma_start3A_48 : memref<128x128xf32, #tpu.memory_space<vmem_shared>>) target(%dma_start3A_46 : memref<128x128xf32, #tpu.memory_space<hbm>>) target_semaphore(%run_scoped3A : memref<!tpu.dma_semaphore, #tpu.memory_space<semaphore_mem>>)
      %dma_wait3A = arith.constant 0 : i32
      %dma_wait3A_49 = tpu.memref_slice %arg6[%arg0, %add3A_28, %dma_wait3A] : memref<2x10240x128xf32, #tpu.memory_space<hbm>> -> memref<1x128x128xf32, #tpu.memory_space<hbm>>
      %dma_wait3A_50 = tpu.memref_squeeze %dma_wait3A_49 : memref<1x128x128xf32, #tpu.memory_space<hbm>> -> memref<128x128xf32, #tpu.memory_space<hbm>>
      %dma_wait3A_51 = arith.constant 0 : i32
      %dma_wait3A_52 = tpu.memref_slice %arg7[%add3A_26, %dma_wait3A_51] : memref<10240x128xf32, #tpu.memory_space<vmem_shared>> -> memref<128x128xf32, #tpu.memory_space<vmem_shared>>
      tpu.wait_dma2 semaphore(%run_scoped3A : memref<!tpu.dma_semaphore, #tpu.memory_space<semaphore_mem>>) src(%dma_wait3A_52 : memref<128x128xf32, #tpu.memory_space<vmem_shared>>) dst(%dma_wait3A_50 : memref<128x128xf32, #tpu.memory_space<hbm>>)
      tpu.yield
    }) : () -> ()
    %add3A_29 = arith.constant 128 : i32
    %add3A_30 = arith.addi %multiple_of3A, %add3A_29 : i32
    %add3A_31 = arith.constant 128 : i32
    %add3A_32 = arith.addi %multiple_of3A, %add3A_31 : i32
    "tpu.region"() ({
      %run_scoped3A = tpu.sem_alloc : memref<!tpu.dma_semaphore, #tpu.memory_space<semaphore_mem>>
      %dma_start3A = arith.constant 0 : i32
      %dma_start3A_45 = tpu.memref_slice %arg6[%arg0, %add3A_32, %dma_start3A] : memref<2x10240x128xf32, #tpu.memory_space<hbm>> -> memref<1x128x128xf32, #tpu.memory_space<hbm>>
      %dma_start3A_46 = tpu.memref_squeeze %dma_start3A_45 : memref<1x128x128xf32, #tpu.memory_space<hbm>> -> memref<128x128xf32, #tpu.memory_space<hbm>>
      %dma_start3A_47 = arith.constant 0 : i32
      %dma_start3A_48 = tpu.memref_slice %arg7[%add3A_30, %dma_start3A_47] : memref<10240x128xf32, #tpu.memory_space<vmem_shared>> -> memref<128x128xf32, #tpu.memory_space<vmem_shared>>
      tpu.enqueue_dma source(%dma_start3A_48 : memref<128x128xf32, #tpu.memory_space<vmem_shared>>) target(%dma_start3A_46 : memref<128x128xf32, #tpu.memory_space<hbm>>) target_semaphore(%run_scoped3A : memref<!tpu.dma_semaphore, #tpu.memory_space<semaphore_mem>>)
      %dma_wait3A = arith.constant 0 : i32
      %dma_wait3A_49 = tpu.memref_slice %arg6[%arg0, %add3A_32, %dma_wait3A] : memref<2x10240x128xf32, #tpu.memory_space<hbm>> -> memref<1x128x128xf32, #tpu.memory_space<hbm>>
      %dma_wait3A_50 = tpu.memref_squeeze %dma_wait3A_49 : memref<1x128x128xf32, #tpu.memory_space<hbm>> -> memref<128x128xf32, #tpu.memory_space<hbm>>
      %dma_wait3A_51 = arith.constant 0 : i32
      %dma_wait3A_52 = tpu.memref_slice %arg7[%add3A_30, %dma_wait3A_51] : memref<10240x128xf32, #tpu.memory_space<vmem_shared>> -> memref<128x128xf32, #tpu.memory_space<vmem_shared>>
      tpu.wait_dma2 semaphore(%run_scoped3A : memref<!tpu.dma_semaphore, #tpu.memory_space<semaphore_mem>>) src(%dma_wait3A_52 : memref<128x128xf32, #tpu.memory_space<vmem_shared>>) dst(%dma_wait3A_50 : memref<128x128xf32, #tpu.memory_space<hbm>>)
      tpu.yield
    }) : () -> ()
    %add3A_33 = arith.constant 256 : i32
    %add3A_34 = arith.addi %multiple_of3A, %add3A_33 : i32
    %add3A_35 = arith.constant 256 : i32
    %add3A_36 = arith.addi %multiple_of3A, %add3A_35 : i32
    "tpu.region"() ({
      %run_scoped3A = tpu.sem_alloc : memref<!tpu.dma_semaphore, #tpu.memory_space<semaphore_mem>>
      %dma_start3A = arith.constant 0 : i32
      %dma_start3A_45 = tpu.memref_slice %arg6[%arg0, %add3A_36, %dma_start3A] : memref<2x10240x128xf32, #tpu.memory_space<hbm>> -> memref<1x128x128xf32, #tpu.memory_space<hbm>>
      %dma_start3A_46 = tpu.memref_squeeze %dma_start3A_45 : memref<1x128x128xf32, #tpu.memory_space<hbm>> -> memref<128x128xf32, #tpu.memory_space<hbm>>
      %dma_start3A_47 = arith.constant 0 : i32
      %dma_start3A_48 = tpu.memref_slice %arg7[%add3A_34, %dma_start3A_47] : memref<10240x128xf32, #tpu.memory_space<vmem_shared>> -> memref<128x128xf32, #tpu.memory_space<vmem_shared>>
      tpu.enqueue_dma source(%dma_start3A_48 : memref<128x128xf32, #tpu.memory_space<vmem_shared>>) target(%dma_start3A_46 : memref<128x128xf32, #tpu.memory_space<hbm>>) target_semaphore(%run_scoped3A : memref<!tpu.dma_semaphore, #tpu.memory_space<semaphore_mem>>)
      %dma_wait3A = arith.constant 0 : i32
      %dma_wait3A_49 = tpu.memref_slice %arg6[%arg0, %add3A_36, %dma_wait3A] : memref<2x10240x128xf32, #tpu.memory_space<hbm>> -> memref<1x128x128xf32, #tpu.memory_space<hbm>>
      %dma_wait3A_50 = tpu.memref_squeeze %dma_wait3A_49 : memref<1x128x128xf32, #tpu.memory_space<hbm>> -> memref<128x128xf32, #tpu.memory_space<hbm>>
      %dma_wait3A_51 = arith.constant 0 : i32
      %dma_wait3A_52 = tpu.memref_slice %arg7[%add3A_34, %dma_wait3A_51] : memref<10240x128xf32, #tpu.memory_space<vmem_shared>> -> memref<128x128xf32, #tpu.memory_space<vmem_shared>>
      tpu.wait_dma2 semaphore(%run_scoped3A : memref<!tpu.dma_semaphore, #tpu.memory_space<semaphore_mem>>) src(%dma_wait3A_52 : memref<128x128xf32, #tpu.memory_space<vmem_shared>>) dst(%dma_wait3A_50 : memref<128x128xf32, #tpu.memory_space<hbm>>)
      tpu.yield
    }) : () -> ()
    %add3A_37 = arith.constant 384 : i32
    %add3A_38 = arith.addi %multiple_of3A, %add3A_37 : i32
    %add3A_39 = arith.constant 384 : i32
    %add3A_40 = arith.addi %multiple_of3A, %add3A_39 : i32
    "tpu.region"() ({
      %run_scoped3A = tpu.sem_alloc : memref<!tpu.dma_semaphore, #tpu.memory_space<semaphore_mem>>
      %dma_start3A = arith.constant 0 : i32
      %dma_start3A_45 = tpu.memref_slice %arg6[%arg0, %add3A_40, %dma_start3A] : memref<2x10240x128xf32, #tpu.memory_space<hbm>> -> memref<1x128x128xf32, #tpu.memory_space<hbm>>
      %dma_start3A_46 = tpu.memref_squeeze %dma_start3A_45 : memref<1x128x128xf32, #tpu.memory_space<hbm>> -> memref<128x128xf32, #tpu.memory_space<hbm>>
      %dma_start3A_47 = arith.constant 0 : i32
      %dma_start3A_48 = tpu.memref_slice %arg7[%add3A_38, %dma_start3A_47] : memref<10240x128xf32, #tpu.memory_space<vmem_shared>> -> memref<128x128xf32, #tpu.memory_space<vmem_shared>>
      tpu.enqueue_dma source(%dma_start3A_48 : memref<128x128xf32, #tpu.memory_space<vmem_shared>>) target(%dma_start3A_46 : memref<128x128xf32, #tpu.memory_space<hbm>>) target_semaphore(%run_scoped3A : memref<!tpu.dma_semaphore, #tpu.memory_space<semaphore_mem>>)
      %dma_wait3A = arith.constant 0 : i32
      %dma_wait3A_49 = tpu.memref_slice %arg6[%arg0, %add3A_40, %dma_wait3A] : memref<2x10240x128xf32, #tpu.memory_space<hbm>> -> memref<1x128x128xf32, #tpu.memory_space<hbm>>
      %dma_wait3A_50 = tpu.memref_squeeze %dma_wait3A_49 : memref<1x128x128xf32, #tpu.memory_space<hbm>> -> memref<128x128xf32, #tpu.memory_space<hbm>>
      %dma_wait3A_51 = arith.constant 0 : i32
      %dma_wait3A_52 = tpu.memref_slice %arg7[%add3A_38, %dma_wait3A_51] : memref<10240x128xf32, #tpu.memory_space<vmem_shared>> -> memref<128x128xf32, #tpu.memory_space<vmem_shared>>
      tpu.wait_dma2 semaphore(%run_scoped3A : memref<!tpu.dma_semaphore, #tpu.memory_space<semaphore_mem>>) src(%dma_wait3A_52 : memref<128x128xf32, #tpu.memory_space<vmem_shared>>) dst(%dma_wait3A_50 : memref<128x128xf32, #tpu.memory_space<hbm>>)
      tpu.yield
    }) : () -> ()
    %add3A_41 = arith.constant 512 : i32
    %add3A_42 = arith.addi %multiple_of3A, %add3A_41 : i32
    %add3A_43 = arith.constant 512 : i32
    %add3A_44 = arith.addi %multiple_of3A, %add3A_43 : i32
    "tpu.region"() ({
      %run_scoped3A = tpu.sem_alloc : memref<!tpu.dma_semaphore, #tpu.memory_space<semaphore_mem>>
      %dma_start3A = arith.constant 0 : i32
      %dma_start3A_45 = tpu.memref_slice %arg6[%arg0, %add3A_44, %dma_start3A] : memref<2x10240x128xf32, #tpu.memory_space<hbm>> -> memref<1x128x128xf32, #tpu.memory_space<hbm>>
      %dma_start3A_46 = tpu.memref_squeeze %dma_start3A_45 : memref<1x128x128xf32, #tpu.memory_space<hbm>> -> memref<128x128xf32, #tpu.memory_space<hbm>>
      %dma_start3A_47 = arith.constant 0 : i32
      %dma_start3A_48 = tpu.memref_slice %arg7[%add3A_42, %dma_start3A_47] : memref<10240x128xf32, #tpu.memory_space<vmem_shared>> -> memref<128x128xf32, #tpu.memory_space<vmem_shared>>
      tpu.enqueue_dma source(%dma_start3A_48 : memref<128x128xf32, #tpu.memory_space<vmem_shared>>) target(%dma_start3A_46 : memref<128x128xf32, #tpu.memory_space<hbm>>) target_semaphore(%run_scoped3A : memref<!tpu.dma_semaphore, #tpu.memory_space<semaphore_mem>>)
      %dma_wait3A = arith.constant 0 : i32
      %dma_wait3A_49 = tpu.memref_slice %arg6[%arg0, %add3A_44, %dma_wait3A] : memref<2x10240x128xf32, #tpu.memory_space<hbm>> -> memref<1x128x128xf32, #tpu.memory_space<hbm>>
      %dma_wait3A_50 = tpu.memref_squeeze %dma_wait3A_49 : memref<1x128x128xf32, #tpu.memory_space<hbm>> -> memref<128x128xf32, #tpu.memory_space<hbm>>
      %dma_wait3A_51 = arith.constant 0 : i32
      %dma_wait3A_52 = tpu.memref_slice %arg7[%add3A_42, %dma_wait3A_51] : memref<10240x128xf32, #tpu.memory_space<vmem_shared>> -> memref<128x128xf32, #tpu.memory_space<vmem_shared>>
      tpu.wait_dma2 semaphore(%run_scoped3A : memref<!tpu.dma_semaphore, #tpu.memory_space<semaphore_mem>>) src(%dma_wait3A_52 : memref<128x128xf32, #tpu.memory_space<vmem_shared>>) dst(%dma_wait3A_50 : memref<128x128xf32, #tpu.memory_space<hbm>>)
      tpu.yield
    }) : () -> ()
    return
  }
}

#map = affine_map<(d0, d1) -> (0, 0)>
#map1 = affine_map<(d0, d1) -> (0)>
#map2 = affine_map<(d0, d1) -> (0, 0, 0)>
module attributes {stable_mosaic.version = 14 : i64} {
  func.func @msg_kernel(%arg0: i32, %arg1: i32, %arg2: memref<10000x128xf32, #tpu.memory_space<hbm>>, %arg3: memref<344064x128xf32, #tpu.memory_space<hbm>>, %arg4: memref<344064xi32, #tpu.memory_space<hbm>>, %arg5: memref<344064xi32, #tpu.memory_space<hbm>>, %arg6: memref<2x10240x128xf32, #tpu.memory_space<hbm>>, %arg7: memref<10240x128xf32, #tpu.memory_space<vmem_shared>>, %arg8: memref<1x128xi32, #tpu.memory_space<vmem>>, %arg9: memref<128xi32, #tpu.memory_space<vmem>>, %arg10: memref<128x128xf32, #tpu.memory_space<vmem>>, %arg11: memref<128x128xf32, #tpu.memory_space<vmem>>, %arg12: memref<!tpu.dma_semaphore, #tpu.memory_space<semaphore_mem>>) attributes {dimension_semantics = [#tpu.dimension_semantics<core_parallel>, #tpu.dimension_semantics<subcore_parallel>], iteration_bounds = array<i64: 2, 16>, scalar_prefetch = 0 : i64, scratch_operands = 6 : i64, tpu.core_type = #tpu.core_type<sc_vector_subcore>, window_params = [{transform_indices = #map}, {transform_indices = #map}, {transform_indices = #map1}, {transform_indices = #map1}, {transform_indices = #map2}]} {
    %mul3A = arith.constant 16 : i32
    %mul3A_0 = arith.muli %arg0, %mul3A : i32
    %add3A = arith.addi %mul3A_0, %arg1 : i32
    %scan3A = arith.constant 0 : i32
    %scan3A_1 = arith.constant 0 : i32
    %scan3A_2 = arith.constant 128 : i32
    %scan3A_3 = arith.addi %scan3A_1, %scan3A_2 : i32
    %scan3A_4 = arith.constant 1 : i32
    scf.for %scan3A_45 = %scan3A_1 to %scan3A_3 step %scan3A_4  : i32 {
      %broadcast_in_dim3A = arith.constant 0.000000e+00 : f32
      %broadcast_in_dim3A_46 = vector.broadcast %broadcast_in_dim3A : f32 to vector<16xf32>
      %swap3A = arith.index_cast %scan3A_45 : i32 to index
      %swap3A_47 = arith.constant 0 : index
      %swap3A_48 = tpu.vector_load %arg11[%swap3A, %swap3A_47] {strides = array<i32>} : memref<128x128xf32, #tpu.memory_space<vmem>>, vector<16xf32>,
      tpu.vector_store %arg11[%swap3A, %swap3A_47], %broadcast_in_dim3A_46 {strides = array<i32>} : memref<128x128xf32, #tpu.memory_space<vmem>>, vector<16xf32>,
      %broadcast_in_dim3A_49 = arith.constant 0.000000e+00 : f32
      %broadcast_in_dim3A_50 = vector.broadcast %broadcast_in_dim3A_49 : f32 to vector<16xf32>
      %swap3A_51 = arith.index_cast %scan3A_45 : i32 to index
      %swap3A_52 = arith.constant 16 : index
      %swap3A_53 = tpu.vector_load %arg11[%swap3A_51, %swap3A_52] {strides = array<i32>} : memref<128x128xf32, #tpu.memory_space<vmem>>, vector<16xf32>,
      tpu.vector_store %arg11[%swap3A_51, %swap3A_52], %broadcast_in_dim3A_50 {strides = array<i32>} : memref<128x128xf32, #tpu.memory_space<vmem>>, vector<16xf32>,
      %broadcast_in_dim3A_54 = arith.constant 0.000000e+00 : f32
      %broadcast_in_dim3A_55 = vector.broadcast %broadcast_in_dim3A_54 : f32 to vector<16xf32>
      %swap3A_56 = arith.index_cast %scan3A_45 : i32 to index
      %swap3A_57 = arith.constant 32 : index
      %swap3A_58 = tpu.vector_load %arg11[%swap3A_56, %swap3A_57] {strides = array<i32>} : memref<128x128xf32, #tpu.memory_space<vmem>>, vector<16xf32>,
      tpu.vector_store %arg11[%swap3A_56, %swap3A_57], %broadcast_in_dim3A_55 {strides = array<i32>} : memref<128x128xf32, #tpu.memory_space<vmem>>, vector<16xf32>,
      %broadcast_in_dim3A_59 = arith.constant 0.000000e+00 : f32
      %broadcast_in_dim3A_60 = vector.broadcast %broadcast_in_dim3A_59 : f32 to vector<16xf32>
      %swap3A_61 = arith.index_cast %scan3A_45 : i32 to index
      %swap3A_62 = arith.constant 48 : index
      %swap3A_63 = tpu.vector_load %arg11[%swap3A_61, %swap3A_62] {strides = array<i32>} : memref<128x128xf32, #tpu.memory_space<vmem>>, vector<16xf32>,
      tpu.vector_store %arg11[%swap3A_61, %swap3A_62], %broadcast_in_dim3A_60 {strides = array<i32>} : memref<128x128xf32, #tpu.memory_space<vmem>>, vector<16xf32>,
      %broadcast_in_dim3A_64 = arith.constant 0.000000e+00 : f32
      %broadcast_in_dim3A_65 = vector.broadcast %broadcast_in_dim3A_64 : f32 to vector<16xf32>
      %swap3A_66 = arith.index_cast %scan3A_45 : i32 to index
      %swap3A_67 = arith.constant 64 : index
      %swap3A_68 = tpu.vector_load %arg11[%swap3A_66, %swap3A_67] {strides = array<i32>} : memref<128x128xf32, #tpu.memory_space<vmem>>, vector<16xf32>,
      tpu.vector_store %arg11[%swap3A_66, %swap3A_67], %broadcast_in_dim3A_65 {strides = array<i32>} : memref<128x128xf32, #tpu.memory_space<vmem>>, vector<16xf32>,
      %broadcast_in_dim3A_69 = arith.constant 0.000000e+00 : f32
      %broadcast_in_dim3A_70 = vector.broadcast %broadcast_in_dim3A_69 : f32 to vector<16xf32>
      %swap3A_71 = arith.index_cast %scan3A_45 : i32 to index
      %swap3A_72 = arith.constant 80 : index
      %swap3A_73 = tpu.vector_load %arg11[%swap3A_71, %swap3A_72] {strides = array<i32>} : memref<128x128xf32, #tpu.memory_space<vmem>>, vector<16xf32>,
      tpu.vector_store %arg11[%swap3A_71, %swap3A_72], %broadcast_in_dim3A_70 {strides = array<i32>} : memref<128x128xf32, #tpu.memory_space<vmem>>, vector<16xf32>,
      %broadcast_in_dim3A_74 = arith.constant 0.000000e+00 : f32
      %broadcast_in_dim3A_75 = vector.broadcast %broadcast_in_dim3A_74 : f32 to vector<16xf32>
      %swap3A_76 = arith.index_cast %scan3A_45 : i32 to index
      %swap3A_77 = arith.constant 96 : index
      %swap3A_78 = tpu.vector_load %arg11[%swap3A_76, %swap3A_77] {strides = array<i32>} : memref<128x128xf32, #tpu.memory_space<vmem>>, vector<16xf32>,
      tpu.vector_store %arg11[%swap3A_76, %swap3A_77], %broadcast_in_dim3A_75 {strides = array<i32>} : memref<128x128xf32, #tpu.memory_space<vmem>>, vector<16xf32>,
      %broadcast_in_dim3A_79 = arith.constant 0.000000e+00 : f32
      %broadcast_in_dim3A_80 = vector.broadcast %broadcast_in_dim3A_79 : f32 to vector<16xf32>
      %swap3A_81 = arith.index_cast %scan3A_45 : i32 to index
      %swap3A_82 = arith.constant 112 : index
      %swap3A_83 = tpu.vector_load %arg11[%swap3A_81, %swap3A_82] {strides = array<i32>} : memref<128x128xf32, #tpu.memory_space<vmem>>, vector<16xf32>,
      tpu.vector_store %arg11[%swap3A_81, %swap3A_82], %broadcast_in_dim3A_80 {strides = array<i32>} : memref<128x128xf32, #tpu.memory_space<vmem>>, vector<16xf32>,
    }
    %scan3A_5 = arith.constant 128 : i32
    %mul3A_6 = arith.constant 640 : i32
    %mul3A_7 = arith.muli %arg1, %mul3A_6 : i32
    %multiple_of3A = tpu.assume_multiple %mul3A_7, 128 : i32
    %add3A_8 = arith.constant 0 : i32
    %add3A_9 = arith.addi %multiple_of3A, %add3A_8 : i32
    "tpu.region"() ({
      %run_scoped3A = tpu.sem_alloc : memref<!tpu.dma_semaphore, #tpu.memory_space<semaphore_mem>>
      %dma_start3A = arith.constant 0 : i32
      %dma_start3A_45 = tpu.memref_slice %arg7[%add3A_9, %dma_start3A] : memref<10240x128xf32, #tpu.memory_space<vmem_shared>> -> memref<128x128xf32, #tpu.memory_space<vmem_shared>>
      %dma_start3A_46 = arith.constant 0 : i32
      %dma_start3A_47 = tpu.memref_slice %arg7[%add3A_9, %dma_start3A_46] : memref<10240x128xf32, #tpu.memory_space<vmem_shared>> -> memref<128x128xf32, #tpu.memory_space<vmem_shared>>
      tpu.enqueue_dma source(%arg11 : memref<128x128xf32, #tpu.memory_space<vmem>>) target(%dma_start3A_47 : memref<128x128xf32, #tpu.memory_space<vmem_shared>>) target_semaphore(%run_scoped3A : memref<!tpu.dma_semaphore, #tpu.memory_space<semaphore_mem>>)
      %dma_wait3A = arith.constant 0 : i32
      %dma_wait3A_48 = tpu.memref_slice %arg7[%add3A_9, %dma_wait3A] : memref<10240x128xf32, #tpu.memory_space<vmem_shared>> -> memref<128x128xf32, #tpu.memory_space<vmem_shared>>
      %dma_wait3A_49 = arith.constant 0 : i32
      %dma_wait3A_50 = tpu.memref_slice %arg7[%add3A_9, %dma_wait3A_49] : memref<10240x128xf32, #tpu.memory_space<vmem_shared>> -> memref<128x128xf32, #tpu.memory_space<vmem_shared>>
      tpu.wait_dma2 semaphore(%run_scoped3A : memref<!tpu.dma_semaphore, #tpu.memory_space<semaphore_mem>>) src(%arg11 : memref<128x128xf32, #tpu.memory_space<vmem>>) dst(%dma_wait3A_50 : memref<128x128xf32, #tpu.memory_space<vmem_shared>>)
      tpu.yield
    }) : () -> ()
    %add3A_10 = arith.constant 128 : i32
    %add3A_11 = arith.addi %multiple_of3A, %add3A_10 : i32
    "tpu.region"() ({
      %run_scoped3A = tpu.sem_alloc : memref<!tpu.dma_semaphore, #tpu.memory_space<semaphore_mem>>
      %dma_start3A = arith.constant 0 : i32
      %dma_start3A_45 = tpu.memref_slice %arg7[%add3A_11, %dma_start3A] : memref<10240x128xf32, #tpu.memory_space<vmem_shared>> -> memref<128x128xf32, #tpu.memory_space<vmem_shared>>
      %dma_start3A_46 = arith.constant 0 : i32
      %dma_start3A_47 = tpu.memref_slice %arg7[%add3A_11, %dma_start3A_46] : memref<10240x128xf32, #tpu.memory_space<vmem_shared>> -> memref<128x128xf32, #tpu.memory_space<vmem_shared>>
      tpu.enqueue_dma source(%arg11 : memref<128x128xf32, #tpu.memory_space<vmem>>) target(%dma_start3A_47 : memref<128x128xf32, #tpu.memory_space<vmem_shared>>) target_semaphore(%run_scoped3A : memref<!tpu.dma_semaphore, #tpu.memory_space<semaphore_mem>>)
      %dma_wait3A = arith.constant 0 : i32
      %dma_wait3A_48 = tpu.memref_slice %arg7[%add3A_11, %dma_wait3A] : memref<10240x128xf32, #tpu.memory_space<vmem_shared>> -> memref<128x128xf32, #tpu.memory_space<vmem_shared>>
      %dma_wait3A_49 = arith.constant 0 : i32
      %dma_wait3A_50 = tpu.memref_slice %arg7[%add3A_11, %dma_wait3A_49] : memref<10240x128xf32, #tpu.memory_space<vmem_shared>> -> memref<128x128xf32, #tpu.memory_space<vmem_shared>>
      tpu.wait_dma2 semaphore(%run_scoped3A : memref<!tpu.dma_semaphore, #tpu.memory_space<semaphore_mem>>) src(%arg11 : memref<128x128xf32, #tpu.memory_space<vmem>>) dst(%dma_wait3A_50 : memref<128x128xf32, #tpu.memory_space<vmem_shared>>)
      tpu.yield
    }) : () -> ()
    %add3A_12 = arith.constant 256 : i32
    %add3A_13 = arith.addi %multiple_of3A, %add3A_12 : i32
    "tpu.region"() ({
      %run_scoped3A = tpu.sem_alloc : memref<!tpu.dma_semaphore, #tpu.memory_space<semaphore_mem>>
      %dma_start3A = arith.constant 0 : i32
      %dma_start3A_45 = tpu.memref_slice %arg7[%add3A_13, %dma_start3A] : memref<10240x128xf32, #tpu.memory_space<vmem_shared>> -> memref<128x128xf32, #tpu.memory_space<vmem_shared>>
      %dma_start3A_46 = arith.constant 0 : i32
      %dma_start3A_47 = tpu.memref_slice %arg7[%add3A_13, %dma_start3A_46] : memref<10240x128xf32, #tpu.memory_space<vmem_shared>> -> memref<128x128xf32, #tpu.memory_space<vmem_shared>>
      tpu.enqueue_dma source(%arg11 : memref<128x128xf32, #tpu.memory_space<vmem>>) target(%dma_start3A_47 : memref<128x128xf32, #tpu.memory_space<vmem_shared>>) target_semaphore(%run_scoped3A : memref<!tpu.dma_semaphore, #tpu.memory_space<semaphore_mem>>)
      %dma_wait3A = arith.constant 0 : i32
      %dma_wait3A_48 = tpu.memref_slice %arg7[%add3A_13, %dma_wait3A] : memref<10240x128xf32, #tpu.memory_space<vmem_shared>> -> memref<128x128xf32, #tpu.memory_space<vmem_shared>>
      %dma_wait3A_49 = arith.constant 0 : i32
      %dma_wait3A_50 = tpu.memref_slice %arg7[%add3A_13, %dma_wait3A_49] : memref<10240x128xf32, #tpu.memory_space<vmem_shared>> -> memref<128x128xf32, #tpu.memory_space<vmem_shared>>
      tpu.wait_dma2 semaphore(%run_scoped3A : memref<!tpu.dma_semaphore, #tpu.memory_space<semaphore_mem>>) src(%arg11 : memref<128x128xf32, #tpu.memory_space<vmem>>) dst(%dma_wait3A_50 : memref<128x128xf32, #tpu.memory_space<vmem_shared>>)
      tpu.yield
    }) : () -> ()
    %add3A_14 = arith.constant 384 : i32
    %add3A_15 = arith.addi %multiple_of3A, %add3A_14 : i32
    "tpu.region"() ({
      %run_scoped3A = tpu.sem_alloc : memref<!tpu.dma_semaphore, #tpu.memory_space<semaphore_mem>>
      %dma_start3A = arith.constant 0 : i32
      %dma_start3A_45 = tpu.memref_slice %arg7[%add3A_15, %dma_start3A] : memref<10240x128xf32, #tpu.memory_space<vmem_shared>> -> memref<128x128xf32, #tpu.memory_space<vmem_shared>>
      %dma_start3A_46 = arith.constant 0 : i32
      %dma_start3A_47 = tpu.memref_slice %arg7[%add3A_15, %dma_start3A_46] : memref<10240x128xf32, #tpu.memory_space<vmem_shared>> -> memref<128x128xf32, #tpu.memory_space<vmem_shared>>
      tpu.enqueue_dma source(%arg11 : memref<128x128xf32, #tpu.memory_space<vmem>>) target(%dma_start3A_47 : memref<128x128xf32, #tpu.memory_space<vmem_shared>>) target_semaphore(%run_scoped3A : memref<!tpu.dma_semaphore, #tpu.memory_space<semaphore_mem>>)
      %dma_wait3A = arith.constant 0 : i32
      %dma_wait3A_48 = tpu.memref_slice %arg7[%add3A_15, %dma_wait3A] : memref<10240x128xf32, #tpu.memory_space<vmem_shared>> -> memref<128x128xf32, #tpu.memory_space<vmem_shared>>
      %dma_wait3A_49 = arith.constant 0 : i32
      %dma_wait3A_50 = tpu.memref_slice %arg7[%add3A_15, %dma_wait3A_49] : memref<10240x128xf32, #tpu.memory_space<vmem_shared>> -> memref<128x128xf32, #tpu.memory_space<vmem_shared>>
      tpu.wait_dma2 semaphore(%run_scoped3A : memref<!tpu.dma_semaphore, #tpu.memory_space<semaphore_mem>>) src(%arg11 : memref<128x128xf32, #tpu.memory_space<vmem>>) dst(%dma_wait3A_50 : memref<128x128xf32, #tpu.memory_space<vmem_shared>>)
      tpu.yield
    }) : () -> ()
    %add3A_16 = arith.constant 512 : i32
    %add3A_17 = arith.addi %multiple_of3A, %add3A_16 : i32
    "tpu.region"() ({
      %run_scoped3A = tpu.sem_alloc : memref<!tpu.dma_semaphore, #tpu.memory_space<semaphore_mem>>
      %dma_start3A = arith.constant 0 : i32
      %dma_start3A_45 = tpu.memref_slice %arg7[%add3A_17, %dma_start3A] : memref<10240x128xf32, #tpu.memory_space<vmem_shared>> -> memref<128x128xf32, #tpu.memory_space<vmem_shared>>
      %dma_start3A_46 = arith.constant 0 : i32
      %dma_start3A_47 = tpu.memref_slice %arg7[%add3A_17, %dma_start3A_46] : memref<10240x128xf32, #tpu.memory_space<vmem_shared>> -> memref<128x128xf32, #tpu.memory_space<vmem_shared>>
      tpu.enqueue_dma source(%arg11 : memref<128x128xf32, #tpu.memory_space<vmem>>) target(%dma_start3A_47 : memref<128x128xf32, #tpu.memory_space<vmem_shared>>) target_semaphore(%run_scoped3A : memref<!tpu.dma_semaphore, #tpu.memory_space<semaphore_mem>>)
      %dma_wait3A = arith.constant 0 : i32
      %dma_wait3A_48 = tpu.memref_slice %arg7[%add3A_17, %dma_wait3A] : memref<10240x128xf32, #tpu.memory_space<vmem_shared>> -> memref<128x128xf32, #tpu.memory_space<vmem_shared>>
      %dma_wait3A_49 = arith.constant 0 : i32
      %dma_wait3A_50 = tpu.memref_slice %arg7[%add3A_17, %dma_wait3A_49] : memref<10240x128xf32, #tpu.memory_space<vmem_shared>> -> memref<128x128xf32, #tpu.memory_space<vmem_shared>>
      tpu.wait_dma2 semaphore(%run_scoped3A : memref<!tpu.dma_semaphore, #tpu.memory_space<semaphore_mem>>) src(%arg11 : memref<128x128xf32, #tpu.memory_space<vmem>>) dst(%dma_wait3A_50 : memref<128x128xf32, #tpu.memory_space<vmem_shared>>)
      tpu.yield
    }) : () -> ()
    %barrier3A = arith.constant 0 : index
    tpu.barrier barrier_id(%barrier3A)
    %scan3A_18 = arith.constant 0 : i32
    %scan3A_19 = arith.constant 0 : i32
    %scan3A_20 = arith.constant 84 : i32
    %scan3A_21 = arith.addi %scan3A_19, %scan3A_20 : i32
    %scan3A_22 = arith.constant 1 : i32
    scf.for %scan3A_45 = %scan3A_19 to %scan3A_21 step %scan3A_22  : i32 {
      %mul3A_46 = arith.constant 32 : i32
      %mul3A_47 = arith.muli %scan3A_45, %mul3A_46 : i32
      %add3A_48 = arith.addi %mul3A_47, %add3A : i32
      %mul3A_49 = arith.constant 128 : i32
      %mul3A_50 = arith.muli %add3A_48, %mul3A_49 : i32
      %multiple_of3A_51 = tpu.assume_multiple %mul3A_50, 8 : i32
      %run_scoped3A = arith.constant 0 : i32
      "tpu.region"() ({
        %run_scoped3A_63 = tpu.sem_alloc : memref<!tpu.dma_semaphore, #tpu.memory_space<semaphore_mem>>
        %dma_start3A_64 = arith.constant 0 : i32
        %dma_start3A_65 = tpu.memref_slice %arg8[%run_scoped3A, %dma_start3A_64] : memref<1x128xi32, #tpu.memory_space<vmem>> -> memref<1x128xi32, #tpu.memory_space<vmem>>
        %dma_start3A_66 = tpu.memref_squeeze %dma_start3A_65 : memref<1x128xi32, #tpu.memory_space<vmem>> -> memref<128xi32, #tpu.memory_space<vmem>>
        %dma_start3A_67 = tpu.memref_slice %arg4[%multiple_of3A_51] : memref<344064xi32, #tpu.memory_space<hbm>> -> memref<128xi32, #tpu.memory_space<hbm>>
        %dma_start3A_68 = arith.constant 0 : i32
        %dma_start3A_69 = tpu.memref_slice %arg8[%run_scoped3A, %dma_start3A_68] : memref<1x128xi32, #tpu.memory_space<vmem>> -> memref<1x128xi32, #tpu.memory_space<vmem>>
        %dma_start3A_70 = tpu.memref_squeeze %dma_start3A_69 : memref<1x128xi32, #tpu.memory_space<vmem>> -> memref<128xi32, #tpu.memory_space<vmem>>
        %dma_start3A_71 = tpu.memref_slice %arg4[%multiple_of3A_51] : memref<344064xi32, #tpu.memory_space<hbm>> -> memref<128xi32, #tpu.memory_space<hbm>>
        tpu.enqueue_dma source(%dma_start3A_71 : memref<128xi32, #tpu.memory_space<hbm>>) target(%dma_start3A_70 : memref<128xi32, #tpu.memory_space<vmem>>) target_semaphore(%run_scoped3A_63 : memref<!tpu.dma_semaphore, #tpu.memory_space<semaphore_mem>>)
        %dma_wait3A_72 = arith.constant 0 : i32
        %dma_wait3A_73 = tpu.memref_slice %arg8[%run_scoped3A, %dma_wait3A_72] : memref<1x128xi32, #tpu.memory_space<vmem>> -> memref<1x128xi32, #tpu.memory_space<vmem>>
        %dma_wait3A_74 = tpu.memref_squeeze %dma_wait3A_73 : memref<1x128xi32, #tpu.memory_space<vmem>> -> memref<128xi32, #tpu.memory_space<vmem>>
        %dma_wait3A_75 = tpu.memref_slice %arg4[%multiple_of3A_51] : memref<344064xi32, #tpu.memory_space<hbm>> -> memref<128xi32, #tpu.memory_space<hbm>>
        %dma_wait3A_76 = arith.constant 0 : i32
        %dma_wait3A_77 = tpu.memref_slice %arg8[%run_scoped3A, %dma_wait3A_76] : memref<1x128xi32, #tpu.memory_space<vmem>> -> memref<1x128xi32, #tpu.memory_space<vmem>>
        %dma_wait3A_78 = tpu.memref_squeeze %dma_wait3A_77 : memref<1x128xi32, #tpu.memory_space<vmem>> -> memref<128xi32, #tpu.memory_space<vmem>>
        %dma_wait3A_79 = tpu.memref_slice %arg4[%multiple_of3A_51] : memref<344064xi32, #tpu.memory_space<hbm>> -> memref<128xi32, #tpu.memory_space<hbm>>
        tpu.wait_dma2 semaphore(%run_scoped3A_63 : memref<!tpu.dma_semaphore, #tpu.memory_space<semaphore_mem>>) src(%dma_wait3A_79 : memref<128xi32, #tpu.memory_space<hbm>>) dst(%dma_wait3A_78 : memref<128xi32, #tpu.memory_space<vmem>>)
        tpu.yield
      }) : () -> ()
      "tpu.region"() ({
        %run_scoped3A_63 = tpu.sem_alloc : memref<!tpu.dma_semaphore, #tpu.memory_space<semaphore_mem>>
        %dma_start3A_64 = tpu.memref_slice %arg5[%multiple_of3A_51] : memref<344064xi32, #tpu.memory_space<hbm>> -> memref<128xi32, #tpu.memory_space<hbm>>
        %dma_start3A_65 = tpu.memref_slice %arg5[%multiple_of3A_51] : memref<344064xi32, #tpu.memory_space<hbm>> -> memref<128xi32, #tpu.memory_space<hbm>>
        tpu.enqueue_dma source(%dma_start3A_65 : memref<128xi32, #tpu.memory_space<hbm>>) target(%arg9 : memref<128xi32, #tpu.memory_space<vmem>>) target_semaphore(%run_scoped3A_63 : memref<!tpu.dma_semaphore, #tpu.memory_space<semaphore_mem>>)
        %dma_wait3A_66 = tpu.memref_slice %arg5[%multiple_of3A_51] : memref<344064xi32, #tpu.memory_space<hbm>> -> memref<128xi32, #tpu.memory_space<hbm>>
        %dma_wait3A_67 = tpu.memref_slice %arg5[%multiple_of3A_51] : memref<344064xi32, #tpu.memory_space<hbm>> -> memref<128xi32, #tpu.memory_space<hbm>>
        tpu.wait_dma2 semaphore(%run_scoped3A_63 : memref<!tpu.dma_semaphore, #tpu.memory_space<semaphore_mem>>) src(%dma_wait3A_67 : memref<128xi32, #tpu.memory_space<hbm>>) dst(%arg9 : memref<128xi32, #tpu.memory_space<vmem>>)
        tpu.yield
      }) : () -> ()
      %dma_start3A = arith.constant 0 : i32
      %dma_start3A_52 = arith.constant 0 : i32
      %dma_start3A_53 = tpu.memref_slice %arg2[%dma_start3A, %dma_start3A_52] : memref<10000x128xf32, #tpu.memory_space<hbm>> -> memref<10000x128xf32, #tpu.memory_space<hbm>>
      tpu.enqueue_indirect_dma source(%dma_start3A_53 : memref<10000x128xf32, #tpu.memory_space<hbm>>) target(%arg10 : memref<128x128xf32, #tpu.memory_space<vmem>>) offsets(%arg9 : memref<128xi32, #tpu.memory_space<vmem>>) semaphore(%arg12 : memref<!tpu.dma_semaphore, #tpu.memory_space<semaphore_mem>>)
      %dma_wait3A = arith.constant 0 : i32
      %dma_wait3A_54 = arith.constant 0 : i32
      %dma_wait3A_55 = tpu.memref_slice %arg2[%dma_wait3A, %dma_wait3A_54] : memref<10000x128xf32, #tpu.memory_space<hbm>> -> memref<10000x128xf32, #tpu.memory_space<hbm>>
      tpu.wait_indirect_dma semaphore(%arg12 : memref<!tpu.dma_semaphore, #tpu.memory_space<semaphore_mem>>) src(%dma_wait3A_55 : memref<10000x128xf32, #tpu.memory_space<hbm>>) dst(%arg10 : memref<128x128xf32, #tpu.memory_space<vmem>>)
      "tpu.region"() ({
        %run_scoped3A_63 = tpu.sem_alloc : memref<!tpu.dma_semaphore, #tpu.memory_space<semaphore_mem>>
        %dma_start3A_64 = arith.constant 0 : i32
        %dma_start3A_65 = tpu.memref_slice %arg3[%multiple_of3A_51, %dma_start3A_64] : memref<344064x128xf32, #tpu.memory_space<hbm>> -> memref<128x128xf32, #tpu.memory_space<hbm>>
        %dma_start3A_66 = arith.constant 0 : i32
        %dma_start3A_67 = tpu.memref_slice %arg3[%multiple_of3A_51, %dma_start3A_66] : memref<344064x128xf32, #tpu.memory_space<hbm>> -> memref<128x128xf32, #tpu.memory_space<hbm>>
        tpu.enqueue_dma source(%dma_start3A_67 : memref<128x128xf32, #tpu.memory_space<hbm>>) target(%arg11 : memref<128x128xf32, #tpu.memory_space<vmem>>) target_semaphore(%run_scoped3A_63 : memref<!tpu.dma_semaphore, #tpu.memory_space<semaphore_mem>>)
        %dma_wait3A_68 = arith.constant 0 : i32
        %dma_wait3A_69 = tpu.memref_slice %arg3[%multiple_of3A_51, %dma_wait3A_68] : memref<344064x128xf32, #tpu.memory_space<hbm>> -> memref<128x128xf32, #tpu.memory_space<hbm>>
        %dma_wait3A_70 = arith.constant 0 : i32
        %dma_wait3A_71 = tpu.memref_slice %arg3[%multiple_of3A_51, %dma_wait3A_70] : memref<344064x128xf32, #tpu.memory_space<hbm>> -> memref<128x128xf32, #tpu.memory_space<hbm>>
        tpu.wait_dma2 semaphore(%run_scoped3A_63 : memref<!tpu.dma_semaphore, #tpu.memory_space<semaphore_mem>>) src(%dma_wait3A_71 : memref<128x128xf32, #tpu.memory_space<hbm>>) dst(%arg11 : memref<128x128xf32, #tpu.memory_space<vmem>>)
        tpu.yield
      }) : () -> ()
      %scan3A_56 = arith.constant 0 : i32
      %scan3A_57 = arith.constant 0 : i32
      %scan3A_58 = arith.constant 128 : i32
      %scan3A_59 = arith.addi %scan3A_57, %scan3A_58 : i32
      %scan3A_60 = arith.constant 1 : i32
      scf.for %scan3A_63 = %scan3A_57 to %scan3A_59 step %scan3A_60  : i32 {
        %get3A = arith.index_cast %scan3A_63 : i32 to index
        %get3A_64 = arith.constant 0 : index
        %get3A_65 = tpu.vector_load %arg10[%get3A, %get3A_64] {strides = array<i32>} : memref<128x128xf32, #tpu.memory_space<vmem>>, vector<16xf32>,
        %get3A_66 = arith.index_cast %scan3A_63 : i32 to index
        %get3A_67 = arith.constant 0 : index
        %get3A_68 = tpu.vector_load %arg11[%get3A_66, %get3A_67] {strides = array<i32>} : memref<128x128xf32, #tpu.memory_space<vmem>>, vector<16xf32>,
        %mul3A_69 = arith.mulf %get3A_65, %get3A_68 : vector<16xf32>
        %swap3A = arith.index_cast %scan3A_63 : i32 to index
        %swap3A_70 = arith.constant 0 : index
        %swap3A_71 = tpu.vector_load %arg10[%swap3A, %swap3A_70] {strides = array<i32>} : memref<128x128xf32, #tpu.memory_space<vmem>>, vector<16xf32>,
        tpu.vector_store %arg10[%swap3A, %swap3A_70], %mul3A_69 {strides = array<i32>} : memref<128x128xf32, #tpu.memory_space<vmem>>, vector<16xf32>,
        %get3A_72 = arith.index_cast %scan3A_63 : i32 to index
        %get3A_73 = arith.constant 16 : index
        %get3A_74 = tpu.vector_load %arg10[%get3A_72, %get3A_73] {strides = array<i32>} : memref<128x128xf32, #tpu.memory_space<vmem>>, vector<16xf32>,
        %get3A_75 = arith.index_cast %scan3A_63 : i32 to index
        %get3A_76 = arith.constant 16 : index
        %get3A_77 = tpu.vector_load %arg11[%get3A_75, %get3A_76] {strides = array<i32>} : memref<128x128xf32, #tpu.memory_space<vmem>>, vector<16xf32>,
        %mul3A_78 = arith.mulf %get3A_74, %get3A_77 : vector<16xf32>
        %swap3A_79 = arith.index_cast %scan3A_63 : i32 to index
        %swap3A_80 = arith.constant 16 : index
        %swap3A_81 = tpu.vector_load %arg10[%swap3A_79, %swap3A_80] {strides = array<i32>} : memref<128x128xf32, #tpu.memory_space<vmem>>, vector<16xf32>,
        tpu.vector_store %arg10[%swap3A_79, %swap3A_80], %mul3A_78 {strides = array<i32>} : memref<128x128xf32, #tpu.memory_space<vmem>>, vector<16xf32>,
        %get3A_82 = arith.index_cast %scan3A_63 : i32 to index
        %get3A_83 = arith.constant 32 : index
        %get3A_84 = tpu.vector_load %arg10[%get3A_82, %get3A_83] {strides = array<i32>} : memref<128x128xf32, #tpu.memory_space<vmem>>, vector<16xf32>,
        %get3A_85 = arith.index_cast %scan3A_63 : i32 to index
        %get3A_86 = arith.constant 32 : index
        %get3A_87 = tpu.vector_load %arg11[%get3A_85, %get3A_86] {strides = array<i32>} : memref<128x128xf32, #tpu.memory_space<vmem>>, vector<16xf32>,
        %mul3A_88 = arith.mulf %get3A_84, %get3A_87 : vector<16xf32>
        %swap3A_89 = arith.index_cast %scan3A_63 : i32 to index
        %swap3A_90 = arith.constant 32 : index
        %swap3A_91 = tpu.vector_load %arg10[%swap3A_89, %swap3A_90] {strides = array<i32>} : memref<128x128xf32, #tpu.memory_space<vmem>>, vector<16xf32>,
        tpu.vector_store %arg10[%swap3A_89, %swap3A_90], %mul3A_88 {strides = array<i32>} : memref<128x128xf32, #tpu.memory_space<vmem>>, vector<16xf32>,
        %get3A_92 = arith.index_cast %scan3A_63 : i32 to index
        %get3A_93 = arith.constant 48 : index
        %get3A_94 = tpu.vector_load %arg10[%get3A_92, %get3A_93] {strides = array<i32>} : memref<128x128xf32, #tpu.memory_space<vmem>>, vector<16xf32>,
        %get3A_95 = arith.index_cast %scan3A_63 : i32 to index
        %get3A_96 = arith.constant 48 : index
        %get3A_97 = tpu.vector_load %arg11[%get3A_95, %get3A_96] {strides = array<i32>} : memref<128x128xf32, #tpu.memory_space<vmem>>, vector<16xf32>,
        %mul3A_98 = arith.mulf %get3A_94, %get3A_97 : vector<16xf32>
        %swap3A_99 = arith.index_cast %scan3A_63 : i32 to index
        %swap3A_100 = arith.constant 48 : index
        %swap3A_101 = tpu.vector_load %arg10[%swap3A_99, %swap3A_100] {strides = array<i32>} : memref<128x128xf32, #tpu.memory_space<vmem>>, vector<16xf32>,
        tpu.vector_store %arg10[%swap3A_99, %swap3A_100], %mul3A_98 {strides = array<i32>} : memref<128x128xf32, #tpu.memory_space<vmem>>, vector<16xf32>,
        %get3A_102 = arith.index_cast %scan3A_63 : i32 to index
        %get3A_103 = arith.constant 64 : index
        %get3A_104 = tpu.vector_load %arg10[%get3A_102, %get3A_103] {strides = array<i32>} : memref<128x128xf32, #tpu.memory_space<vmem>>, vector<16xf32>,
        %get3A_105 = arith.index_cast %scan3A_63 : i32 to index
        %get3A_106 = arith.constant 64 : index
        %get3A_107 = tpu.vector_load %arg11[%get3A_105, %get3A_106] {strides = array<i32>} : memref<128x128xf32, #tpu.memory_space<vmem>>, vector<16xf32>,
        %mul3A_108 = arith.mulf %get3A_104, %get3A_107 : vector<16xf32>
        %swap3A_109 = arith.index_cast %scan3A_63 : i32 to index
        %swap3A_110 = arith.constant 64 : index
        %swap3A_111 = tpu.vector_load %arg10[%swap3A_109, %swap3A_110] {strides = array<i32>} : memref<128x128xf32, #tpu.memory_space<vmem>>, vector<16xf32>,
        tpu.vector_store %arg10[%swap3A_109, %swap3A_110], %mul3A_108 {strides = array<i32>} : memref<128x128xf32, #tpu.memory_space<vmem>>, vector<16xf32>,
        %get3A_112 = arith.index_cast %scan3A_63 : i32 to index
        %get3A_113 = arith.constant 80 : index
        %get3A_114 = tpu.vector_load %arg10[%get3A_112, %get3A_113] {strides = array<i32>} : memref<128x128xf32, #tpu.memory_space<vmem>>, vector<16xf32>,
        %get3A_115 = arith.index_cast %scan3A_63 : i32 to index
        %get3A_116 = arith.constant 80 : index
        %get3A_117 = tpu.vector_load %arg11[%get3A_115, %get3A_116] {strides = array<i32>} : memref<128x128xf32, #tpu.memory_space<vmem>>, vector<16xf32>,
        %mul3A_118 = arith.mulf %get3A_114, %get3A_117 : vector<16xf32>
        %swap3A_119 = arith.index_cast %scan3A_63 : i32 to index
        %swap3A_120 = arith.constant 80 : index
        %swap3A_121 = tpu.vector_load %arg10[%swap3A_119, %swap3A_120] {strides = array<i32>} : memref<128x128xf32, #tpu.memory_space<vmem>>, vector<16xf32>,
        tpu.vector_store %arg10[%swap3A_119, %swap3A_120], %mul3A_118 {strides = array<i32>} : memref<128x128xf32, #tpu.memory_space<vmem>>, vector<16xf32>,
        %get3A_122 = arith.index_cast %scan3A_63 : i32 to index
        %get3A_123 = arith.constant 96 : index
        %get3A_124 = tpu.vector_load %arg10[%get3A_122, %get3A_123] {strides = array<i32>} : memref<128x128xf32, #tpu.memory_space<vmem>>, vector<16xf32>,
        %get3A_125 = arith.index_cast %scan3A_63 : i32 to index
        %get3A_126 = arith.constant 96 : index
        %get3A_127 = tpu.vector_load %arg11[%get3A_125, %get3A_126] {strides = array<i32>} : memref<128x128xf32, #tpu.memory_space<vmem>>, vector<16xf32>,
        %mul3A_128 = arith.mulf %get3A_124, %get3A_127 : vector<16xf32>
        %swap3A_129 = arith.index_cast %scan3A_63 : i32 to index
        %swap3A_130 = arith.constant 96 : index
        %swap3A_131 = tpu.vector_load %arg10[%swap3A_129, %swap3A_130] {strides = array<i32>} : memref<128x128xf32, #tpu.memory_space<vmem>>, vector<16xf32>,
        tpu.vector_store %arg10[%swap3A_129, %swap3A_130], %mul3A_128 {strides = array<i32>} : memref<128x128xf32, #tpu.memory_space<vmem>>, vector<16xf32>,
        %get3A_132 = arith.index_cast %scan3A_63 : i32 to index
        %get3A_133 = arith.constant 112 : index
        %get3A_134 = tpu.vector_load %arg10[%get3A_132, %get3A_133] {strides = array<i32>} : memref<128x128xf32, #tpu.memory_space<vmem>>, vector<16xf32>,
        %get3A_135 = arith.index_cast %scan3A_63 : i32 to index
        %get3A_136 = arith.constant 112 : index
        %get3A_137 = tpu.vector_load %arg11[%get3A_135, %get3A_136] {strides = array<i32>} : memref<128x128xf32, #tpu.memory_space<vmem>>, vector<16xf32>,
        %mul3A_138 = arith.mulf %get3A_134, %get3A_137 : vector<16xf32>
        %swap3A_139 = arith.index_cast %scan3A_63 : i32 to index
        %swap3A_140 = arith.constant 112 : index
        %swap3A_141 = tpu.vector_load %arg10[%swap3A_139, %swap3A_140] {strides = array<i32>} : memref<128x128xf32, #tpu.memory_space<vmem>>, vector<16xf32>,
        tpu.vector_store %arg10[%swap3A_139, %swap3A_140], %mul3A_138 {strides = array<i32>} : memref<128x128xf32, #tpu.memory_space<vmem>>, vector<16xf32>,
      }
      %scan3A_61 = arith.constant 128 : i32
      %run_scoped3A_62 = arith.constant 0 : i32
      "tpu.region"() ({
        %run_scoped3A_63 = tpu.sem_alloc : memref<!tpu.dma_semaphore, #tpu.memory_space<semaphore_mem>>
        %dma_start3A_64 = arith.constant 0 : i32
        %dma_start3A_65 = tpu.memref_slice %arg8[%run_scoped3A_62, %dma_start3A_64] : memref<1x128xi32, #tpu.memory_space<vmem>> -> memref<1x128xi32, #tpu.memory_space<vmem>>
        %dma_start3A_66 = tpu.memref_squeeze %dma_start3A_65 : memref<1x128xi32, #tpu.memory_space<vmem>> -> memref<128xi32, #tpu.memory_space<vmem>>
        %dma_start3A_67 = arith.constant 0 : i32
        %dma_start3A_68 = arith.constant 0 : i32
        %dma_start3A_69 = tpu.memref_slice %arg7[%dma_start3A_67, %dma_start3A_68] : memref<10240x128xf32, #tpu.memory_space<vmem_shared>> -> memref<10240x128xf32, #tpu.memory_space<vmem_shared>>
        tpu.enqueue_indirect_dma source(%arg10 : memref<128x128xf32, #tpu.memory_space<vmem>>) target(%dma_start3A_69 : memref<10240x128xf32, #tpu.memory_space<vmem_shared>>) offsets(%dma_start3A_66 : memref<128xi32, #tpu.memory_space<vmem>>) semaphore(%run_scoped3A_63 : memref<!tpu.dma_semaphore, #tpu.memory_space<semaphore_mem>>) {add = true}
        %dma_wait3A_70 = arith.constant 0 : i32
        %dma_wait3A_71 = tpu.memref_slice %arg8[%run_scoped3A_62, %dma_wait3A_70] : memref<1x128xi32, #tpu.memory_space<vmem>> -> memref<1x128xi32, #tpu.memory_space<vmem>>
        %dma_wait3A_72 = tpu.memref_squeeze %dma_wait3A_71 : memref<1x128xi32, #tpu.memory_space<vmem>> -> memref<128xi32, #tpu.memory_space<vmem>>
        %dma_wait3A_73 = arith.constant 0 : i32
        %dma_wait3A_74 = arith.constant 0 : i32
        %dma_wait3A_75 = tpu.memref_slice %arg7[%dma_wait3A_73, %dma_wait3A_74] : memref<10240x128xf32, #tpu.memory_space<vmem_shared>> -> memref<10240x128xf32, #tpu.memory_space<vmem_shared>>
        tpu.wait_indirect_dma semaphore(%run_scoped3A_63 : memref<!tpu.dma_semaphore, #tpu.memory_space<semaphore_mem>>) src(%arg10 : memref<128x128xf32, #tpu.memory_space<vmem>>) dst(%dma_wait3A_75 : memref<10240x128xf32, #tpu.memory_space<vmem_shared>>)
        tpu.yield
      }) : () -> ()
    }
    %scan3A_23 = arith.constant 84 : i32
    %barrier3A_24 = arith.constant 0 : index
    tpu.barrier barrier_id(%barrier3A_24)
    %add3A_25 = arith.constant 0 : i32
    %add3A_26 = arith.addi %multiple_of3A, %add3A_25 : i32
    %add3A_27 = arith.constant 0 : i32
    %add3A_28 = arith.addi %multiple_of3A, %add3A_27 : i32
    "tpu.region"() ({
      %run_scoped3A = tpu.sem_alloc : memref<!tpu.dma_semaphore, #tpu.memory_space<semaphore_mem>>
      %dma_start3A = arith.constant 0 : i32
      %dma_start3A_45 = tpu.memref_slice %arg6[%arg0, %add3A_28, %dma_start3A] : memref<2x10240x128xf32, #tpu.memory_space<hbm>> -> memref<1x128x128xf32, #tpu.memory_space<hbm>>
      %dma_start3A_46 = tpu.memref_squeeze %dma_start3A_45 : memref<1x128x128xf32, #tpu.memory_space<hbm>> -> memref<128x128xf32, #tpu.memory_space<hbm>>
      %dma_start3A_47 = arith.constant 0 : i32
      %dma_start3A_48 = tpu.memref_slice %arg7[%add3A_26, %dma_start3A_47] : memref<10240x128xf32, #tpu.memory_space<vmem_shared>> -> memref<128x128xf32, #tpu.memory_space<vmem_shared>>
      tpu.enqueue_dma source(%dma_start3A_48 : memref<128x128xf32, #tpu.memory_space<vmem_shared>>) target(%dma_start3A_46 : memref<128x128xf32, #tpu.memory_space<hbm>>) target_semaphore(%run_scoped3A : memref<!tpu.dma_semaphore, #tpu.memory_space<semaphore_mem>>)
      %dma_wait3A = arith.constant 0 : i32
      %dma_wait3A_49 = tpu.memref_slice %arg6[%arg0, %add3A_28, %dma_wait3A] : memref<2x10240x128xf32, #tpu.memory_space<hbm>> -> memref<1x128x128xf32, #tpu.memory_space<hbm>>
      %dma_wait3A_50 = tpu.memref_squeeze %dma_wait3A_49 : memref<1x128x128xf32, #tpu.memory_space<hbm>> -> memref<128x128xf32, #tpu.memory_space<hbm>>
      %dma_wait3A_51 = arith.constant 0 : i32
      %dma_wait3A_52 = tpu.memref_slice %arg7[%add3A_26, %dma_wait3A_51] : memref<10240x128xf32, #tpu.memory_space<vmem_shared>> -> memref<128x128xf32, #tpu.memory_space<vmem_shared>>
      tpu.wait_dma2 semaphore(%run_scoped3A : memref<!tpu.dma_semaphore, #tpu.memory_space<semaphore_mem>>) src(%dma_wait3A_52 : memref<128x128xf32, #tpu.memory_space<vmem_shared>>) dst(%dma_wait3A_50 : memref<128x128xf32, #tpu.memory_space<hbm>>)
      tpu.yield
    }) : () -> ()
    %add3A_29 = arith.constant 128 : i32
    %add3A_30 = arith.addi %multiple_of3A, %add3A_29 : i32
    %add3A_31 = arith.constant 128 : i32
    %add3A_32 = arith.addi %multiple_of3A, %add3A_31 : i32
    "tpu.region"() ({
      %run_scoped3A = tpu.sem_alloc : memref<!tpu.dma_semaphore, #tpu.memory_space<semaphore_mem>>
      %dma_start3A = arith.constant 0 : i32
      %dma_start3A_45 = tpu.memref_slice %arg6[%arg0, %add3A_32, %dma_start3A] : memref<2x10240x128xf32, #tpu.memory_space<hbm>> -> memref<1x128x128xf32, #tpu.memory_space<hbm>>
      %dma_start3A_46 = tpu.memref_squeeze %dma_start3A_45 : memref<1x128x128xf32, #tpu.memory_space<hbm>> -> memref<128x128xf32, #tpu.memory_space<hbm>>
      %dma_start3A_47 = arith.constant 0 : i32
      %dma_start3A_48 = tpu.memref_slice %arg7[%add3A_30, %dma_start3A_47] : memref<10240x128xf32, #tpu.memory_space<vmem_shared>> -> memref<128x128xf32, #tpu.memory_space<vmem_shared>>
      tpu.enqueue_dma source(%dma_start3A_48 : memref<128x128xf32, #tpu.memory_space<vmem_shared>>) target(%dma_start3A_46 : memref<128x128xf32, #tpu.memory_space<hbm>>) target_semaphore(%run_scoped3A : memref<!tpu.dma_semaphore, #tpu.memory_space<semaphore_mem>>)
      %dma_wait3A = arith.constant 0 : i32
      %dma_wait3A_49 = tpu.memref_slice %arg6[%arg0, %add3A_32, %dma_wait3A] : memref<2x10240x128xf32, #tpu.memory_space<hbm>> -> memref<1x128x128xf32, #tpu.memory_space<hbm>>
      %dma_wait3A_50 = tpu.memref_squeeze %dma_wait3A_49 : memref<1x128x128xf32, #tpu.memory_space<hbm>> -> memref<128x128xf32, #tpu.memory_space<hbm>>
      %dma_wait3A_51 = arith.constant 0 : i32
      %dma_wait3A_52 = tpu.memref_slice %arg7[%add3A_30, %dma_wait3A_51] : memref<10240x128xf32, #tpu.memory_space<vmem_shared>> -> memref<128x128xf32, #tpu.memory_space<vmem_shared>>
      tpu.wait_dma2 semaphore(%run_scoped3A : memref<!tpu.dma_semaphore, #tpu.memory_space<semaphore_mem>>) src(%dma_wait3A_52 : memref<128x128xf32, #tpu.memory_space<vmem_shared>>) dst(%dma_wait3A_50 : memref<128x128xf32, #tpu.memory_space<hbm>>)
      tpu.yield
    }) : () -> ()
    %add3A_33 = arith.constant 256 : i32
    %add3A_34 = arith.addi %multiple_of3A, %add3A_33 : i32
    %add3A_35 = arith.constant 256 : i32
    %add3A_36 = arith.addi %multiple_of3A, %add3A_35 : i32
    "tpu.region"() ({
      %run_scoped3A = tpu.sem_alloc : memref<!tpu.dma_semaphore, #tpu.memory_space<semaphore_mem>>
      %dma_start3A = arith.constant 0 : i32
      %dma_start3A_45 = tpu.memref_slice %arg6[%arg0, %add3A_36, %dma_start3A] : memref<2x10240x128xf32, #tpu.memory_space<hbm>> -> memref<1x128x128xf32, #tpu.memory_space<hbm>>
      %dma_start3A_46 = tpu.memref_squeeze %dma_start3A_45 : memref<1x128x128xf32, #tpu.memory_space<hbm>> -> memref<128x128xf32, #tpu.memory_space<hbm>>
      %dma_start3A_47 = arith.constant 0 : i32
      %dma_start3A_48 = tpu.memref_slice %arg7[%add3A_34, %dma_start3A_47] : memref<10240x128xf32, #tpu.memory_space<vmem_shared>> -> memref<128x128xf32, #tpu.memory_space<vmem_shared>>
      tpu.enqueue_dma source(%dma_start3A_48 : memref<128x128xf32, #tpu.memory_space<vmem_shared>>) target(%dma_start3A_46 : memref<128x128xf32, #tpu.memory_space<hbm>>) target_semaphore(%run_scoped3A : memref<!tpu.dma_semaphore, #tpu.memory_space<semaphore_mem>>)
      %dma_wait3A = arith.constant 0 : i32
      %dma_wait3A_49 = tpu.memref_slice %arg6[%arg0, %add3A_36, %dma_wait3A] : memref<2x10240x128xf32, #tpu.memory_space<hbm>> -> memref<1x128x128xf32, #tpu.memory_space<hbm>>
      %dma_wait3A_50 = tpu.memref_squeeze %dma_wait3A_49 : memref<1x128x128xf32, #tpu.memory_space<hbm>> -> memref<128x128xf32, #tpu.memory_space<hbm>>
      %dma_wait3A_51 = arith.constant 0 : i32
      %dma_wait3A_52 = tpu.memref_slice %arg7[%add3A_34, %dma_wait3A_51] : memref<10240x128xf32, #tpu.memory_space<vmem_shared>> -> memref<128x128xf32, #tpu.memory_space<vmem_shared>>
      tpu.wait_dma2 semaphore(%run_scoped3A : memref<!tpu.dma_semaphore, #tpu.memory_space<semaphore_mem>>) src(%dma_wait3A_52 : memref<128x128xf32, #tpu.memory_space<vmem_shared>>) dst(%dma_wait3A_50 : memref<128x128xf32, #tpu.memory_space<hbm>>)
      tpu.yield
    }) : () -> ()
    %add3A_37 = arith.constant 384 : i32
    %add3A_38 = arith.addi %multiple_of3A, %add3A_37 : i32
    %add3A_39 = arith.constant 384 : i32
    %add3A_40 = arith.addi %multiple_of3A, %add3A_39 : i32
    "tpu.region"() ({
      %run_scoped3A = tpu.sem_alloc : memref<!tpu.dma_semaphore, #tpu.memory_space<semaphore_mem>>
      %dma_start3A = arith.constant 0 : i32
      %dma_start3A_45 = tpu.memref_slice %arg6[%arg0, %add3A_40, %dma_start3A] : memref<2x10240x128xf32, #tpu.memory_space<hbm>> -> memref<1x128x128xf32, #tpu.memory_space<hbm>>
      %dma_start3A_46 = tpu.memref_squeeze %dma_start3A_45 : memref<1x128x128xf32, #tpu.memory_space<hbm>> -> memref<128x128xf32, #tpu.memory_space<hbm>>
      %dma_start3A_47 = arith.constant 0 : i32
      %dma_start3A_48 = tpu.memref_slice %arg7[%add3A_38, %dma_start3A_47] : memref<10240x128xf32, #tpu.memory_space<vmem_shared>> -> memref<128x128xf32, #tpu.memory_space<vmem_shared>>
      tpu.enqueue_dma source(%dma_start3A_48 : memref<128x128xf32, #tpu.memory_space<vmem_shared>>) target(%dma_start3A_46 : memref<128x128xf32, #tpu.memory_space<hbm>>) target_semaphore(%run_scoped3A : memref<!tpu.dma_semaphore, #tpu.memory_space<semaphore_mem>>)
      %dma_wait3A = arith.constant 0 : i32
      %dma_wait3A_49 = tpu.memref_slice %arg6[%arg0, %add3A_40, %dma_wait3A] : memref<2x10240x128xf32, #tpu.memory_space<hbm>> -> memref<1x128x128xf32, #tpu.memory_space<hbm>>
      %dma_wait3A_50 = tpu.memref_squeeze %dma_wait3A_49 : memref<1x128x128xf32, #tpu.memory_space<hbm>> -> memref<128x128xf32, #tpu.memory_space<hbm>>
      %dma_wait3A_51 = arith.constant 0 : i32
      %dma_wait3A_52 = tpu.memref_slice %arg7[%add3A_38, %dma_wait3A_51] : memref<10240x128xf32, #tpu.memory_space<vmem_shared>> -> memref<128x128xf32, #tpu.memory_space<vmem_shared>>
      tpu.wait_dma2 semaphore(%run_scoped3A : memref<!tpu.dma_semaphore, #tpu.memory_space<semaphore_mem>>) src(%dma_wait3A_52 : memref<128x128xf32, #tpu.memory_space<vmem_shared>>) dst(%dma_wait3A_50 : memref<128x128xf32, #tpu.memory_space<hbm>>)
      tpu.yield
    }) : () -> ()
    %add3A_41 = arith.constant 512 : i32
    %add3A_42 = arith.addi %multiple_of3A, %add3A_41 : i32
    %add3A_43 = arith.constant 512 : i32
    %add3A_44 = arith.addi %multiple_of3A, %add3A_43 : i32
    "tpu.region"() ({
      %run_scoped3A = tpu.sem_alloc : memref<!tpu.dma_semaphore, #tpu.memory_space<semaphore_mem>>
      %dma_start3A = arith.constant 0 : i32
      %dma_start3A_45 = tpu.memref_slice %arg6[%arg0, %add3A_44, %dma_start3A] : memref<2x10240x128xf32, #tpu.memory_space<hbm>> -> memref<1x128x128xf32, #tpu.memory_space<hbm>>
      %dma_start3A_46 = tpu.memref_squeeze %dma_start3A_45 : memref<1x128x128xf32, #tpu.memory_space<hbm>> -> memref<128x128xf32, #tpu.memory_space<hbm>>
      %dma_start3A_47 = arith.constant 0 : i32
      %dma_start3A_48 = tpu.memref_slice %arg7[%add3A_42, %dma_start3A_47] : memref<10240x128xf32, #tpu.memory_space<vmem_shared>> -> memref<128x128xf32, #tpu.memory_space<vmem_shared>>
      tpu.enqueue_dma source(%dma_start3A_48 : memref<128x128xf32, #tpu.memory_space<vmem_shared>>) target(%dma_start3A_46 : memref<128x128xf32, #tpu.memory_space<hbm>>) target_semaphore(%run_scoped3A : memref<!tpu.dma_semaphore, #tpu.memory_space<semaphore_mem>>)
      %dma_wait3A = arith.constant 0 : i32
      %dma_wait3A_49 = tpu.memref_slice %arg6[%arg0, %add3A_44, %dma_wait3A] : memref<2x10240x128xf32, #tpu.memory_space<hbm>> -> memref<1x128x128xf32, #tpu.memory_space<hbm>>
      %dma_wait3A_50 = tpu.memref_squeeze %dma_wait3A_49 : memref<1x128x128xf32, #tpu.memory_space<hbm>> -> memref<128x128xf32, #tpu.memory_space<hbm>>
      %dma_wait3A_51 = arith.constant 0 : i32
      %dma_wait3A_52 = tpu.memref_slice %arg7[%add3A_42, %dma_wait3A_51] : memref<10240x128xf32, #tpu.memory_space<vmem_shared>> -> memref<128x128xf32, #tpu.memory_space<vmem_shared>>
      tpu.wait_dma2 semaphore(%run_scoped3A : memref<!tpu.dma_semaphore, #tpu.memory_space<semaphore_mem>>) src(%dma_wait3A_52 : memref<128x128xf32, #tpu.memory_space<vmem_shared>>) dst(%dma_wait3A_50 : memref<128x128xf32, #tpu.memory_space<hbm>>)
      tpu.yield
    }) : () -> ()
    return
  }
}

#map = affine_map<(d0, d1) -> (0)>
module attributes {stable_mosaic.version = 14 : i64} {
  func.func @dist_kernel(%arg0: i32, %arg1: i32, %arg2: memref<10000xf32, #tpu.memory_space<hbm>>, %arg3: memref<10000xf32, #tpu.memory_space<hbm>>, %arg4: memref<10000xf32, #tpu.memory_space<hbm>>, %arg5: memref<320000xi32, #tpu.memory_space<hbm>>, %arg6: memref<320000xi32, #tpu.memory_space<hbm>>, %arg7: memref<320000xf32, #tpu.memory_space<hbm>>, %arg8: memref<10000xf32, #tpu.memory_space<vmem>>, %arg9: memref<10000xf32, #tpu.memory_space<vmem>>, %arg10: memref<10000xf32, #tpu.memory_space<vmem>>, %arg11: memref<10000xi32, #tpu.memory_space<vmem>>, %arg12: memref<10000xi32, #tpu.memory_space<vmem>>, %arg13: memref<10000xf32, #tpu.memory_space<vmem>>) attributes {dimension_semantics = [#tpu.dimension_semantics<core_parallel>, #tpu.dimension_semantics<subcore_parallel>], iteration_bounds = array<i64: 2, 16>, scalar_prefetch = 0 : i64, scratch_operands = 6 : i64, tpu.core_type = #tpu.core_type<sc_vector_subcore>, window_params = [{transform_indices = #map}, {transform_indices = #map}, {transform_indices = #map}, {transform_indices = #map}, {transform_indices = #map}, {transform_indices = #map}]} {
    %mul3A = arith.constant 16 : i32
    %mul3A_0 = arith.muli %arg0, %mul3A : i32
    %add3A = arith.addi %mul3A_0, %arg1 : i32
    %mul3A_1 = arith.constant 10000 : i32
    %mul3A_2 = arith.muli %add3A, %mul3A_1 : i32
    %multiple_of3A = tpu.assume_multiple %mul3A_2, 8 : i32
    "tpu.region"() ({
      %run_scoped3A = tpu.sem_alloc : memref<!tpu.dma_semaphore, #tpu.memory_space<semaphore_mem>>
      tpu.enqueue_dma source(%arg2 : memref<10000xf32, #tpu.memory_space<hbm>>) target(%arg8 : memref<10000xf32, #tpu.memory_space<vmem>>) target_semaphore(%run_scoped3A : memref<!tpu.dma_semaphore, #tpu.memory_space<semaphore_mem>>)
      tpu.wait_dma2 semaphore(%run_scoped3A : memref<!tpu.dma_semaphore, #tpu.memory_space<semaphore_mem>>) src(%arg2 : memref<10000xf32, #tpu.memory_space<hbm>>) dst(%arg8 : memref<10000xf32, #tpu.memory_space<vmem>>)
      tpu.yield
    }) : () -> ()
    "tpu.region"() ({
      %run_scoped3A = tpu.sem_alloc : memref<!tpu.dma_semaphore, #tpu.memory_space<semaphore_mem>>
      tpu.enqueue_dma source(%arg3 : memref<10000xf32, #tpu.memory_space<hbm>>) target(%arg9 : memref<10000xf32, #tpu.memory_space<vmem>>) target_semaphore(%run_scoped3A : memref<!tpu.dma_semaphore, #tpu.memory_space<semaphore_mem>>)
      tpu.wait_dma2 semaphore(%run_scoped3A : memref<!tpu.dma_semaphore, #tpu.memory_space<semaphore_mem>>) src(%arg3 : memref<10000xf32, #tpu.memory_space<hbm>>) dst(%arg9 : memref<10000xf32, #tpu.memory_space<vmem>>)
      tpu.yield
    }) : () -> ()
    "tpu.region"() ({
      %run_scoped3A = tpu.sem_alloc : memref<!tpu.dma_semaphore, #tpu.memory_space<semaphore_mem>>
      tpu.enqueue_dma source(%arg4 : memref<10000xf32, #tpu.memory_space<hbm>>) target(%arg10 : memref<10000xf32, #tpu.memory_space<vmem>>) target_semaphore(%run_scoped3A : memref<!tpu.dma_semaphore, #tpu.memory_space<semaphore_mem>>)
      tpu.wait_dma2 semaphore(%run_scoped3A : memref<!tpu.dma_semaphore, #tpu.memory_space<semaphore_mem>>) src(%arg4 : memref<10000xf32, #tpu.memory_space<hbm>>) dst(%arg10 : memref<10000xf32, #tpu.memory_space<vmem>>)
      tpu.yield
    }) : () -> ()
    "tpu.region"() ({
      %run_scoped3A = tpu.sem_alloc : memref<!tpu.dma_semaphore, #tpu.memory_space<semaphore_mem>>
      %dma_start3A = tpu.memref_slice %arg5[%multiple_of3A] : memref<320000xi32, #tpu.memory_space<hbm>> -> memref<10000xi32, #tpu.memory_space<hbm>>
      %dma_start3A_8 = tpu.memref_slice %arg5[%multiple_of3A] : memref<320000xi32, #tpu.memory_space<hbm>> -> memref<10000xi32, #tpu.memory_space<hbm>>
      tpu.enqueue_dma source(%dma_start3A_8 : memref<10000xi32, #tpu.memory_space<hbm>>) target(%arg11 : memref<10000xi32, #tpu.memory_space<vmem>>) target_semaphore(%run_scoped3A : memref<!tpu.dma_semaphore, #tpu.memory_space<semaphore_mem>>)
      %dma_wait3A = tpu.memref_slice %arg5[%multiple_of3A] : memref<320000xi32, #tpu.memory_space<hbm>> -> memref<10000xi32, #tpu.memory_space<hbm>>
      %dma_wait3A_9 = tpu.memref_slice %arg5[%multiple_of3A] : memref<320000xi32, #tpu.memory_space<hbm>> -> memref<10000xi32, #tpu.memory_space<hbm>>
      tpu.wait_dma2 semaphore(%run_scoped3A : memref<!tpu.dma_semaphore, #tpu.memory_space<semaphore_mem>>) src(%dma_wait3A_9 : memref<10000xi32, #tpu.memory_space<hbm>>) dst(%arg11 : memref<10000xi32, #tpu.memory_space<vmem>>)
      tpu.yield
    }) : () -> ()
    "tpu.region"() ({
      %run_scoped3A = tpu.sem_alloc : memref<!tpu.dma_semaphore, #tpu.memory_space<semaphore_mem>>
      %dma_start3A = tpu.memref_slice %arg6[%multiple_of3A] : memref<320000xi32, #tpu.memory_space<hbm>> -> memref<10000xi32, #tpu.memory_space<hbm>>
      %dma_start3A_8 = tpu.memref_slice %arg6[%multiple_of3A] : memref<320000xi32, #tpu.memory_space<hbm>> -> memref<10000xi32, #tpu.memory_space<hbm>>
      tpu.enqueue_dma source(%dma_start3A_8 : memref<10000xi32, #tpu.memory_space<hbm>>) target(%arg12 : memref<10000xi32, #tpu.memory_space<vmem>>) target_semaphore(%run_scoped3A : memref<!tpu.dma_semaphore, #tpu.memory_space<semaphore_mem>>)
      %dma_wait3A = tpu.memref_slice %arg6[%multiple_of3A] : memref<320000xi32, #tpu.memory_space<hbm>> -> memref<10000xi32, #tpu.memory_space<hbm>>
      %dma_wait3A_9 = tpu.memref_slice %arg6[%multiple_of3A] : memref<320000xi32, #tpu.memory_space<hbm>> -> memref<10000xi32, #tpu.memory_space<hbm>>
      tpu.wait_dma2 semaphore(%run_scoped3A : memref<!tpu.dma_semaphore, #tpu.memory_space<semaphore_mem>>) src(%dma_wait3A_9 : memref<10000xi32, #tpu.memory_space<hbm>>) dst(%arg12 : memref<10000xi32, #tpu.memory_space<vmem>>)
      tpu.yield
    }) : () -> ()
    %scan3A = arith.constant 0 : i32
    %scan3A_3 = arith.constant 0 : i32
    %scan3A_4 = arith.constant 625 : i32
    %scan3A_5 = arith.addi %scan3A_3, %scan3A_4 : i32
    %scan3A_6 = arith.constant 1 : i32
    scf.for %scan3A_8 = %scan3A_3 to %scan3A_5 step %scan3A_6  : i32 {
      %mul3A_9 = arith.constant 16 : i32
      %mul3A_10 = arith.muli %scan3A_8, %mul3A_9 : i32
      %get3A = arith.index_cast %mul3A_10 : i32 to index
      %get3A_11 = tpu.vector_load %arg11[%get3A] {strides = array<i32>} : memref<10000xi32, #tpu.memory_space<vmem>>, vector<16xi32>,
      %get3A_12 = arith.index_cast %mul3A_10 : i32 to index
      %get3A_13 = tpu.vector_load %arg12[%get3A_12] {strides = array<i32>} : memref<10000xi32, #tpu.memory_space<vmem>>, vector<16xi32>,
      %gather3A = tpu.vector_load_idx %arg8[%get3A_11] : memref<10000xf32, #tpu.memory_space<vmem>>[vector<16xi32>], vector<16xf32>,
      %gather3A_14 = tpu.vector_load_idx %arg8[%get3A_13] : memref<10000xf32, #tpu.memory_space<vmem>>[vector<16xi32>], vector<16xf32>,
      %sub3A = arith.subf %gather3A, %gather3A_14 : vector<16xf32>
      %gather3A_15 = tpu.vector_load_idx %arg9[%get3A_11] : memref<10000xf32, #tpu.memory_space<vmem>>[vector<16xi32>], vector<16xf32>,
      %gather3A_16 = tpu.vector_load_idx %arg9[%get3A_13] : memref<10000xf32, #tpu.memory_space<vmem>>[vector<16xi32>], vector<16xf32>,
      %sub3A_17 = arith.subf %gather3A_15, %gather3A_16 : vector<16xf32>
      %gather3A_18 = tpu.vector_load_idx %arg10[%get3A_11] : memref<10000xf32, #tpu.memory_space<vmem>>[vector<16xi32>], vector<16xf32>,
      %gather3A_19 = tpu.vector_load_idx %arg10[%get3A_13] : memref<10000xf32, #tpu.memory_space<vmem>>[vector<16xi32>], vector<16xf32>,
      %sub3A_20 = arith.subf %gather3A_18, %gather3A_19 : vector<16xf32>
      %mul3A_21 = arith.mulf %sub3A, %sub3A : vector<16xf32>
      %mul3A_22 = arith.mulf %sub3A_17, %sub3A_17 : vector<16xf32>
      %add3A_23 = arith.addf %mul3A_21, %mul3A_22 : vector<16xf32>
      %mul3A_24 = arith.mulf %sub3A_20, %sub3A_20 : vector<16xf32>
      %add3A_25 = arith.addf %add3A_23, %mul3A_24 : vector<16xf32>
      %swap3A = arith.index_cast %mul3A_10 : i32 to index
      %swap3A_26 = tpu.vector_load %arg13[%swap3A] {strides = array<i32>} : memref<10000xf32, #tpu.memory_space<vmem>>, vector<16xf32>,
      tpu.vector_store %arg13[%swap3A], %add3A_25 {strides = array<i32>} : memref<10000xf32, #tpu.memory_space<vmem>>, vector<16xf32>,
    }
    %scan3A_7 = arith.constant 625 : i32
    "tpu.region"() ({
      %run_scoped3A = tpu.sem_alloc : memref<!tpu.dma_semaphore, #tpu.memory_space<semaphore_mem>>
      %dma_start3A = tpu.memref_slice %arg7[%multiple_of3A] : memref<320000xf32, #tpu.memory_space<hbm>> -> memref<10000xf32, #tpu.memory_space<hbm>>
      %dma_start3A_8 = tpu.memref_slice %arg7[%multiple_of3A] : memref<320000xf32, #tpu.memory_space<hbm>> -> memref<10000xf32, #tpu.memory_space<hbm>>
      tpu.enqueue_dma source(%arg13 : memref<10000xf32, #tpu.memory_space<vmem>>) target(%dma_start3A_8 : memref<10000xf32, #tpu.memory_space<hbm>>) target_semaphore(%run_scoped3A : memref<!tpu.dma_semaphore, #tpu.memory_space<semaphore_mem>>)
      %dma_wait3A = tpu.memref_slice %arg7[%multiple_of3A] : memref<320000xf32, #tpu.memory_space<hbm>> -> memref<10000xf32, #tpu.memory_space<hbm>>
      %dma_wait3A_9 = tpu.memref_slice %arg7[%multiple_of3A] : memref<320000xf32, #tpu.memory_space<hbm>> -> memref<10000xf32, #tpu.memory_space<hbm>>
      tpu.wait_dma2 semaphore(%run_scoped3A : memref<!tpu.dma_semaphore, #tpu.memory_space<semaphore_mem>>) src(%arg13 : memref<10000xf32, #tpu.memory_space<vmem>>) dst(%dma_wait3A_9 : memref<10000xf32, #tpu.memory_space<hbm>>)
      tpu.yield
    }) : () -> ()
    return
  }
}

#map = affine_map<(d0, d1) -> (0, 0)>
#map1 = affine_map<(d0, d1) -> (0)>
#map2 = affine_map<(d0, d1) -> (0, 0, 0)>
module attributes {stable_mosaic.version = 14 : i64} {
  func.func @msg_kernel(%arg0: i32, %arg1: i32, %arg2: memref<10000x128xf32, #tpu.memory_space<hbm>>, %arg3: memref<344064x128xf32, #tpu.memory_space<hbm>>, %arg4: memref<344064xi32, #tpu.memory_space<hbm>>, %arg5: memref<344064xi32, #tpu.memory_space<hbm>>, %arg6: memref<2x10240x128xf32, #tpu.memory_space<hbm>>, %arg7: memref<10240x128xf32, #tpu.memory_space<vmem_shared>>, %arg8: memref<1x128xi32, #tpu.memory_space<vmem>>, %arg9: memref<128xi32, #tpu.memory_space<vmem>>, %arg10: memref<128x128xf32, #tpu.memory_space<vmem>>, %arg11: memref<128x128xf32, #tpu.memory_space<vmem>>, %arg12: memref<!tpu.dma_semaphore, #tpu.memory_space<semaphore_mem>>) attributes {dimension_semantics = [#tpu.dimension_semantics<core_parallel>, #tpu.dimension_semantics<subcore_parallel>], iteration_bounds = array<i64: 2, 16>, scalar_prefetch = 0 : i64, scratch_operands = 6 : i64, tpu.core_type = #tpu.core_type<sc_vector_subcore>, window_params = [{transform_indices = #map}, {transform_indices = #map}, {transform_indices = #map1}, {transform_indices = #map1}, {transform_indices = #map2}]} {
    %mul3A = arith.constant 16 : i32
    %mul3A_0 = arith.muli %arg0, %mul3A : i32
    %add3A = arith.addi %mul3A_0, %arg1 : i32
    %scan3A = arith.constant 0 : i32
    %scan3A_1 = arith.constant 0 : i32
    %scan3A_2 = arith.constant 128 : i32
    %scan3A_3 = arith.addi %scan3A_1, %scan3A_2 : i32
    %scan3A_4 = arith.constant 1 : i32
    scf.for %scan3A_45 = %scan3A_1 to %scan3A_3 step %scan3A_4  : i32 {
      %broadcast_in_dim3A = arith.constant 0.000000e+00 : f32
      %broadcast_in_dim3A_46 = vector.broadcast %broadcast_in_dim3A : f32 to vector<16xf32>
      %swap3A = arith.index_cast %scan3A_45 : i32 to index
      %swap3A_47 = arith.constant 0 : index
      %swap3A_48 = tpu.vector_load %arg11[%swap3A, %swap3A_47] {strides = array<i32>} : memref<128x128xf32, #tpu.memory_space<vmem>>, vector<16xf32>,
      tpu.vector_store %arg11[%swap3A, %swap3A_47], %broadcast_in_dim3A_46 {strides = array<i32>} : memref<128x128xf32, #tpu.memory_space<vmem>>, vector<16xf32>,
      %broadcast_in_dim3A_49 = arith.constant 0.000000e+00 : f32
      %broadcast_in_dim3A_50 = vector.broadcast %broadcast_in_dim3A_49 : f32 to vector<16xf32>
      %swap3A_51 = arith.index_cast %scan3A_45 : i32 to index
      %swap3A_52 = arith.constant 16 : index
      %swap3A_53 = tpu.vector_load %arg11[%swap3A_51, %swap3A_52] {strides = array<i32>} : memref<128x128xf32, #tpu.memory_space<vmem>>, vector<16xf32>,
      tpu.vector_store %arg11[%swap3A_51, %swap3A_52], %broadcast_in_dim3A_50 {strides = array<i32>} : memref<128x128xf32, #tpu.memory_space<vmem>>, vector<16xf32>,
      %broadcast_in_dim3A_54 = arith.constant 0.000000e+00 : f32
      %broadcast_in_dim3A_55 = vector.broadcast %broadcast_in_dim3A_54 : f32 to vector<16xf32>
      %swap3A_56 = arith.index_cast %scan3A_45 : i32 to index
      %swap3A_57 = arith.constant 32 : index
      %swap3A_58 = tpu.vector_load %arg11[%swap3A_56, %swap3A_57] {strides = array<i32>} : memref<128x128xf32, #tpu.memory_space<vmem>>, vector<16xf32>,
      tpu.vector_store %arg11[%swap3A_56, %swap3A_57], %broadcast_in_dim3A_55 {strides = array<i32>} : memref<128x128xf32, #tpu.memory_space<vmem>>, vector<16xf32>,
      %broadcast_in_dim3A_59 = arith.constant 0.000000e+00 : f32
      %broadcast_in_dim3A_60 = vector.broadcast %broadcast_in_dim3A_59 : f32 to vector<16xf32>
      %swap3A_61 = arith.index_cast %scan3A_45 : i32 to index
      %swap3A_62 = arith.constant 48 : index
      %swap3A_63 = tpu.vector_load %arg11[%swap3A_61, %swap3A_62] {strides = array<i32>} : memref<128x128xf32, #tpu.memory_space<vmem>>, vector<16xf32>,
      tpu.vector_store %arg11[%swap3A_61, %swap3A_62], %broadcast_in_dim3A_60 {strides = array<i32>} : memref<128x128xf32, #tpu.memory_space<vmem>>, vector<16xf32>,
      %broadcast_in_dim3A_64 = arith.constant 0.000000e+00 : f32
      %broadcast_in_dim3A_65 = vector.broadcast %broadcast_in_dim3A_64 : f32 to vector<16xf32>
      %swap3A_66 = arith.index_cast %scan3A_45 : i32 to index
      %swap3A_67 = arith.constant 64 : index
      %swap3A_68 = tpu.vector_load %arg11[%swap3A_66, %swap3A_67] {strides = array<i32>} : memref<128x128xf32, #tpu.memory_space<vmem>>, vector<16xf32>,
      tpu.vector_store %arg11[%swap3A_66, %swap3A_67], %broadcast_in_dim3A_65 {strides = array<i32>} : memref<128x128xf32, #tpu.memory_space<vmem>>, vector<16xf32>,
      %broadcast_in_dim3A_69 = arith.constant 0.000000e+00 : f32
      %broadcast_in_dim3A_70 = vector.broadcast %broadcast_in_dim3A_69 : f32 to vector<16xf32>
      %swap3A_71 = arith.index_cast %scan3A_45 : i32 to index
      %swap3A_72 = arith.constant 80 : index
      %swap3A_73 = tpu.vector_load %arg11[%swap3A_71, %swap3A_72] {strides = array<i32>} : memref<128x128xf32, #tpu.memory_space<vmem>>, vector<16xf32>,
      tpu.vector_store %arg11[%swap3A_71, %swap3A_72], %broadcast_in_dim3A_70 {strides = array<i32>} : memref<128x128xf32, #tpu.memory_space<vmem>>, vector<16xf32>,
      %broadcast_in_dim3A_74 = arith.constant 0.000000e+00 : f32
      %broadcast_in_dim3A_75 = vector.broadcast %broadcast_in_dim3A_74 : f32 to vector<16xf32>
      %swap3A_76 = arith.index_cast %scan3A_45 : i32 to index
      %swap3A_77 = arith.constant 96 : index
      %swap3A_78 = tpu.vector_load %arg11[%swap3A_76, %swap3A_77] {strides = array<i32>} : memref<128x128xf32, #tpu.memory_space<vmem>>, vector<16xf32>,
      tpu.vector_store %arg11[%swap3A_76, %swap3A_77], %broadcast_in_dim3A_75 {strides = array<i32>} : memref<128x128xf32, #tpu.memory_space<vmem>>, vector<16xf32>,
      %broadcast_in_dim3A_79 = arith.constant 0.000000e+00 : f32
      %broadcast_in_dim3A_80 = vector.broadcast %broadcast_in_dim3A_79 : f32 to vector<16xf32>
      %swap3A_81 = arith.index_cast %scan3A_45 : i32 to index
      %swap3A_82 = arith.constant 112 : index
      %swap3A_83 = tpu.vector_load %arg11[%swap3A_81, %swap3A_82] {strides = array<i32>} : memref<128x128xf32, #tpu.memory_space<vmem>>, vector<16xf32>,
      tpu.vector_store %arg11[%swap3A_81, %swap3A_82], %broadcast_in_dim3A_80 {strides = array<i32>} : memref<128x128xf32, #tpu.memory_space<vmem>>, vector<16xf32>,
    }
    %scan3A_5 = arith.constant 128 : i32
    %mul3A_6 = arith.constant 640 : i32
    %mul3A_7 = arith.muli %arg1, %mul3A_6 : i32
    %multiple_of3A = tpu.assume_multiple %mul3A_7, 128 : i32
    %add3A_8 = arith.constant 0 : i32
    %add3A_9 = arith.addi %multiple_of3A, %add3A_8 : i32
    "tpu.region"() ({
      %run_scoped3A = tpu.sem_alloc : memref<!tpu.dma_semaphore, #tpu.memory_space<semaphore_mem>>
      %dma_start3A = arith.constant 0 : i32
      %dma_start3A_45 = tpu.memref_slice %arg7[%add3A_9, %dma_start3A] : memref<10240x128xf32, #tpu.memory_space<vmem_shared>> -> memref<128x128xf32, #tpu.memory_space<vmem_shared>>
      %dma_start3A_46 = arith.constant 0 : i32
      %dma_start3A_47 = tpu.memref_slice %arg7[%add3A_9, %dma_start3A_46] : memref<10240x128xf32, #tpu.memory_space<vmem_shared>> -> memref<128x128xf32, #tpu.memory_space<vmem_shared>>
      tpu.enqueue_dma source(%arg11 : memref<128x128xf32, #tpu.memory_space<vmem>>) target(%dma_start3A_47 : memref<128x128xf32, #tpu.memory_space<vmem_shared>>) target_semaphore(%run_scoped3A : memref<!tpu.dma_semaphore, #tpu.memory_space<semaphore_mem>>)
      %dma_wait3A = arith.constant 0 : i32
      %dma_wait3A_48 = tpu.memref_slice %arg7[%add3A_9, %dma_wait3A] : memref<10240x128xf32, #tpu.memory_space<vmem_shared>> -> memref<128x128xf32, #tpu.memory_space<vmem_shared>>
      %dma_wait3A_49 = arith.constant 0 : i32
      %dma_wait3A_50 = tpu.memref_slice %arg7[%add3A_9, %dma_wait3A_49] : memref<10240x128xf32, #tpu.memory_space<vmem_shared>> -> memref<128x128xf32, #tpu.memory_space<vmem_shared>>
      tpu.wait_dma2 semaphore(%run_scoped3A : memref<!tpu.dma_semaphore, #tpu.memory_space<semaphore_mem>>) src(%arg11 : memref<128x128xf32, #tpu.memory_space<vmem>>) dst(%dma_wait3A_50 : memref<128x128xf32, #tpu.memory_space<vmem_shared>>)
      tpu.yield
    }) : () -> ()
    %add3A_10 = arith.constant 128 : i32
    %add3A_11 = arith.addi %multiple_of3A, %add3A_10 : i32
    "tpu.region"() ({
      %run_scoped3A = tpu.sem_alloc : memref<!tpu.dma_semaphore, #tpu.memory_space<semaphore_mem>>
      %dma_start3A = arith.constant 0 : i32
      %dma_start3A_45 = tpu.memref_slice %arg7[%add3A_11, %dma_start3A] : memref<10240x128xf32, #tpu.memory_space<vmem_shared>> -> memref<128x128xf32, #tpu.memory_space<vmem_shared>>
      %dma_start3A_46 = arith.constant 0 : i32
      %dma_start3A_47 = tpu.memref_slice %arg7[%add3A_11, %dma_start3A_46] : memref<10240x128xf32, #tpu.memory_space<vmem_shared>> -> memref<128x128xf32, #tpu.memory_space<vmem_shared>>
      tpu.enqueue_dma source(%arg11 : memref<128x128xf32, #tpu.memory_space<vmem>>) target(%dma_start3A_47 : memref<128x128xf32, #tpu.memory_space<vmem_shared>>) target_semaphore(%run_scoped3A : memref<!tpu.dma_semaphore, #tpu.memory_space<semaphore_mem>>)
      %dma_wait3A = arith.constant 0 : i32
      %dma_wait3A_48 = tpu.memref_slice %arg7[%add3A_11, %dma_wait3A] : memref<10240x128xf32, #tpu.memory_space<vmem_shared>> -> memref<128x128xf32, #tpu.memory_space<vmem_shared>>
      %dma_wait3A_49 = arith.constant 0 : i32
      %dma_wait3A_50 = tpu.memref_slice %arg7[%add3A_11, %dma_wait3A_49] : memref<10240x128xf32, #tpu.memory_space<vmem_shared>> -> memref<128x128xf32, #tpu.memory_space<vmem_shared>>
      tpu.wait_dma2 semaphore(%run_scoped3A : memref<!tpu.dma_semaphore, #tpu.memory_space<semaphore_mem>>) src(%arg11 : memref<128x128xf32, #tpu.memory_space<vmem>>) dst(%dma_wait3A_50 : memref<128x128xf32, #tpu.memory_space<vmem_shared>>)
      tpu.yield
    }) : () -> ()
    %add3A_12 = arith.constant 256 : i32
    %add3A_13 = arith.addi %multiple_of3A, %add3A_12 : i32
    "tpu.region"() ({
      %run_scoped3A = tpu.sem_alloc : memref<!tpu.dma_semaphore, #tpu.memory_space<semaphore_mem>>
      %dma_start3A = arith.constant 0 : i32
      %dma_start3A_45 = tpu.memref_slice %arg7[%add3A_13, %dma_start3A] : memref<10240x128xf32, #tpu.memory_space<vmem_shared>> -> memref<128x128xf32, #tpu.memory_space<vmem_shared>>
      %dma_start3A_46 = arith.constant 0 : i32
      %dma_start3A_47 = tpu.memref_slice %arg7[%add3A_13, %dma_start3A_46] : memref<10240x128xf32, #tpu.memory_space<vmem_shared>> -> memref<128x128xf32, #tpu.memory_space<vmem_shared>>
      tpu.enqueue_dma source(%arg11 : memref<128x128xf32, #tpu.memory_space<vmem>>) target(%dma_start3A_47 : memref<128x128xf32, #tpu.memory_space<vmem_shared>>) target_semaphore(%run_scoped3A : memref<!tpu.dma_semaphore, #tpu.memory_space<semaphore_mem>>)
      %dma_wait3A = arith.constant 0 : i32
      %dma_wait3A_48 = tpu.memref_slice %arg7[%add3A_13, %dma_wait3A] : memref<10240x128xf32, #tpu.memory_space<vmem_shared>> -> memref<128x128xf32, #tpu.memory_space<vmem_shared>>
      %dma_wait3A_49 = arith.constant 0 : i32
      %dma_wait3A_50 = tpu.memref_slice %arg7[%add3A_13, %dma_wait3A_49] : memref<10240x128xf32, #tpu.memory_space<vmem_shared>> -> memref<128x128xf32, #tpu.memory_space<vmem_shared>>
      tpu.wait_dma2 semaphore(%run_scoped3A : memref<!tpu.dma_semaphore, #tpu.memory_space<semaphore_mem>>) src(%arg11 : memref<128x128xf32, #tpu.memory_space<vmem>>) dst(%dma_wait3A_50 : memref<128x128xf32, #tpu.memory_space<vmem_shared>>)
      tpu.yield
    }) : () -> ()
    %add3A_14 = arith.constant 384 : i32
    %add3A_15 = arith.addi %multiple_of3A, %add3A_14 : i32
    "tpu.region"() ({
      %run_scoped3A = tpu.sem_alloc : memref<!tpu.dma_semaphore, #tpu.memory_space<semaphore_mem>>
      %dma_start3A = arith.constant 0 : i32
      %dma_start3A_45 = tpu.memref_slice %arg7[%add3A_15, %dma_start3A] : memref<10240x128xf32, #tpu.memory_space<vmem_shared>> -> memref<128x128xf32, #tpu.memory_space<vmem_shared>>
      %dma_start3A_46 = arith.constant 0 : i32
      %dma_start3A_47 = tpu.memref_slice %arg7[%add3A_15, %dma_start3A_46] : memref<10240x128xf32, #tpu.memory_space<vmem_shared>> -> memref<128x128xf32, #tpu.memory_space<vmem_shared>>
      tpu.enqueue_dma source(%arg11 : memref<128x128xf32, #tpu.memory_space<vmem>>) target(%dma_start3A_47 : memref<128x128xf32, #tpu.memory_space<vmem_shared>>) target_semaphore(%run_scoped3A : memref<!tpu.dma_semaphore, #tpu.memory_space<semaphore_mem>>)
      %dma_wait3A = arith.constant 0 : i32
      %dma_wait3A_48 = tpu.memref_slice %arg7[%add3A_15, %dma_wait3A] : memref<10240x128xf32, #tpu.memory_space<vmem_shared>> -> memref<128x128xf32, #tpu.memory_space<vmem_shared>>
      %dma_wait3A_49 = arith.constant 0 : i32
      %dma_wait3A_50 = tpu.memref_slice %arg7[%add3A_15, %dma_wait3A_49] : memref<10240x128xf32, #tpu.memory_space<vmem_shared>> -> memref<128x128xf32, #tpu.memory_space<vmem_shared>>
      tpu.wait_dma2 semaphore(%run_scoped3A : memref<!tpu.dma_semaphore, #tpu.memory_space<semaphore_mem>>) src(%arg11 : memref<128x128xf32, #tpu.memory_space<vmem>>) dst(%dma_wait3A_50 : memref<128x128xf32, #tpu.memory_space<vmem_shared>>)
      tpu.yield
    }) : () -> ()
    %add3A_16 = arith.constant 512 : i32
    %add3A_17 = arith.addi %multiple_of3A, %add3A_16 : i32
    "tpu.region"() ({
      %run_scoped3A = tpu.sem_alloc : memref<!tpu.dma_semaphore, #tpu.memory_space<semaphore_mem>>
      %dma_start3A = arith.constant 0 : i32
      %dma_start3A_45 = tpu.memref_slice %arg7[%add3A_17, %dma_start3A] : memref<10240x128xf32, #tpu.memory_space<vmem_shared>> -> memref<128x128xf32, #tpu.memory_space<vmem_shared>>
      %dma_start3A_46 = arith.constant 0 : i32
      %dma_start3A_47 = tpu.memref_slice %arg7[%add3A_17, %dma_start3A_46] : memref<10240x128xf32, #tpu.memory_space<vmem_shared>> -> memref<128x128xf32, #tpu.memory_space<vmem_shared>>
      tpu.enqueue_dma source(%arg11 : memref<128x128xf32, #tpu.memory_space<vmem>>) target(%dma_start3A_47 : memref<128x128xf32, #tpu.memory_space<vmem_shared>>) target_semaphore(%run_scoped3A : memref<!tpu.dma_semaphore, #tpu.memory_space<semaphore_mem>>)
      %dma_wait3A = arith.constant 0 : i32
      %dma_wait3A_48 = tpu.memref_slice %arg7[%add3A_17, %dma_wait3A] : memref<10240x128xf32, #tpu.memory_space<vmem_shared>> -> memref<128x128xf32, #tpu.memory_space<vmem_shared>>
      %dma_wait3A_49 = arith.constant 0 : i32
      %dma_wait3A_50 = tpu.memref_slice %arg7[%add3A_17, %dma_wait3A_49] : memref<10240x128xf32, #tpu.memory_space<vmem_shared>> -> memref<128x128xf32, #tpu.memory_space<vmem_shared>>
      tpu.wait_dma2 semaphore(%run_scoped3A : memref<!tpu.dma_semaphore, #tpu.memory_space<semaphore_mem>>) src(%arg11 : memref<128x128xf32, #tpu.memory_space<vmem>>) dst(%dma_wait3A_50 : memref<128x128xf32, #tpu.memory_space<vmem_shared>>)
      tpu.yield
    }) : () -> ()
    %barrier3A = arith.constant 0 : index
    tpu.barrier barrier_id(%barrier3A)
    %scan3A_18 = arith.constant 0 : i32
    %scan3A_19 = arith.constant 0 : i32
    %scan3A_20 = arith.constant 84 : i32
    %scan3A_21 = arith.addi %scan3A_19, %scan3A_20 : i32
    %scan3A_22 = arith.constant 1 : i32
    scf.for %scan3A_45 = %scan3A_19 to %scan3A_21 step %scan3A_22  : i32 {
      %mul3A_46 = arith.constant 32 : i32
      %mul3A_47 = arith.muli %scan3A_45, %mul3A_46 : i32
      %add3A_48 = arith.addi %mul3A_47, %add3A : i32
      %mul3A_49 = arith.constant 128 : i32
      %mul3A_50 = arith.muli %add3A_48, %mul3A_49 : i32
      %multiple_of3A_51 = tpu.assume_multiple %mul3A_50, 8 : i32
      %run_scoped3A = arith.constant 0 : i32
      "tpu.region"() ({
        %run_scoped3A_63 = tpu.sem_alloc : memref<!tpu.dma_semaphore, #tpu.memory_space<semaphore_mem>>
        %dma_start3A_64 = arith.constant 0 : i32
        %dma_start3A_65 = tpu.memref_slice %arg8[%run_scoped3A, %dma_start3A_64] : memref<1x128xi32, #tpu.memory_space<vmem>> -> memref<1x128xi32, #tpu.memory_space<vmem>>
        %dma_start3A_66 = tpu.memref_squeeze %dma_start3A_65 : memref<1x128xi32, #tpu.memory_space<vmem>> -> memref<128xi32, #tpu.memory_space<vmem>>
        %dma_start3A_67 = tpu.memref_slice %arg4[%multiple_of3A_51] : memref<344064xi32, #tpu.memory_space<hbm>> -> memref<128xi32, #tpu.memory_space<hbm>>
        %dma_start3A_68 = arith.constant 0 : i32
        %dma_start3A_69 = tpu.memref_slice %arg8[%run_scoped3A, %dma_start3A_68] : memref<1x128xi32, #tpu.memory_space<vmem>> -> memref<1x128xi32, #tpu.memory_space<vmem>>
        %dma_start3A_70 = tpu.memref_squeeze %dma_start3A_69 : memref<1x128xi32, #tpu.memory_space<vmem>> -> memref<128xi32, #tpu.memory_space<vmem>>
        %dma_start3A_71 = tpu.memref_slice %arg4[%multiple_of3A_51] : memref<344064xi32, #tpu.memory_space<hbm>> -> memref<128xi32, #tpu.memory_space<hbm>>
        tpu.enqueue_dma source(%dma_start3A_71 : memref<128xi32, #tpu.memory_space<hbm>>) target(%dma_start3A_70 : memref<128xi32, #tpu.memory_space<vmem>>) target_semaphore(%run_scoped3A_63 : memref<!tpu.dma_semaphore, #tpu.memory_space<semaphore_mem>>)
        %dma_wait3A_72 = arith.constant 0 : i32
        %dma_wait3A_73 = tpu.memref_slice %arg8[%run_scoped3A, %dma_wait3A_72] : memref<1x128xi32, #tpu.memory_space<vmem>> -> memref<1x128xi32, #tpu.memory_space<vmem>>
        %dma_wait3A_74 = tpu.memref_squeeze %dma_wait3A_73 : memref<1x128xi32, #tpu.memory_space<vmem>> -> memref<128xi32, #tpu.memory_space<vmem>>
        %dma_wait3A_75 = tpu.memref_slice %arg4[%multiple_of3A_51] : memref<344064xi32, #tpu.memory_space<hbm>> -> memref<128xi32, #tpu.memory_space<hbm>>
        %dma_wait3A_76 = arith.constant 0 : i32
        %dma_wait3A_77 = tpu.memref_slice %arg8[%run_scoped3A, %dma_wait3A_76] : memref<1x128xi32, #tpu.memory_space<vmem>> -> memref<1x128xi32, #tpu.memory_space<vmem>>
        %dma_wait3A_78 = tpu.memref_squeeze %dma_wait3A_77 : memref<1x128xi32, #tpu.memory_space<vmem>> -> memref<128xi32, #tpu.memory_space<vmem>>
        %dma_wait3A_79 = tpu.memref_slice %arg4[%multiple_of3A_51] : memref<344064xi32, #tpu.memory_space<hbm>> -> memref<128xi32, #tpu.memory_space<hbm>>
        tpu.wait_dma2 semaphore(%run_scoped3A_63 : memref<!tpu.dma_semaphore, #tpu.memory_space<semaphore_mem>>) src(%dma_wait3A_79 : memref<128xi32, #tpu.memory_space<hbm>>) dst(%dma_wait3A_78 : memref<128xi32, #tpu.memory_space<vmem>>)
        tpu.yield
      }) : () -> ()
      "tpu.region"() ({
        %run_scoped3A_63 = tpu.sem_alloc : memref<!tpu.dma_semaphore, #tpu.memory_space<semaphore_mem>>
        %dma_start3A_64 = tpu.memref_slice %arg5[%multiple_of3A_51] : memref<344064xi32, #tpu.memory_space<hbm>> -> memref<128xi32, #tpu.memory_space<hbm>>
        %dma_start3A_65 = tpu.memref_slice %arg5[%multiple_of3A_51] : memref<344064xi32, #tpu.memory_space<hbm>> -> memref<128xi32, #tpu.memory_space<hbm>>
        tpu.enqueue_dma source(%dma_start3A_65 : memref<128xi32, #tpu.memory_space<hbm>>) target(%arg9 : memref<128xi32, #tpu.memory_space<vmem>>) target_semaphore(%run_scoped3A_63 : memref<!tpu.dma_semaphore, #tpu.memory_space<semaphore_mem>>)
        %dma_wait3A_66 = tpu.memref_slice %arg5[%multiple_of3A_51] : memref<344064xi32, #tpu.memory_space<hbm>> -> memref<128xi32, #tpu.memory_space<hbm>>
        %dma_wait3A_67 = tpu.memref_slice %arg5[%multiple_of3A_51] : memref<344064xi32, #tpu.memory_space<hbm>> -> memref<128xi32, #tpu.memory_space<hbm>>
        tpu.wait_dma2 semaphore(%run_scoped3A_63 : memref<!tpu.dma_semaphore, #tpu.memory_space<semaphore_mem>>) src(%dma_wait3A_67 : memref<128xi32, #tpu.memory_space<hbm>>) dst(%arg9 : memref<128xi32, #tpu.memory_space<vmem>>)
        tpu.yield
      }) : () -> ()
      %dma_start3A = arith.constant 0 : i32
      %dma_start3A_52 = arith.constant 0 : i32
      %dma_start3A_53 = tpu.memref_slice %arg2[%dma_start3A, %dma_start3A_52] : memref<10000x128xf32, #tpu.memory_space<hbm>> -> memref<10000x128xf32, #tpu.memory_space<hbm>>
      tpu.enqueue_indirect_dma source(%dma_start3A_53 : memref<10000x128xf32, #tpu.memory_space<hbm>>) target(%arg10 : memref<128x128xf32, #tpu.memory_space<vmem>>) offsets(%arg9 : memref<128xi32, #tpu.memory_space<vmem>>) semaphore(%arg12 : memref<!tpu.dma_semaphore, #tpu.memory_space<semaphore_mem>>)
      %dma_wait3A = arith.constant 0 : i32
      %dma_wait3A_54 = arith.constant 0 : i32
      %dma_wait3A_55 = tpu.memref_slice %arg2[%dma_wait3A, %dma_wait3A_54] : memref<10000x128xf32, #tpu.memory_space<hbm>> -> memref<10000x128xf32, #tpu.memory_space<hbm>>
      tpu.wait_indirect_dma semaphore(%arg12 : memref<!tpu.dma_semaphore, #tpu.memory_space<semaphore_mem>>) src(%dma_wait3A_55 : memref<10000x128xf32, #tpu.memory_space<hbm>>) dst(%arg10 : memref<128x128xf32, #tpu.memory_space<vmem>>)
      "tpu.region"() ({
        %run_scoped3A_63 = tpu.sem_alloc : memref<!tpu.dma_semaphore, #tpu.memory_space<semaphore_mem>>
        %dma_start3A_64 = arith.constant 0 : i32
        %dma_start3A_65 = tpu.memref_slice %arg3[%multiple_of3A_51, %dma_start3A_64] : memref<344064x128xf32, #tpu.memory_space<hbm>> -> memref<128x128xf32, #tpu.memory_space<hbm>>
        %dma_start3A_66 = arith.constant 0 : i32
        %dma_start3A_67 = tpu.memref_slice %arg3[%multiple_of3A_51, %dma_start3A_66] : memref<344064x128xf32, #tpu.memory_space<hbm>> -> memref<128x128xf32, #tpu.memory_space<hbm>>
        tpu.enqueue_dma source(%dma_start3A_67 : memref<128x128xf32, #tpu.memory_space<hbm>>) target(%arg11 : memref<128x128xf32, #tpu.memory_space<vmem>>) target_semaphore(%run_scoped3A_63 : memref<!tpu.dma_semaphore, #tpu.memory_space<semaphore_mem>>)
        %dma_wait3A_68 = arith.constant 0 : i32
        %dma_wait3A_69 = tpu.memref_slice %arg3[%multiple_of3A_51, %dma_wait3A_68] : memref<344064x128xf32, #tpu.memory_space<hbm>> -> memref<128x128xf32, #tpu.memory_space<hbm>>
        %dma_wait3A_70 = arith.constant 0 : i32
        %dma_wait3A_71 = tpu.memref_slice %arg3[%multiple_of3A_51, %dma_wait3A_70] : memref<344064x128xf32, #tpu.memory_space<hbm>> -> memref<128x128xf32, #tpu.memory_space<hbm>>
        tpu.wait_dma2 semaphore(%run_scoped3A_63 : memref<!tpu.dma_semaphore, #tpu.memory_space<semaphore_mem>>) src(%dma_wait3A_71 : memref<128x128xf32, #tpu.memory_space<hbm>>) dst(%arg11 : memref<128x128xf32, #tpu.memory_space<vmem>>)
        tpu.yield
      }) : () -> ()
      %scan3A_56 = arith.constant 0 : i32
      %scan3A_57 = arith.constant 0 : i32
      %scan3A_58 = arith.constant 128 : i32
      %scan3A_59 = arith.addi %scan3A_57, %scan3A_58 : i32
      %scan3A_60 = arith.constant 1 : i32
      scf.for %scan3A_63 = %scan3A_57 to %scan3A_59 step %scan3A_60  : i32 {
        %get3A = arith.index_cast %scan3A_63 : i32 to index
        %get3A_64 = arith.constant 0 : index
        %get3A_65 = tpu.vector_load %arg10[%get3A, %get3A_64] {strides = array<i32>} : memref<128x128xf32, #tpu.memory_space<vmem>>, vector<16xf32>,
        %get3A_66 = arith.index_cast %scan3A_63 : i32 to index
        %get3A_67 = arith.constant 0 : index
        %get3A_68 = tpu.vector_load %arg11[%get3A_66, %get3A_67] {strides = array<i32>} : memref<128x128xf32, #tpu.memory_space<vmem>>, vector<16xf32>,
        %mul3A_69 = arith.mulf %get3A_65, %get3A_68 : vector<16xf32>
        %swap3A = arith.index_cast %scan3A_63 : i32 to index
        %swap3A_70 = arith.constant 0 : index
        %swap3A_71 = tpu.vector_load %arg10[%swap3A, %swap3A_70] {strides = array<i32>} : memref<128x128xf32, #tpu.memory_space<vmem>>, vector<16xf32>,
        tpu.vector_store %arg10[%swap3A, %swap3A_70], %mul3A_69 {strides = array<i32>} : memref<128x128xf32, #tpu.memory_space<vmem>>, vector<16xf32>,
        %get3A_72 = arith.index_cast %scan3A_63 : i32 to index
        %get3A_73 = arith.constant 16 : index
        %get3A_74 = tpu.vector_load %arg10[%get3A_72, %get3A_73] {strides = array<i32>} : memref<128x128xf32, #tpu.memory_space<vmem>>, vector<16xf32>,
        %get3A_75 = arith.index_cast %scan3A_63 : i32 to index
        %get3A_76 = arith.constant 16 : index
        %get3A_77 = tpu.vector_load %arg11[%get3A_75, %get3A_76] {strides = array<i32>} : memref<128x128xf32, #tpu.memory_space<vmem>>, vector<16xf32>,
        %mul3A_78 = arith.mulf %get3A_74, %get3A_77 : vector<16xf32>
        %swap3A_79 = arith.index_cast %scan3A_63 : i32 to index
        %swap3A_80 = arith.constant 16 : index
        %swap3A_81 = tpu.vector_load %arg10[%swap3A_79, %swap3A_80] {strides = array<i32>} : memref<128x128xf32, #tpu.memory_space<vmem>>, vector<16xf32>,
        tpu.vector_store %arg10[%swap3A_79, %swap3A_80], %mul3A_78 {strides = array<i32>} : memref<128x128xf32, #tpu.memory_space<vmem>>, vector<16xf32>,
        %get3A_82 = arith.index_cast %scan3A_63 : i32 to index
        %get3A_83 = arith.constant 32 : index
        %get3A_84 = tpu.vector_load %arg10[%get3A_82, %get3A_83] {strides = array<i32>} : memref<128x128xf32, #tpu.memory_space<vmem>>, vector<16xf32>,
        %get3A_85 = arith.index_cast %scan3A_63 : i32 to index
        %get3A_86 = arith.constant 32 : index
        %get3A_87 = tpu.vector_load %arg11[%get3A_85, %get3A_86] {strides = array<i32>} : memref<128x128xf32, #tpu.memory_space<vmem>>, vector<16xf32>,
        %mul3A_88 = arith.mulf %get3A_84, %get3A_87 : vector<16xf32>
        %swap3A_89 = arith.index_cast %scan3A_63 : i32 to index
        %swap3A_90 = arith.constant 32 : index
        %swap3A_91 = tpu.vector_load %arg10[%swap3A_89, %swap3A_90] {strides = array<i32>} : memref<128x128xf32, #tpu.memory_space<vmem>>, vector<16xf32>,
        tpu.vector_store %arg10[%swap3A_89, %swap3A_90], %mul3A_88 {strides = array<i32>} : memref<128x128xf32, #tpu.memory_space<vmem>>, vector<16xf32>,
        %get3A_92 = arith.index_cast %scan3A_63 : i32 to index
        %get3A_93 = arith.constant 48 : index
        %get3A_94 = tpu.vector_load %arg10[%get3A_92, %get3A_93] {strides = array<i32>} : memref<128x128xf32, #tpu.memory_space<vmem>>, vector<16xf32>,
        %get3A_95 = arith.index_cast %scan3A_63 : i32 to index
        %get3A_96 = arith.constant 48 : index
        %get3A_97 = tpu.vector_load %arg11[%get3A_95, %get3A_96] {strides = array<i32>} : memref<128x128xf32, #tpu.memory_space<vmem>>, vector<16xf32>,
        %mul3A_98 = arith.mulf %get3A_94, %get3A_97 : vector<16xf32>
        %swap3A_99 = arith.index_cast %scan3A_63 : i32 to index
        %swap3A_100 = arith.constant 48 : index
        %swap3A_101 = tpu.vector_load %arg10[%swap3A_99, %swap3A_100] {strides = array<i32>} : memref<128x128xf32, #tpu.memory_space<vmem>>, vector<16xf32>,
        tpu.vector_store %arg10[%swap3A_99, %swap3A_100], %mul3A_98 {strides = array<i32>} : memref<128x128xf32, #tpu.memory_space<vmem>>, vector<16xf32>,
        %get3A_102 = arith.index_cast %scan3A_63 : i32 to index
        %get3A_103 = arith.constant 64 : index
        %get3A_104 = tpu.vector_load %arg10[%get3A_102, %get3A_103] {strides = array<i32>} : memref<128x128xf32, #tpu.memory_space<vmem>>, vector<16xf32>,
        %get3A_105 = arith.index_cast %scan3A_63 : i32 to index
        %get3A_106 = arith.constant 64 : index
        %get3A_107 = tpu.vector_load %arg11[%get3A_105, %get3A_106] {strides = array<i32>} : memref<128x128xf32, #tpu.memory_space<vmem>>, vector<16xf32>,
        %mul3A_108 = arith.mulf %get3A_104, %get3A_107 : vector<16xf32>
        %swap3A_109 = arith.index_cast %scan3A_63 : i32 to index
        %swap3A_110 = arith.constant 64 : index
        %swap3A_111 = tpu.vector_load %arg10[%swap3A_109, %swap3A_110] {strides = array<i32>} : memref<128x128xf32, #tpu.memory_space<vmem>>, vector<16xf32>,
        tpu.vector_store %arg10[%swap3A_109, %swap3A_110], %mul3A_108 {strides = array<i32>} : memref<128x128xf32, #tpu.memory_space<vmem>>, vector<16xf32>,
        %get3A_112 = arith.index_cast %scan3A_63 : i32 to index
        %get3A_113 = arith.constant 80 : index
        %get3A_114 = tpu.vector_load %arg10[%get3A_112, %get3A_113] {strides = array<i32>} : memref<128x128xf32, #tpu.memory_space<vmem>>, vector<16xf32>,
        %get3A_115 = arith.index_cast %scan3A_63 : i32 to index
        %get3A_116 = arith.constant 80 : index
        %get3A_117 = tpu.vector_load %arg11[%get3A_115, %get3A_116] {strides = array<i32>} : memref<128x128xf32, #tpu.memory_space<vmem>>, vector<16xf32>,
        %mul3A_118 = arith.mulf %get3A_114, %get3A_117 : vector<16xf32>
        %swap3A_119 = arith.index_cast %scan3A_63 : i32 to index
        %swap3A_120 = arith.constant 80 : index
        %swap3A_121 = tpu.vector_load %arg10[%swap3A_119, %swap3A_120] {strides = array<i32>} : memref<128x128xf32, #tpu.memory_space<vmem>>, vector<16xf32>,
        tpu.vector_store %arg10[%swap3A_119, %swap3A_120], %mul3A_118 {strides = array<i32>} : memref<128x128xf32, #tpu.memory_space<vmem>>, vector<16xf32>,
        %get3A_122 = arith.index_cast %scan3A_63 : i32 to index
        %get3A_123 = arith.constant 96 : index
        %get3A_124 = tpu.vector_load %arg10[%get3A_122, %get3A_123] {strides = array<i32>} : memref<128x128xf32, #tpu.memory_space<vmem>>, vector<16xf32>,
        %get3A_125 = arith.index_cast %scan3A_63 : i32 to index
        %get3A_126 = arith.constant 96 : index
        %get3A_127 = tpu.vector_load %arg11[%get3A_125, %get3A_126] {strides = array<i32>} : memref<128x128xf32, #tpu.memory_space<vmem>>, vector<16xf32>,
        %mul3A_128 = arith.mulf %get3A_124, %get3A_127 : vector<16xf32>
        %swap3A_129 = arith.index_cast %scan3A_63 : i32 to index
        %swap3A_130 = arith.constant 96 : index
        %swap3A_131 = tpu.vector_load %arg10[%swap3A_129, %swap3A_130] {strides = array<i32>} : memref<128x128xf32, #tpu.memory_space<vmem>>, vector<16xf32>,
        tpu.vector_store %arg10[%swap3A_129, %swap3A_130], %mul3A_128 {strides = array<i32>} : memref<128x128xf32, #tpu.memory_space<vmem>>, vector<16xf32>,
        %get3A_132 = arith.index_cast %scan3A_63 : i32 to index
        %get3A_133 = arith.constant 112 : index
        %get3A_134 = tpu.vector_load %arg10[%get3A_132, %get3A_133] {strides = array<i32>} : memref<128x128xf32, #tpu.memory_space<vmem>>, vector<16xf32>,
        %get3A_135 = arith.index_cast %scan3A_63 : i32 to index
        %get3A_136 = arith.constant 112 : index
        %get3A_137 = tpu.vector_load %arg11[%get3A_135, %get3A_136] {strides = array<i32>} : memref<128x128xf32, #tpu.memory_space<vmem>>, vector<16xf32>,
        %mul3A_138 = arith.mulf %get3A_134, %get3A_137 : vector<16xf32>
        %swap3A_139 = arith.index_cast %scan3A_63 : i32 to index
        %swap3A_140 = arith.constant 112 : index
        %swap3A_141 = tpu.vector_load %arg10[%swap3A_139, %swap3A_140] {strides = array<i32>} : memref<128x128xf32, #tpu.memory_space<vmem>>, vector<16xf32>,
        tpu.vector_store %arg10[%swap3A_139, %swap3A_140], %mul3A_138 {strides = array<i32>} : memref<128x128xf32, #tpu.memory_space<vmem>>, vector<16xf32>,
      }
      %scan3A_61 = arith.constant 128 : i32
      %run_scoped3A_62 = arith.constant 0 : i32
      "tpu.region"() ({
        %run_scoped3A_63 = tpu.sem_alloc : memref<!tpu.dma_semaphore, #tpu.memory_space<semaphore_mem>>
        %dma_start3A_64 = arith.constant 0 : i32
        %dma_start3A_65 = tpu.memref_slice %arg8[%run_scoped3A_62, %dma_start3A_64] : memref<1x128xi32, #tpu.memory_space<vmem>> -> memref<1x128xi32, #tpu.memory_space<vmem>>
        %dma_start3A_66 = tpu.memref_squeeze %dma_start3A_65 : memref<1x128xi32, #tpu.memory_space<vmem>> -> memref<128xi32, #tpu.memory_space<vmem>>
        %dma_start3A_67 = arith.constant 0 : i32
        %dma_start3A_68 = arith.constant 0 : i32
        %dma_start3A_69 = tpu.memref_slice %arg7[%dma_start3A_67, %dma_start3A_68] : memref<10240x128xf32, #tpu.memory_space<vmem_shared>> -> memref<10240x128xf32, #tpu.memory_space<vmem_shared>>
        tpu.enqueue_indirect_dma source(%arg10 : memref<128x128xf32, #tpu.memory_space<vmem>>) target(%dma_start3A_69 : memref<10240x128xf32, #tpu.memory_space<vmem_shared>>) offsets(%dma_start3A_66 : memref<128xi32, #tpu.memory_space<vmem>>) semaphore(%run_scoped3A_63 : memref<!tpu.dma_semaphore, #tpu.memory_space<semaphore_mem>>) {add = true}
        %dma_wait3A_70 = arith.constant 0 : i32
        %dma_wait3A_71 = tpu.memref_slice %arg8[%run_scoped3A_62, %dma_wait3A_70] : memref<1x128xi32, #tpu.memory_space<vmem>> -> memref<1x128xi32, #tpu.memory_space<vmem>>
        %dma_wait3A_72 = tpu.memref_squeeze %dma_wait3A_71 : memref<1x128xi32, #tpu.memory_space<vmem>> -> memref<128xi32, #tpu.memory_space<vmem>>
        %dma_wait3A_73 = arith.constant 0 : i32
        %dma_wait3A_74 = arith.constant 0 : i32
        %dma_wait3A_75 = tpu.memref_slice %arg7[%dma_wait3A_73, %dma_wait3A_74] : memref<10240x128xf32, #tpu.memory_space<vmem_shared>> -> memref<10240x128xf32, #tpu.memory_space<vmem_shared>>
        tpu.wait_indirect_dma semaphore(%run_scoped3A_63 : memref<!tpu.dma_semaphore, #tpu.memory_space<semaphore_mem>>) src(%arg10 : memref<128x128xf32, #tpu.memory_space<vmem>>) dst(%dma_wait3A_75 : memref<10240x128xf32, #tpu.memory_space<vmem_shared>>)
        tpu.yield
      }) : () -> ()
    }
    %scan3A_23 = arith.constant 84 : i32
    %barrier3A_24 = arith.constant 0 : index
    tpu.barrier barrier_id(%barrier3A_24)
    %add3A_25 = arith.constant 0 : i32
    %add3A_26 = arith.addi %multiple_of3A, %add3A_25 : i32
    %add3A_27 = arith.constant 0 : i32
    %add3A_28 = arith.addi %multiple_of3A, %add3A_27 : i32
    "tpu.region"() ({
      %run_scoped3A = tpu.sem_alloc : memref<!tpu.dma_semaphore, #tpu.memory_space<semaphore_mem>>
      %dma_start3A = arith.constant 0 : i32
      %dma_start3A_45 = tpu.memref_slice %arg6[%arg0, %add3A_28, %dma_start3A] : memref<2x10240x128xf32, #tpu.memory_space<hbm>> -> memref<1x128x128xf32, #tpu.memory_space<hbm>>
      %dma_start3A_46 = tpu.memref_squeeze %dma_start3A_45 : memref<1x128x128xf32, #tpu.memory_space<hbm>> -> memref<128x128xf32, #tpu.memory_space<hbm>>
      %dma_start3A_47 = arith.constant 0 : i32
      %dma_start3A_48 = tpu.memref_slice %arg7[%add3A_26, %dma_start3A_47] : memref<10240x128xf32, #tpu.memory_space<vmem_shared>> -> memref<128x128xf32, #tpu.memory_space<vmem_shared>>
      tpu.enqueue_dma source(%dma_start3A_48 : memref<128x128xf32, #tpu.memory_space<vmem_shared>>) target(%dma_start3A_46 : memref<128x128xf32, #tpu.memory_space<hbm>>) target_semaphore(%run_scoped3A : memref<!tpu.dma_semaphore, #tpu.memory_space<semaphore_mem>>)
      %dma_wait3A = arith.constant 0 : i32
      %dma_wait3A_49 = tpu.memref_slice %arg6[%arg0, %add3A_28, %dma_wait3A] : memref<2x10240x128xf32, #tpu.memory_space<hbm>> -> memref<1x128x128xf32, #tpu.memory_space<hbm>>
      %dma_wait3A_50 = tpu.memref_squeeze %dma_wait3A_49 : memref<1x128x128xf32, #tpu.memory_space<hbm>> -> memref<128x128xf32, #tpu.memory_space<hbm>>
      %dma_wait3A_51 = arith.constant 0 : i32
      %dma_wait3A_52 = tpu.memref_slice %arg7[%add3A_26, %dma_wait3A_51] : memref<10240x128xf32, #tpu.memory_space<vmem_shared>> -> memref<128x128xf32, #tpu.memory_space<vmem_shared>>
      tpu.wait_dma2 semaphore(%run_scoped3A : memref<!tpu.dma_semaphore, #tpu.memory_space<semaphore_mem>>) src(%dma_wait3A_52 : memref<128x128xf32, #tpu.memory_space<vmem_shared>>) dst(%dma_wait3A_50 : memref<128x128xf32, #tpu.memory_space<hbm>>)
      tpu.yield
    }) : () -> ()
    %add3A_29 = arith.constant 128 : i32
    %add3A_30 = arith.addi %multiple_of3A, %add3A_29 : i32
    %add3A_31 = arith.constant 128 : i32
    %add3A_32 = arith.addi %multiple_of3A, %add3A_31 : i32
    "tpu.region"() ({
      %run_scoped3A = tpu.sem_alloc : memref<!tpu.dma_semaphore, #tpu.memory_space<semaphore_mem>>
      %dma_start3A = arith.constant 0 : i32
      %dma_start3A_45 = tpu.memref_slice %arg6[%arg0, %add3A_32, %dma_start3A] : memref<2x10240x128xf32, #tpu.memory_space<hbm>> -> memref<1x128x128xf32, #tpu.memory_space<hbm>>
      %dma_start3A_46 = tpu.memref_squeeze %dma_start3A_45 : memref<1x128x128xf32, #tpu.memory_space<hbm>> -> memref<128x128xf32, #tpu.memory_space<hbm>>
      %dma_start3A_47 = arith.constant 0 : i32
      %dma_start3A_48 = tpu.memref_slice %arg7[%add3A_30, %dma_start3A_47] : memref<10240x128xf32, #tpu.memory_space<vmem_shared>> -> memref<128x128xf32, #tpu.memory_space<vmem_shared>>
      tpu.enqueue_dma source(%dma_start3A_48 : memref<128x128xf32, #tpu.memory_space<vmem_shared>>) target(%dma_start3A_46 : memref<128x128xf32, #tpu.memory_space<hbm>>) target_semaphore(%run_scoped3A : memref<!tpu.dma_semaphore, #tpu.memory_space<semaphore_mem>>)
      %dma_wait3A = arith.constant 0 : i32
      %dma_wait3A_49 = tpu.memref_slice %arg6[%arg0, %add3A_32, %dma_wait3A] : memref<2x10240x128xf32, #tpu.memory_space<hbm>> -> memref<1x128x128xf32, #tpu.memory_space<hbm>>
      %dma_wait3A_50 = tpu.memref_squeeze %dma_wait3A_49 : memref<1x128x128xf32, #tpu.memory_space<hbm>> -> memref<128x128xf32, #tpu.memory_space<hbm>>
      %dma_wait3A_51 = arith.constant 0 : i32
      %dma_wait3A_52 = tpu.memref_slice %arg7[%add3A_30, %dma_wait3A_51] : memref<10240x128xf32, #tpu.memory_space<vmem_shared>> -> memref<128x128xf32, #tpu.memory_space<vmem_shared>>
      tpu.wait_dma2 semaphore(%run_scoped3A : memref<!tpu.dma_semaphore, #tpu.memory_space<semaphore_mem>>) src(%dma_wait3A_52 : memref<128x128xf32, #tpu.memory_space<vmem_shared>>) dst(%dma_wait3A_50 : memref<128x128xf32, #tpu.memory_space<hbm>>)
      tpu.yield
    }) : () -> ()
    %add3A_33 = arith.constant 256 : i32
    %add3A_34 = arith.addi %multiple_of3A, %add3A_33 : i32
    %add3A_35 = arith.constant 256 : i32
    %add3A_36 = arith.addi %multiple_of3A, %add3A_35 : i32
    "tpu.region"() ({
      %run_scoped3A = tpu.sem_alloc : memref<!tpu.dma_semaphore, #tpu.memory_space<semaphore_mem>>
      %dma_start3A = arith.constant 0 : i32
      %dma_start3A_45 = tpu.memref_slice %arg6[%arg0, %add3A_36, %dma_start3A] : memref<2x10240x128xf32, #tpu.memory_space<hbm>> -> memref<1x128x128xf32, #tpu.memory_space<hbm>>
      %dma_start3A_46 = tpu.memref_squeeze %dma_start3A_45 : memref<1x128x128xf32, #tpu.memory_space<hbm>> -> memref<128x128xf32, #tpu.memory_space<hbm>>
      %dma_start3A_47 = arith.constant 0 : i32
      %dma_start3A_48 = tpu.memref_slice %arg7[%add3A_34, %dma_start3A_47] : memref<10240x128xf32, #tpu.memory_space<vmem_shared>> -> memref<128x128xf32, #tpu.memory_space<vmem_shared>>
      tpu.enqueue_dma source(%dma_start3A_48 : memref<128x128xf32, #tpu.memory_space<vmem_shared>>) target(%dma_start3A_46 : memref<128x128xf32, #tpu.memory_space<hbm>>) target_semaphore(%run_scoped3A : memref<!tpu.dma_semaphore, #tpu.memory_space<semaphore_mem>>)
      %dma_wait3A = arith.constant 0 : i32
      %dma_wait3A_49 = tpu.memref_slice %arg6[%arg0, %add3A_36, %dma_wait3A] : memref<2x10240x128xf32, #tpu.memory_space<hbm>> -> memref<1x128x128xf32, #tpu.memory_space<hbm>>
      %dma_wait3A_50 = tpu.memref_squeeze %dma_wait3A_49 : memref<1x128x128xf32, #tpu.memory_space<hbm>> -> memref<128x128xf32, #tpu.memory_space<hbm>>
      %dma_wait3A_51 = arith.constant 0 : i32
      %dma_wait3A_52 = tpu.memref_slice %arg7[%add3A_34, %dma_wait3A_51] : memref<10240x128xf32, #tpu.memory_space<vmem_shared>> -> memref<128x128xf32, #tpu.memory_space<vmem_shared>>
      tpu.wait_dma2 semaphore(%run_scoped3A : memref<!tpu.dma_semaphore, #tpu.memory_space<semaphore_mem>>) src(%dma_wait3A_52 : memref<128x128xf32, #tpu.memory_space<vmem_shared>>) dst(%dma_wait3A_50 : memref<128x128xf32, #tpu.memory_space<hbm>>)
      tpu.yield
    }) : () -> ()
    %add3A_37 = arith.constant 384 : i32
    %add3A_38 = arith.addi %multiple_of3A, %add3A_37 : i32
    %add3A_39 = arith.constant 384 : i32
    %add3A_40 = arith.addi %multiple_of3A, %add3A_39 : i32
    "tpu.region"() ({
      %run_scoped3A = tpu.sem_alloc : memref<!tpu.dma_semaphore, #tpu.memory_space<semaphore_mem>>
      %dma_start3A = arith.constant 0 : i32
      %dma_start3A_45 = tpu.memref_slice %arg6[%arg0, %add3A_40, %dma_start3A] : memref<2x10240x128xf32, #tpu.memory_space<hbm>> -> memref<1x128x128xf32, #tpu.memory_space<hbm>>
      %dma_start3A_46 = tpu.memref_squeeze %dma_start3A_45 : memref<1x128x128xf32, #tpu.memory_space<hbm>> -> memref<128x128xf32, #tpu.memory_space<hbm>>
      %dma_start3A_47 = arith.constant 0 : i32
      %dma_start3A_48 = tpu.memref_slice %arg7[%add3A_38, %dma_start3A_47] : memref<10240x128xf32, #tpu.memory_space<vmem_shared>> -> memref<128x128xf32, #tpu.memory_space<vmem_shared>>
      tpu.enqueue_dma source(%dma_start3A_48 : memref<128x128xf32, #tpu.memory_space<vmem_shared>>) target(%dma_start3A_46 : memref<128x128xf32, #tpu.memory_space<hbm>>) target_semaphore(%run_scoped3A : memref<!tpu.dma_semaphore, #tpu.memory_space<semaphore_mem>>)
      %dma_wait3A = arith.constant 0 : i32
      %dma_wait3A_49 = tpu.memref_slice %arg6[%arg0, %add3A_40, %dma_wait3A] : memref<2x10240x128xf32, #tpu.memory_space<hbm>> -> memref<1x128x128xf32, #tpu.memory_space<hbm>>
      %dma_wait3A_50 = tpu.memref_squeeze %dma_wait3A_49 : memref<1x128x128xf32, #tpu.memory_space<hbm>> -> memref<128x128xf32, #tpu.memory_space<hbm>>
      %dma_wait3A_51 = arith.constant 0 : i32
      %dma_wait3A_52 = tpu.memref_slice %arg7[%add3A_38, %dma_wait3A_51] : memref<10240x128xf32, #tpu.memory_space<vmem_shared>> -> memref<128x128xf32, #tpu.memory_space<vmem_shared>>
      tpu.wait_dma2 semaphore(%run_scoped3A : memref<!tpu.dma_semaphore, #tpu.memory_space<semaphore_mem>>) src(%dma_wait3A_52 : memref<128x128xf32, #tpu.memory_space<vmem_shared>>) dst(%dma_wait3A_50 : memref<128x128xf32, #tpu.memory_space<hbm>>)
      tpu.yield
    }) : () -> ()
    %add3A_41 = arith.constant 512 : i32
    %add3A_42 = arith.addi %multiple_of3A, %add3A_41 : i32
    %add3A_43 = arith.constant 512 : i32
    %add3A_44 = arith.addi %multiple_of3A, %add3A_43 : i32
    "tpu.region"() ({
      %run_scoped3A = tpu.sem_alloc : memref<!tpu.dma_semaphore, #tpu.memory_space<semaphore_mem>>
      %dma_start3A = arith.constant 0 : i32
      %dma_start3A_45 = tpu.memref_slice %arg6[%arg0, %add3A_44, %dma_start3A] : memref<2x10240x128xf32, #tpu.memory_space<hbm>> -> memref<1x128x128xf32, #tpu.memory_space<hbm>>
      %dma_start3A_46 = tpu.memref_squeeze %dma_start3A_45 : memref<1x128x128xf32, #tpu.memory_space<hbm>> -> memref<128x128xf32, #tpu.memory_space<hbm>>
      %dma_start3A_47 = arith.constant 0 : i32
      %dma_start3A_48 = tpu.memref_slice %arg7[%add3A_42, %dma_start3A_47] : memref<10240x128xf32, #tpu.memory_space<vmem_shared>> -> memref<128x128xf32, #tpu.memory_space<vmem_shared>>
      tpu.enqueue_dma source(%dma_start3A_48 : memref<128x128xf32, #tpu.memory_space<vmem_shared>>) target(%dma_start3A_46 : memref<128x128xf32, #tpu.memory_space<hbm>>) target_semaphore(%run_scoped3A : memref<!tpu.dma_semaphore, #tpu.memory_space<semaphore_mem>>)
      %dma_wait3A = arith.constant 0 : i32
      %dma_wait3A_49 = tpu.memref_slice %arg6[%arg0, %add3A_44, %dma_wait3A] : memref<2x10240x128xf32, #tpu.memory_space<hbm>> -> memref<1x128x128xf32, #tpu.memory_space<hbm>>
      %dma_wait3A_50 = tpu.memref_squeeze %dma_wait3A_49 : memref<1x128x128xf32, #tpu.memory_space<hbm>> -> memref<128x128xf32, #tpu.memory_space<hbm>>
      %dma_wait3A_51 = arith.constant 0 : i32
      %dma_wait3A_52 = tpu.memref_slice %arg7[%add3A_42, %dma_wait3A_51] : memref<10240x128xf32, #tpu.memory_space<vmem_shared>> -> memref<128x128xf32, #tpu.memory_space<vmem_shared>>
      tpu.wait_dma2 semaphore(%run_scoped3A : memref<!tpu.dma_semaphore, #tpu.memory_space<semaphore_mem>>) src(%dma_wait3A_52 : memref<128x128xf32, #tpu.memory_space<vmem_shared>>) dst(%dma_wait3A_50 : memref<128x128xf32, #tpu.memory_space<hbm>>)
      tpu.yield
    }) : () -> ()
    return
  }
}

module attributes {stable_mosaic.version = 14 : i64} {
  func.func @_emb_body(%arg0: i32, %arg1: memref<1000x1xi32, #tpu.memory_space<vmem>>, %arg2: memref<128x128xf32, #tpu.memory_space<vmem>>, %arg3: memref<128x128xf32, #tpu.memory_space<vmem>>, %arg4: memref<1000x128xf32, #tpu.memory_space<vmem>>, %arg5: memref<1000x128xf32, #tpu.memory_space<vmem>>) attributes {dimension_semantics = [#tpu.dimension_semantics<arbitrary>], iteration_bounds = array<i64: 10>, scalar_prefetch = 0 : i64, scratch_operands = 0 : i64, tpu.core_type = #tpu.core_type<tc>, window_params = [{transform_indices = @transform_0, window_bounds = array<i64: 1000, 1>}, {pipeline_mode = #tpu.pipeline_mode<synchronous>, transform_indices = @transform_1, window_bounds = array<i64: 128, 128>}, {pipeline_mode = #tpu.pipeline_mode<synchronous>, transform_indices = @transform_2, window_bounds = array<i64: 128, 128>}, {transform_indices = @transform_3, window_bounds = array<i64: 1000, 128>}, {transform_indices = @transform_4, window_bounds = array<i64: 1000, 128>}]} {
    %get3A = arith.constant 0 : index
    %get3A_0 = arith.constant 0 : index
    %get3A_1 = vector.load %arg1[%get3A, %get3A_0] : memref<1000x1xi32, #tpu.memory_space<vmem>>, vector<1000x1xi32>
    %iota3A = tpu.iota {dimensions = array<i32: 1>} : vector<1000x128xi32>
    %eq3A = vector.broadcast %get3A_1 : vector<1000x1xi32> to vector<1000x128xi32>
    %eq3A_2 = arith.cmpi eq, %iota3A, %eq3A : vector<1000x128xi32>
    %convert_element_type3A = arith.extui %eq3A_2 : vector<1000x128xi1> to vector<1000x128xi32>
    %convert_element_type3A_3 = arith.sitofp %convert_element_type3A : vector<1000x128xi32> to vector<1000x128xf32>
    %get3A_4 = arith.constant 0 : index
    %get3A_5 = arith.constant 0 : index
    %get3A_6 = vector.load %arg2[%get3A_4, %get3A_5] : memref<128x128xf32, #tpu.memory_space<vmem>>, vector<128x128xf32>
    %dot_general3A = arith.constant dense<0.000000e+00> : vector<1000x128xf32>
    %dot_general3A_7 = tpu.matmul %convert_element_type3A_3, %get3A_6, %dot_general3A {dimension_numbers = #tpu.dot_dimension_numbers<[1], [0], [0], [1], [0, 0, 1, 1], [], []>, transpose_lhs_hint = false} : vector<1000x128xf32>, vector<128x128xf32>, vector<1000x128xf32> -> vector<1000x128xf32>
    %swap3A = arith.constant 0 : index
    %swap3A_8 = arith.constant 0 : index
    %swap3A_9 = vector.load %arg4[%swap3A, %swap3A_8] : memref<1000x128xf32, #tpu.memory_space<vmem>>, vector<1000x128xf32>
    tpu.vector_store %arg4[%swap3A, %swap3A_8], %dot_general3A_7 {strides = array<i32>} : memref<1000x128xf32, #tpu.memory_space<vmem>>, vector<1000x128xf32>,
    %get3A_10 = arith.constant 0 : index
    %get3A_11 = arith.constant 0 : index
    %get3A_12 = vector.load %arg3[%get3A_10, %get3A_11] : memref<128x128xf32, #tpu.memory_space<vmem>>, vector<128x128xf32>
    %dot_general3A_13 = arith.constant dense<0.000000e+00> : vector<1000x128xf32>
    %dot_general3A_14 = tpu.matmul %dot_general3A_7, %get3A_12, %dot_general3A_13 {dimension_numbers = #tpu.dot_dimension_numbers<[1], [0], [0], [1], [0, 0, 1, 1], [], []>, transpose_lhs_hint = false} : vector<1000x128xf32>, vector<128x128xf32>, vector<1000x128xf32> -> vector<1000x128xf32>
    %swap3A_15 = arith.constant 0 : index
    %swap3A_16 = arith.constant 0 : index
    %swap3A_17 = vector.load %arg5[%swap3A_15, %swap3A_16] : memref<1000x128xf32, #tpu.memory_space<vmem>>, vector<1000x128xf32>
    tpu.vector_store %arg5[%swap3A_15, %swap3A_16], %dot_general3A_14 {strides = array<i32>} : memref<1000x128xf32, #tpu.memory_space<vmem>>, vector<1000x128xf32>,
    return
  }
  func.func @transform_0(%arg0: i32) -> (i32, i32) {
    %c0_i32 = arith.constant 0 : i32
    %c0_i32_0 = arith.constant 0 : i32
    return %arg0, %c0_i32 : i32, i32
  }
  func.func @transform_1(%arg0: i32) -> (i32, i32) {
    %c0_i32 = arith.constant 0 : i32
    %c0_i32_0 = arith.constant 0 : i32
    %c0_i32_1 = arith.constant 0 : i32
    return %c0_i32, %c0_i32_0 : i32, i32
  }
  func.func @transform_2(%arg0: i32) -> (i32, i32) {
    %c0_i32 = arith.constant 0 : i32
    %c0_i32_0 = arith.constant 0 : i32
    %c0_i32_1 = arith.constant 0 : i32
    return %c0_i32, %c0_i32_0 : i32, i32
  }
  func.func @transform_3(%arg0: i32) -> (i32, i32) {
    %c0_i32 = arith.constant 0 : i32
    %c0_i32_0 = arith.constant 0 : i32
    return %arg0, %c0_i32 : i32, i32
  }
  func.func @transform_4(%arg0: i32) -> (i32, i32) {
    %c0_i32 = arith.constant 0 : i32
    %c0_i32_0 = arith.constant 0 : i32
    return %arg0, %c0_i32 : i32, i32
  }
}

module attributes {stable_mosaic.version = 14 : i64} {
  func.func @_prep_body(%arg0: i32, %arg1: memref<672x128xf32, #tpu.memory_space<vmem>>, %arg2: memref<672x128xf32, #tpu.memory_space<vmem>>, %arg3: memref<672x128xf32, #tpu.memory_space<vmem>>, %arg4: memref<672x128xf32, #tpu.memory_space<vmem>>) attributes {dimension_semantics = [#tpu.dimension_semantics<arbitrary>], iteration_bounds = array<i64: 4>, scalar_prefetch = 0 : i64, scratch_operands = 0 : i64, tpu.core_type = #tpu.core_type<tc>, window_params = [{transform_indices = @transform_0, window_bounds = array<i64: 672, 128>}, {transform_indices = @transform_1, window_bounds = array<i64: 672, 128>}, {transform_indices = @transform_2, window_bounds = array<i64: 672, 128>}, {transform_indices = @transform_3, window_bounds = array<i64: 672, 128>}]} {
    %get3A = arith.constant 0 : index
    %get3A_0 = arith.constant 0 : index
    %get3A_1 = vector.load %arg1[%get3A, %get3A_0] : memref<672x128xf32, #tpu.memory_space<vmem>>, vector<672x128xf32>
    %sqrt3A = math.sqrt %get3A_1 : vector<672x128xf32>
    %mul3A = arith.constant 0.628318548 : f32
    %mul3A_2 = vector.broadcast %mul3A : f32 to vector<672x128xf32>
    %mul3A_3 = arith.mulf %sqrt3A, %mul3A_2 : vector<672x128xf32>
    %cos3A = math.cos %mul3A_3 : vector<672x128xf32>
    %add3A = arith.constant 1.000000e+00 : f32
    %add3A_4 = vector.broadcast %add3A : f32 to vector<672x128xf32>
    %add3A_5 = arith.addf %cos3A, %add3A_4 : vector<672x128xf32>
    %mul3A_6 = arith.constant 5.000000e-01 : f32
    %mul3A_7 = vector.broadcast %mul3A_6 : f32 to vector<672x128xf32>
    %mul3A_8 = arith.mulf %mul3A_7, %add3A_5 : vector<672x128xf32>
    %lt3A = arith.constant 5.000000e+00 : f32
    %lt3A_9 = vector.broadcast %lt3A : f32 to vector<672x128xf32>
    %lt3A_10 = arith.cmpf olt, %sqrt3A, %lt3A_9 : vector<672x128xf32>
    %convert_element_type3A = arith.extui %lt3A_10 : vector<672x128xi1> to vector<672x128xi32>
    %convert_element_type3A_11 = arith.sitofp %convert_element_type3A : vector<672x128xi32> to vector<672x128xf32>
    %mul3A_12 = arith.mulf %mul3A_8, %convert_element_type3A_11 : vector<672x128xf32>
    %get3A_13 = arith.constant 0 : index
    %get3A_14 = arith.constant 0 : index
    %get3A_15 = vector.load %arg2[%get3A_13, %get3A_14] : memref<672x128xf32, #tpu.memory_space<vmem>>, vector<672x128xf32>
    %mul3A_16 = arith.mulf %mul3A_12, %get3A_15 : vector<672x128xf32>
    %swap3A = arith.constant 0 : index
    %swap3A_17 = arith.constant 0 : index
    %swap3A_18 = vector.load %arg3[%swap3A, %swap3A_17] : memref<672x128xf32, #tpu.memory_space<vmem>>, vector<672x128xf32>
    tpu.vector_store %arg3[%swap3A, %swap3A_17], %sqrt3A {strides = array<i32>} : memref<672x128xf32, #tpu.memory_space<vmem>>, vector<672x128xf32>,
    %swap3A_19 = arith.constant 0 : index
    %swap3A_20 = arith.constant 0 : index
    %swap3A_21 = vector.load %arg4[%swap3A_19, %swap3A_20] : memref<672x128xf32, #tpu.memory_space<vmem>>, vector<672x128xf32>
    tpu.vector_store %arg4[%swap3A_19, %swap3A_20], %mul3A_16 {strides = array<i32>} : memref<672x128xf32, #tpu.memory_space<vmem>>, vector<672x128xf32>,
    return
  }
  func.func @transform_0(%arg0: i32) -> (i32, i32) {
    %c0_i32 = arith.constant 0 : i32
    %c0_i32_0 = arith.constant 0 : i32
    return %arg0, %c0_i32 : i32, i32
  }
  func.func @transform_1(%arg0: i32) -> (i32, i32) {
    %c0_i32 = arith.constant 0 : i32
    %c0_i32_0 = arith.constant 0 : i32
    return %arg0, %c0_i32 : i32, i32
  }
  func.func @transform_2(%arg0: i32) -> (i32, i32) {
    %c0_i32 = arith.constant 0 : i32
    %c0_i32_0 = arith.constant 0 : i32
    return %arg0, %c0_i32 : i32, i32
  }
  func.func @transform_3(%arg0: i32) -> (i32, i32) {
    %c0_i32 = arith.constant 0 : i32
    %c0_i32_0 = arith.constant 0 : i32
    return %arg0, %c0_i32 : i32, i32
  }
}

module attributes {stable_mosaic.version = 14 : i64} {
  func.func @_filter_body(%arg0: i32, %arg1: memref<2048x1xf32, #tpu.memory_space<vmem>>, %arg2: memref<2048x1xf32, #tpu.memory_space<vmem>>, %arg3: memref<64x128xf32, #tpu.memory_space<vmem>>, %arg4: memref<1x128xf32, #tpu.memory_space<vmem>>, %arg5: memref<128x128xf32, #tpu.memory_space<vmem>>, %arg6: memref<1x128xf32, #tpu.memory_space<vmem>>, %arg7: memref<2048x128xf32, #tpu.memory_space<vmem>>) attributes {dimension_semantics = [#tpu.dimension_semantics<arbitrary>], iteration_bounds = array<i64: 168>, scalar_prefetch = 0 : i64, scratch_operands = 0 : i64, tpu.core_type = #tpu.core_type<tc>, window_params = [{transform_indices = @transform_0, window_bounds = array<i64: 2048, 1>}, {transform_indices = @transform_1, window_bounds = array<i64: 2048, 1>}, {pipeline_mode = #tpu.pipeline_mode<synchronous>, transform_indices = @transform_2, window_bounds = array<i64: 64, 128>}, {pipeline_mode = #tpu.pipeline_mode<synchronous>, transform_indices = @transform_3, window_bounds = array<i64: 1, 128>}, {pipeline_mode = #tpu.pipeline_mode<synchronous>, transform_indices = @transform_4, window_bounds = array<i64: 128, 128>}, {pipeline_mode = #tpu.pipeline_mode<synchronous>, transform_indices = @transform_5, window_bounds = array<i64: 1, 128>}, {transform_indices = @transform_6, window_bounds = array<i64: 2048, 128>}]} {
    %get3A = arith.constant 0 : index
    %get3A_0 = arith.constant 0 : index
    %get3A_1 = vector.load %arg1[%get3A, %get3A_0] : memref<2048x1xf32, #tpu.memory_space<vmem>>, vector<2048x1xf32>
    %iota3A = tpu.iota {dimensions = array<i32: 1>} : vector<2048x64xi32>
    %convert_element_type3A = arith.sitofp %iota3A : vector<2048x64xi32> to vector<2048x64xf32>
    %mul3A = arith.constant 0.10204082 : f32
    %mul3A_2 = vector.broadcast %mul3A : f32 to vector<2048x64xf32>
    %mul3A_3 = arith.mulf %convert_element_type3A, %mul3A_2 : vector<2048x64xf32>
    %sub3A = vector.broadcast %get3A_1 : vector<2048x1xf32> to vector<2048x64xf32>
    %sub3A_4 = arith.subf %sub3A, %mul3A_3 : vector<2048x64xf32>
    %integer_pow3A = arith.mulf %sub3A_4, %sub3A_4 : vector<2048x64xf32>
    %mul3A_5 = arith.constant -4.802000e+01 : f32
    %mul3A_6 = vector.broadcast %mul3A_5 : f32 to vector<2048x64xf32>
    %mul3A_7 = arith.mulf %mul3A_6, %integer_pow3A : vector<2048x64xf32>
    %exp3A = math.exp %mul3A_7 : vector<2048x64xf32>
    %get3A_8 = arith.constant 0 : index
    %get3A_9 = arith.constant 0 : index
    %get3A_10 = vector.load %arg3[%get3A_8, %get3A_9] : memref<64x128xf32, #tpu.memory_space<vmem>>, vector<64x128xf32>
    %dot_general3A = arith.constant dense<0.000000e+00> : vector<2048x128xf32>
    %dot_general3A_11 = tpu.matmul %exp3A, %get3A_10, %dot_general3A {dimension_numbers = #tpu.dot_dimension_numbers<[1], [0], [0], [1], [0, 0, 1, 1], [], []>, transpose_lhs_hint = false} : vector<2048x64xf32>, vector<64x128xf32>, vector<2048x128xf32> -> vector<2048x128xf32>
    %get3A_12 = arith.constant 0 : index
    %get3A_13 = arith.constant 0 : index
    %get3A_14 = vector.load %arg4[%get3A_12, %get3A_13] : memref<1x128xf32, #tpu.memory_space<vmem>>, vector<1x128xf32>
    %add3A = vector.broadcast %get3A_14 : vector<1x128xf32> to vector<2048x128xf32>
    %add3A_15 = arith.addf %dot_general3A_11, %add3A : vector<2048x128xf32>
    %max3A = arith.constant 0.000000e+00 : f32
    %max3A_16 = vector.broadcast %max3A : f32 to vector<2048x128xf32>
    %max3A_17 = arith.maximumf %add3A_15, %max3A_16 : vector<2048x128xf32>
    %abs3A = math.absf %add3A_15 : vector<2048x128xf32>
    %neg3A = arith.constant 0.000000e+00 : f32
    %neg3A_18 = vector.broadcast %neg3A : f32 to vector<2048x128xf32>
    %neg3A_19 = arith.subf %neg3A_18, %abs3A : vector<2048x128xf32>
    %exp3A_20 = math.exp %neg3A_19 : vector<2048x128xf32>
    %add3A_21 = arith.constant 1.000000e+00 : f32
    %add3A_22 = vector.broadcast %add3A_21 : f32 to vector<2048x128xf32>
    %add3A_23 = arith.addf %add3A_22, %exp3A_20 : vector<2048x128xf32>
    %log3A = math.log %add3A_23 : vector<2048x128xf32>
    %add3A_24 = arith.addf %max3A_17, %log3A : vector<2048x128xf32>
    %sub3A_25 = arith.constant 0.693147182 : f32
    %sub3A_26 = vector.broadcast %sub3A_25 : f32 to vector<2048x128xf32>
    %sub3A_27 = arith.subf %add3A_24, %sub3A_26 : vector<2048x128xf32>
    %get3A_28 = arith.constant 0 : index
    %get3A_29 = arith.constant 0 : index
    %get3A_30 = vector.load %arg5[%get3A_28, %get3A_29] : memref<128x128xf32, #tpu.memory_space<vmem>>, vector<128x128xf32>
    %dot_general3A_31 = arith.constant dense<0.000000e+00> : vector<2048x128xf32>
    %dot_general3A_32 = tpu.matmul %sub3A_27, %get3A_30, %dot_general3A_31 {dimension_numbers = #tpu.dot_dimension_numbers<[1], [0], [0], [1], [0, 0, 1, 1], [], []>, transpose_lhs_hint = false} : vector<2048x128xf32>, vector<128x128xf32>, vector<2048x128xf32> -> vector<2048x128xf32>
    %get3A_33 = arith.constant 0 : index
    %get3A_34 = arith.constant 0 : index
    %get3A_35 = vector.load %arg6[%get3A_33, %get3A_34] : memref<1x128xf32, #tpu.memory_space<vmem>>, vector<1x128xf32>
    %add3A_36 = vector.broadcast %get3A_35 : vector<1x128xf32> to vector<2048x128xf32>
    %add3A_37 = arith.addf %dot_general3A_32, %add3A_36 : vector<2048x128xf32>
    %get3A_38 = arith.constant 0 : index
    %get3A_39 = arith.constant 0 : index
    %get3A_40 = vector.load %arg2[%get3A_38, %get3A_39] : memref<2048x1xf32, #tpu.memory_space<vmem>>, vector<2048x1xf32>
    %mul3A_41 = vector.broadcast %get3A_40 : vector<2048x1xf32> to vector<2048x128xf32>
    %mul3A_42 = arith.mulf %add3A_37, %mul3A_41 : vector<2048x128xf32>
    %swap3A = arith.constant 0 : index
    %swap3A_43 = arith.constant 0 : index
    %swap3A_44 = vector.load %arg7[%swap3A, %swap3A_43] : memref<2048x128xf32, #tpu.memory_space<vmem>>, vector<2048x128xf32>
    tpu.vector_store %arg7[%swap3A, %swap3A_43], %mul3A_42 {strides = array<i32>} : memref<2048x128xf32, #tpu.memory_space<vmem>>, vector<2048x128xf32>,
    return
  }
  func.func @transform_0(%arg0: i32) -> (i32, i32) {
    %c0_i32 = arith.constant 0 : i32
    %c0_i32_0 = arith.constant 0 : i32
    return %arg0, %c0_i32 : i32, i32
  }
  func.func @transform_1(%arg0: i32) -> (i32, i32) {
    %c0_i32 = arith.constant 0 : i32
    %c0_i32_0 = arith.constant 0 : i32
    return %arg0, %c0_i32 : i32, i32
  }
  func.func @transform_2(%arg0: i32) -> (i32, i32) {
    %c0_i32 = arith.constant 0 : i32
    %c0_i32_0 = arith.constant 0 : i32
    %c0_i32_1 = arith.constant 0 : i32
    return %c0_i32, %c0_i32_0 : i32, i32
  }
  func.func @transform_3(%arg0: i32) -> (i32, i32) {
    %c0_i32 = arith.constant 0 : i32
    %c0_i32_0 = arith.constant 0 : i32
    %c0_i32_1 = arith.constant 0 : i32
    return %c0_i32, %c0_i32_0 : i32, i32
  }
  func.func @transform_4(%arg0: i32) -> (i32, i32) {
    %c0_i32 = arith.constant 0 : i32
    %c0_i32_0 = arith.constant 0 : i32
    %c0_i32_1 = arith.constant 0 : i32
    return %c0_i32, %c0_i32_0 : i32, i32
  }
  func.func @transform_5(%arg0: i32) -> (i32, i32) {
    %c0_i32 = arith.constant 0 : i32
    %c0_i32_0 = arith.constant 0 : i32
    %c0_i32_1 = arith.constant 0 : i32
    return %c0_i32, %c0_i32_0 : i32, i32
  }
  func.func @transform_6(%arg0: i32) -> (i32, i32) {
    %c0_i32 = arith.constant 0 : i32
    %c0_i32_0 = arith.constant 0 : i32
    return %arg0, %c0_i32 : i32, i32
  }
}

module attributes {stable_mosaic.version = 14 : i64} {
  func.func @_agg_body(%arg0: i32, %arg1: memref<2x1000x128xf32, #tpu.memory_space<vmem>>, %arg2: memref<1000x128xf32, #tpu.memory_space<vmem>>, %arg3: memref<128x128xf32, #tpu.memory_space<vmem>>, %arg4: memref<1x128xf32, #tpu.memory_space<vmem>>, %arg5: memref<128x128xf32, #tpu.memory_space<vmem>>, %arg6: memref<1x128xf32, #tpu.memory_space<vmem>>, %arg7: memref<128x128xf32, #tpu.memory_space<vmem>>, %arg8: memref<1000x128xf32, #tpu.memory_space<vmem>>, %arg9: memref<1000x128xf32, #tpu.memory_space<vmem>>) attributes {dimension_semantics = [#tpu.dimension_semantics<arbitrary>], iteration_bounds = array<i64: 10>, scalar_prefetch = 0 : i64, scratch_operands = 0 : i64, tpu.core_type = #tpu.core_type<tc>, window_params = [{transform_indices = @transform_0, window_bounds = array<i64: 2, 1000, 128>}, {transform_indices = @transform_1, window_bounds = array<i64: 1000, 128>}, {pipeline_mode = #tpu.pipeline_mode<synchronous>, transform_indices = @transform_2, window_bounds = array<i64: 128, 128>}, {pipeline_mode = #tpu.pipeline_mode<synchronous>, transform_indices = @transform_3, window_bounds = array<i64: 1, 128>}, {pipeline_mode = #tpu.pipeline_mode<synchronous>, transform_indices = @transform_4, window_bounds = array<i64: 128, 128>}, {pipeline_mode = #tpu.pipeline_mode<synchronous>, transform_indices = @transform_5, window_bounds = array<i64: 1, 128>}, {pipeline_mode = #tpu.pipeline_mode<synchronous>, transform_indices = @transform_6, window_bounds = array<i64: 128, 128>}, {transform_indices = @transform_7, window_bounds = array<i64: 1000, 128>}, {transform_indices = @transform_8, window_bounds = array<i64: 1000, 128>}]} {
    %get3A = arith.constant 0 : index
    %get3A_0 = arith.constant 0 : index
    %get3A_1 = arith.constant 0 : index
    %get3A_2 = vector.load %arg1[%get3A, %get3A_0, %get3A_1] : memref<2x1000x128xf32, #tpu.memory_space<vmem>>, vector<1x1000x128xf32>
    %get3A_3 = vector.shape_cast %get3A_2 : vector<1x1000x128xf32> to vector<1000x128xf32>
    %get3A_4 = arith.constant 1 : index
    %get3A_5 = arith.constant 0 : index
    %get3A_6 = arith.constant 0 : index
    %get3A_7 = vector.load %arg1[%get3A_4, %get3A_5, %get3A_6] : memref<2x1000x128xf32, #tpu.memory_space<vmem>>, vector<1x1000x128xf32>
    %get3A_8 = vector.shape_cast %get3A_7 : vector<1x1000x128xf32> to vector<1000x128xf32>
    %add3A = arith.addf %get3A_3, %get3A_8 : vector<1000x128xf32>
    %get3A_9 = arith.constant 0 : index
    %get3A_10 = arith.constant 0 : index
    %get3A_11 = vector.load %arg3[%get3A_9, %get3A_10] : memref<128x128xf32, #tpu.memory_space<vmem>>, vector<128x128xf32>
    %dot_general3A = arith.constant dense<0.000000e+00> : vector<1000x128xf32>
    %dot_general3A_12 = tpu.matmul %add3A, %get3A_11, %dot_general3A {dimension_numbers = #tpu.dot_dimension_numbers<[1], [0], [0], [1], [0, 0, 1, 1], [], []>, transpose_lhs_hint = false} : vector<1000x128xf32>, vector<128x128xf32>, vector<1000x128xf32> -> vector<1000x128xf32>
    %get3A_13 = arith.constant 0 : index
    %get3A_14 = arith.constant 0 : index
    %get3A_15 = vector.load %arg4[%get3A_13, %get3A_14] : memref<1x128xf32, #tpu.memory_space<vmem>>, vector<1x128xf32>
    %add3A_16 = vector.broadcast %get3A_15 : vector<1x128xf32> to vector<1000x128xf32>
    %add3A_17 = arith.addf %dot_general3A_12, %add3A_16 : vector<1000x128xf32>
    %max3A = arith.constant 0.000000e+00 : f32
    %max3A_18 = vector.broadcast %max3A : f32 to vector<1000x128xf32>
    %max3A_19 = arith.maximumf %add3A_17, %max3A_18 : vector<1000x128xf32>
    %abs3A = math.absf %add3A_17 : vector<1000x128xf32>
    %neg3A = arith.constant 0.000000e+00 : f32
    %neg3A_20 = vector.broadcast %neg3A : f32 to vector<1000x128xf32>
    %neg3A_21 = arith.subf %neg3A_20, %abs3A : vector<1000x128xf32>
    %exp3A = math.exp %neg3A_21 : vector<1000x128xf32>
    %add3A_22 = arith.constant 1.000000e+00 : f32
    %add3A_23 = vector.broadcast %add3A_22 : f32 to vector<1000x128xf32>
    %add3A_24 = arith.addf %add3A_23, %exp3A : vector<1000x128xf32>
    %log3A = math.log %add3A_24 : vector<1000x128xf32>
    %add3A_25 = arith.addf %max3A_19, %log3A : vector<1000x128xf32>
    %sub3A = arith.constant 0.693147182 : f32
    %sub3A_26 = vector.broadcast %sub3A : f32 to vector<1000x128xf32>
    %sub3A_27 = arith.subf %add3A_25, %sub3A_26 : vector<1000x128xf32>
    %get3A_28 = arith.constant 0 : index
    %get3A_29 = arith.constant 0 : index
    %get3A_30 = vector.load %arg5[%get3A_28, %get3A_29] : memref<128x128xf32, #tpu.memory_space<vmem>>, vector<128x128xf32>
    %dot_general3A_31 = arith.constant dense<0.000000e+00> : vector<1000x128xf32>
    %dot_general3A_32 = tpu.matmul %sub3A_27, %get3A_30, %dot_general3A_31 {dimension_numbers = #tpu.dot_dimension_numbers<[1], [0], [0], [1], [0, 0, 1, 1], [], []>, transpose_lhs_hint = false} : vector<1000x128xf32>, vector<128x128xf32>, vector<1000x128xf32> -> vector<1000x128xf32>
    %get3A_33 = arith.constant 0 : index
    %get3A_34 = arith.constant 0 : index
    %get3A_35 = vector.load %arg6[%get3A_33, %get3A_34] : memref<1x128xf32, #tpu.memory_space<vmem>>, vector<1x128xf32>
    %add3A_36 = vector.broadcast %get3A_35 : vector<1x128xf32> to vector<1000x128xf32>
    %add3A_37 = arith.addf %dot_general3A_32, %add3A_36 : vector<1000x128xf32>
    %get3A_38 = arith.constant 0 : index
    %get3A_39 = arith.constant 0 : index
    %get3A_40 = vector.load %arg2[%get3A_38, %get3A_39] : memref<1000x128xf32, #tpu.memory_space<vmem>>, vector<1000x128xf32>
    %add3A_41 = arith.addf %get3A_40, %add3A_37 : vector<1000x128xf32>
    %swap3A = arith.constant 0 : index
    %swap3A_42 = arith.constant 0 : index
    %swap3A_43 = vector.load %arg8[%swap3A, %swap3A_42] : memref<1000x128xf32, #tpu.memory_space<vmem>>, vector<1000x128xf32>
    tpu.vector_store %arg8[%swap3A, %swap3A_42], %add3A_41 {strides = array<i32>} : memref<1000x128xf32, #tpu.memory_space<vmem>>, vector<1000x128xf32>,
    %get3A_44 = arith.constant 0 : index
    %get3A_45 = arith.constant 0 : index
    %get3A_46 = vector.load %arg7[%get3A_44, %get3A_45] : memref<128x128xf32, #tpu.memory_space<vmem>>, vector<128x128xf32>
    %dot_general3A_47 = arith.constant dense<0.000000e+00> : vector<1000x128xf32>
    %dot_general3A_48 = tpu.matmul %add3A_41, %get3A_46, %dot_general3A_47 {dimension_numbers = #tpu.dot_dimension_numbers<[1], [0], [0], [1], [0, 0, 1, 1], [], []>, transpose_lhs_hint = false} : vector<1000x128xf32>, vector<128x128xf32>, vector<1000x128xf32> -> vector<1000x128xf32>
    %swap3A_49 = arith.constant 0 : index
    %swap3A_50 = arith.constant 0 : index
    %swap3A_51 = vector.load %arg9[%swap3A_49, %swap3A_50] : memref<1000x128xf32, #tpu.memory_space<vmem>>, vector<1000x128xf32>
    tpu.vector_store %arg9[%swap3A_49, %swap3A_50], %dot_general3A_48 {strides = array<i32>} : memref<1000x128xf32, #tpu.memory_space<vmem>>, vector<1000x128xf32>,
    return
  }
  func.func @transform_0(%arg0: i32) -> (i32, i32, i32) {
    %c0_i32 = arith.constant 0 : i32
    %c0_i32_0 = arith.constant 0 : i32
    %c0_i32_1 = arith.constant 0 : i32
    return %c0_i32, %arg0, %c0_i32_0 : i32, i32, i32
  }
  func.func @transform_1(%arg0: i32) -> (i32, i32) {
    %c0_i32 = arith.constant 0 : i32
    %c0_i32_0 = arith.constant 0 : i32
    return %arg0, %c0_i32 : i32, i32
  }
  func.func @transform_2(%arg0: i32) -> (i32, i32) {
    %c0_i32 = arith.constant 0 : i32
    %c0_i32_0 = arith.constant 0 : i32
    %c0_i32_1 = arith.constant 0 : i32
    return %c0_i32, %c0_i32_0 : i32, i32
  }
  func.func @transform_3(%arg0: i32) -> (i32, i32) {
    %c0_i32 = arith.constant 0 : i32
    %c0_i32_0 = arith.constant 0 : i32
    %c0_i32_1 = arith.constant 0 : i32
    return %c0_i32, %c0_i32_0 : i32, i32
  }
  func.func @transform_4(%arg0: i32) -> (i32, i32) {
    %c0_i32 = arith.constant 0 : i32
    %c0_i32_0 = arith.constant 0 : i32
    %c0_i32_1 = arith.constant 0 : i32
    return %c0_i32, %c0_i32_0 : i32, i32
  }
  func.func @transform_5(%arg0: i32) -> (i32, i32) {
    %c0_i32 = arith.constant 0 : i32
    %c0_i32_0 = arith.constant 0 : i32
    %c0_i32_1 = arith.constant 0 : i32
    return %c0_i32, %c0_i32_0 : i32, i32
  }
  func.func @transform_6(%arg0: i32) -> (i32, i32) {
    %c0_i32 = arith.constant 0 : i32
    %c0_i32_0 = arith.constant 0 : i32
    %c0_i32_1 = arith.constant 0 : i32
    return %c0_i32, %c0_i32_0 : i32, i32
  }
  func.func @transform_7(%arg0: i32) -> (i32, i32) {
    %c0_i32 = arith.constant 0 : i32
    %c0_i32_0 = arith.constant 0 : i32
    return %arg0, %c0_i32 : i32, i32
  }
  func.func @transform_8(%arg0: i32) -> (i32, i32) {
    %c0_i32 = arith.constant 0 : i32
    %c0_i32_0 = arith.constant 0 : i32
    return %arg0, %c0_i32 : i32, i32
  }
}

module attributes {stable_mosaic.version = 14 : i64} {
  func.func @_agg_pool_body(%arg0: i32, %arg1: memref<2x1000x128xf32, #tpu.memory_space<vmem>>, %arg2: memref<1000x128xf32, #tpu.memory_space<vmem>>, %arg3: memref<128x128xf32, #tpu.memory_space<vmem>>, %arg4: memref<1x128xf32, #tpu.memory_space<vmem>>, %arg5: memref<128x128xf32, #tpu.memory_space<vmem>>, %arg6: memref<1x128xf32, #tpu.memory_space<vmem>>, %arg7: memref<1000x1xf32, #tpu.memory_space<vmem>>, %arg8: memref<1x128xf32, #tpu.memory_space<vmem>>) attributes {dimension_semantics = [#tpu.dimension_semantics<arbitrary>], iteration_bounds = array<i64: 10>, scalar_prefetch = 0 : i64, scratch_operands = 0 : i64, tpu.core_type = #tpu.core_type<tc>, window_params = [{transform_indices = @transform_0, window_bounds = array<i64: 2, 1000, 128>}, {transform_indices = @transform_1, window_bounds = array<i64: 1000, 128>}, {pipeline_mode = #tpu.pipeline_mode<synchronous>, transform_indices = @transform_2, window_bounds = array<i64: 128, 128>}, {pipeline_mode = #tpu.pipeline_mode<synchronous>, transform_indices = @transform_3, window_bounds = array<i64: 1, 128>}, {pipeline_mode = #tpu.pipeline_mode<synchronous>, transform_indices = @transform_4, window_bounds = array<i64: 128, 128>}, {pipeline_mode = #tpu.pipeline_mode<synchronous>, transform_indices = @transform_5, window_bounds = array<i64: 1, 128>}, {transform_indices = @transform_6, window_bounds = array<i64: 1000, 1>}, {pipeline_mode = #tpu.pipeline_mode<synchronous>, transform_indices = @transform_7, window_bounds = array<i64: 1, 128>}]} {
    %get3A = arith.constant 0 : index
    %get3A_0 = arith.constant 0 : index
    %get3A_1 = arith.constant 0 : index
    %get3A_2 = vector.load %arg1[%get3A, %get3A_0, %get3A_1] : memref<2x1000x128xf32, #tpu.memory_space<vmem>>, vector<1x1000x128xf32>
    %get3A_3 = vector.shape_cast %get3A_2 : vector<1x1000x128xf32> to vector<1000x128xf32>
    %get3A_4 = arith.constant 1 : index
    %get3A_5 = arith.constant 0 : index
    %get3A_6 = arith.constant 0 : index
    %get3A_7 = vector.load %arg1[%get3A_4, %get3A_5, %get3A_6] : memref<2x1000x128xf32, #tpu.memory_space<vmem>>, vector<1x1000x128xf32>
    %get3A_8 = vector.shape_cast %get3A_7 : vector<1x1000x128xf32> to vector<1000x128xf32>
    %add3A = arith.addf %get3A_3, %get3A_8 : vector<1000x128xf32>
    %get3A_9 = arith.constant 0 : index
    %get3A_10 = arith.constant 0 : index
    %get3A_11 = vector.load %arg3[%get3A_9, %get3A_10] : memref<128x128xf32, #tpu.memory_space<vmem>>, vector<128x128xf32>
    %dot_general3A = arith.constant dense<0.000000e+00> : vector<1000x128xf32>
    %dot_general3A_12 = tpu.matmul %add3A, %get3A_11, %dot_general3A {dimension_numbers = #tpu.dot_dimension_numbers<[1], [0], [0], [1], [0, 0, 1, 1], [], []>, transpose_lhs_hint = false} : vector<1000x128xf32>, vector<128x128xf32>, vector<1000x128xf32> -> vector<1000x128xf32>
    %get3A_13 = arith.constant 0 : index
    %get3A_14 = arith.constant 0 : index
    %get3A_15 = vector.load %arg4[%get3A_13, %get3A_14] : memref<1x128xf32, #tpu.memory_space<vmem>>, vector<1x128xf32>
    %add3A_16 = vector.broadcast %get3A_15 : vector<1x128xf32> to vector<1000x128xf32>
    %add3A_17 = arith.addf %dot_general3A_12, %add3A_16 : vector<1000x128xf32>
    %max3A = arith.constant 0.000000e+00 : f32
    %max3A_18 = vector.broadcast %max3A : f32 to vector<1000x128xf32>
    %max3A_19 = arith.maximumf %add3A_17, %max3A_18 : vector<1000x128xf32>
    %abs3A = math.absf %add3A_17 : vector<1000x128xf32>
    %neg3A = arith.constant 0.000000e+00 : f32
    %neg3A_20 = vector.broadcast %neg3A : f32 to vector<1000x128xf32>
    %neg3A_21 = arith.subf %neg3A_20, %abs3A : vector<1000x128xf32>
    %exp3A = math.exp %neg3A_21 : vector<1000x128xf32>
    %add3A_22 = arith.constant 1.000000e+00 : f32
    %add3A_23 = vector.broadcast %add3A_22 : f32 to vector<1000x128xf32>
    %add3A_24 = arith.addf %add3A_23, %exp3A : vector<1000x128xf32>
    %log3A = math.log %add3A_24 : vector<1000x128xf32>
    %add3A_25 = arith.addf %max3A_19, %log3A : vector<1000x128xf32>
    %sub3A = arith.constant 0.693147182 : f32
    %sub3A_26 = vector.broadcast %sub3A : f32 to vector<1000x128xf32>
    %sub3A_27 = arith.subf %add3A_25, %sub3A_26 : vector<1000x128xf32>
    %get3A_28 = arith.constant 0 : index
    %get3A_29 = arith.constant 0 : index
    %get3A_30 = vector.load %arg5[%get3A_28, %get3A_29] : memref<128x128xf32, #tpu.memory_space<vmem>>, vector<128x128xf32>
    %dot_general3A_31 = arith.constant dense<0.000000e+00> : vector<1000x128xf32>
    %dot_general3A_32 = tpu.matmul %sub3A_27, %get3A_30, %dot_general3A_31 {dimension_numbers = #tpu.dot_dimension_numbers<[1], [0], [0], [1], [0, 0, 1, 1], [], []>, transpose_lhs_hint = false} : vector<1000x128xf32>, vector<128x128xf32>, vector<1000x128xf32> -> vector<1000x128xf32>
    %get3A_33 = arith.constant 0 : index
    %get3A_34 = arith.constant 0 : index
    %get3A_35 = vector.load %arg6[%get3A_33, %get3A_34] : memref<1x128xf32, #tpu.memory_space<vmem>>, vector<1x128xf32>
    %add3A_36 = vector.broadcast %get3A_35 : vector<1x128xf32> to vector<1000x128xf32>
    %add3A_37 = arith.addf %dot_general3A_32, %add3A_36 : vector<1000x128xf32>
    %get3A_38 = arith.constant 0 : index
    %get3A_39 = arith.constant 0 : index
    %get3A_40 = vector.load %arg2[%get3A_38, %get3A_39] : memref<1000x128xf32, #tpu.memory_space<vmem>>, vector<1000x128xf32>
    %add3A_41 = arith.addf %get3A_40, %add3A_37 : vector<1000x128xf32>
    %get3A_42 = arith.constant 0 : index
    %get3A_43 = arith.constant 0 : index
    %get3A_44 = vector.load %arg7[%get3A_42, %get3A_43] : memref<1000x1xf32, #tpu.memory_space<vmem>>, vector<1000x1xf32>
    %mul3A = vector.broadcast %get3A_44 : vector<1000x1xf32> to vector<1000x128xf32>
    %mul3A_45 = arith.mulf %add3A_41, %mul3A : vector<1000x128xf32>
    %reduce_sum3A = arith.constant dense<0.000000e+00> : vector<128xf32>
    %reduce_sum3A_46 = vector.multi_reduction <add>, %mul3A_45, %reduce_sum3A [0] : vector<1000x128xf32> to vector<128xf32>
    %broadcast_in_dim3A = vector.shape_cast %reduce_sum3A_46 : vector<128xf32> to vector<1x128xf32>
    %eq3A = arith.constant 0 : i32
    %eq3A_47 = arith.cmpi eq, %arg0, %eq3A : i32
    %convert_element_type3A = arith.extui %eq3A_47 : i1 to i32
    %cond3A = arith.constant 0 : i32
    %cond3A_48 = arith.cmpi ne, %convert_element_type3A, %cond3A : i32
    scf.if %cond3A_48 {
      %swap3A = arith.constant 0 : index
      %swap3A_53 = arith.constant 0 : index
      %swap3A_54 = vector.load %arg8[%swap3A, %swap3A_53] : memref<1x128xf32, #tpu.memory_space<vmem>>, vector<1x128xf32>
      tpu.vector_store %arg8[%swap3A, %swap3A_53], %broadcast_in_dim3A {strides = array<i32>} : memref<1x128xf32, #tpu.memory_space<vmem>>, vector<1x128xf32>,
    } else {
    }
    %gt3A = arith.constant 0 : i32
    %gt3A_49 = arith.cmpi sgt, %arg0, %gt3A : i32
    %convert_element_type3A_50 = arith.extui %gt3A_49 : i1 to i32
    %cond3A_51 = arith.constant 0 : i32
    %cond3A_52 = arith.cmpi ne, %convert_element_type3A_50, %cond3A_51 : i32
    scf.if %cond3A_52 {
      %get3A_53 = arith.constant 0 : index
      %get3A_54 = arith.constant 0 : index
      %get3A_55 = vector.load %arg8[%get3A_53, %get3A_54] : memref<1x128xf32, #tpu.memory_space<vmem>>, vector<1x128xf32>
      %add3A_56 = arith.addf %get3A_55, %broadcast_in_dim3A : vector<1x128xf32>
      %swap3A = arith.constant 0 : index
      %swap3A_57 = arith.constant 0 : index
      %swap3A_58 = vector.load %arg8[%swap3A, %swap3A_57] : memref<1x128xf32, #tpu.memory_space<vmem>>, vector<1x128xf32>
      tpu.vector_store %arg8[%swap3A, %swap3A_57], %add3A_56 {strides = array<i32>} : memref<1x128xf32, #tpu.memory_space<vmem>>, vector<1x128xf32>,
    } else {
    }
    return
  }
  func.func @transform_0(%arg0: i32) -> (i32, i32, i32) {
    %c0_i32 = arith.constant 0 : i32
    %c0_i32_0 = arith.constant 0 : i32
    %c0_i32_1 = arith.constant 0 : i32
    return %c0_i32, %arg0, %c0_i32_0 : i32, i32, i32
  }
  func.func @transform_1(%arg0: i32) -> (i32, i32) {
    %c0_i32 = arith.constant 0 : i32
    %c0_i32_0 = arith.constant 0 : i32
    return %arg0, %c0_i32 : i32, i32
  }
  func.func @transform_2(%arg0: i32) -> (i32, i32) {
    %c0_i32 = arith.constant 0 : i32
    %c0_i32_0 = arith.constant 0 : i32
    %c0_i32_1 = arith.constant 0 : i32
    return %c0_i32, %c0_i32_0 : i32, i32
  }
  func.func @transform_3(%arg0: i32) -> (i32, i32) {
    %c0_i32 = arith.constant 0 : i32
    %c0_i32_0 = arith.constant 0 : i32
    %c0_i32_1 = arith.constant 0 : i32
    return %c0_i32, %c0_i32_0 : i32, i32
  }
  func.func @transform_4(%arg0: i32) -> (i32, i32) {
    %c0_i32 = arith.constant 0 : i32
    %c0_i32_0 = arith.constant 0 : i32
    %c0_i32_1 = arith.constant 0 : i32
    return %c0_i32, %c0_i32_0 : i32, i32
  }
  func.func @transform_5(%arg0: i32) -> (i32, i32) {
    %c0_i32 = arith.constant 0 : i32
    %c0_i32_0 = arith.constant 0 : i32
    %c0_i32_1 = arith.constant 0 : i32
    return %c0_i32, %c0_i32_0 : i32, i32
  }
  func.func @transform_6(%arg0: i32) -> (i32, i32) {
    %c0_i32 = arith.constant 0 : i32
    %c0_i32_0 = arith.constant 0 : i32
    return %arg0, %c0_i32 : i32, i32
  }
  func.func @transform_7(%arg0: i32) -> (i32, i32) {
    %c0_i32 = arith.constant 0 : i32
    %c0_i32_0 = arith.constant 0 : i32
    %c0_i32_1 = arith.constant 0 : i32
    return %c0_i32, %c0_i32_0 : i32, i32
  }
}

module attributes {stable_mosaic.version = 14 : i64} {
  func.func @_decoder_body(%arg0: i32, %arg1: memref<1x128xf32, #tpu.memory_space<vmem>>, %arg2: memref<1x1xf32, #tpu.memory_space<vmem>>, %arg3: memref<128x64xf32, #tpu.memory_space<vmem>>, %arg4: memref<1x64xf32, #tpu.memory_space<vmem>>, %arg5: memref<64x1xf32, #tpu.memory_space<vmem>>, %arg6: memref<1x1xf32, #tpu.memory_space<vmem>>, %arg7: memref<1x1xf32, #tpu.memory_space<vmem>>) attributes {dimension_semantics = [#tpu.dimension_semantics<arbitrary>], iteration_bounds = array<i64: 1>, scalar_prefetch = 0 : i64, scratch_operands = 0 : i64, tpu.core_type = #tpu.core_type<tc>, window_params = [{pipeline_mode = #tpu.pipeline_mode<synchronous>, transform_indices = @transform_0, window_bounds = array<i64: 1, 128>}, {pipeline_mode = #tpu.pipeline_mode<synchronous>, transform_indices = @transform_1, window_bounds = array<i64: 1, 1>}, {pipeline_mode = #tpu.pipeline_mode<synchronous>, transform_indices = @transform_2, window_bounds = array<i64: 128, 64>}, {pipeline_mode = #tpu.pipeline_mode<synchronous>, transform_indices = @transform_3, window_bounds = array<i64: 1, 64>}, {pipeline_mode = #tpu.pipeline_mode<synchronous>, transform_indices = @transform_4, window_bounds = array<i64: 64, 1>}, {pipeline_mode = #tpu.pipeline_mode<synchronous>, transform_indices = @transform_5, window_bounds = array<i64: 1, 1>}, {pipeline_mode = #tpu.pipeline_mode<synchronous>, transform_indices = @transform_6, window_bounds = array<i64: 1, 1>}]} {
    %get3A = arith.constant 0 : index
    %get3A_0 = arith.constant 0 : index
    %get3A_1 = vector.load %arg1[%get3A, %get3A_0] : memref<1x128xf32, #tpu.memory_space<vmem>>, vector<1x128xf32>
    %get3A_2 = arith.constant 0 : index
    %get3A_3 = arith.constant 0 : index
    %get3A_4 = vector.load %arg2[%get3A_2, %get3A_3] : memref<1x1xf32, #tpu.memory_space<vmem>>, vector<1x1xf32>
    %mul3A = arith.constant 1.000000e+04 : f32
    %mul3A_5 = vector.broadcast %mul3A : f32 to vector<1x1xf32>
    %mul3A_6 = arith.mulf %mul3A_5, %get3A_4 : vector<1x1xf32>
    %add3A = vector.broadcast %mul3A_6 : vector<1x1xf32> to vector<1x128xf32>
    %add3A_7 = arith.addf %get3A_1, %add3A : vector<1x128xf32>
    %get3A_8 = arith.constant 0 : index
    %get3A_9 = arith.constant 0 : index
    %get3A_10 = vector.load %arg3[%get3A_8, %get3A_9] : memref<128x64xf32, #tpu.memory_space<vmem>>, vector<128x64xf32>
    %dot_general3A = arith.constant dense<0.000000e+00> : vector<1x64xf32>
    %dot_general3A_11 = tpu.matmul %add3A_7, %get3A_10, %dot_general3A {dimension_numbers = #tpu.dot_dimension_numbers<[1], [0], [0], [1], [0, 0, 1, 1], [], []>, transpose_lhs_hint = false} : vector<1x128xf32>, vector<128x64xf32>, vector<1x64xf32> -> vector<1x64xf32>
    %get3A_12 = arith.constant 0 : index
    %get3A_13 = arith.constant 0 : index
    %get3A_14 = vector.load %arg4[%get3A_12, %get3A_13] : memref<1x64xf32, #tpu.memory_space<vmem>>, vector<1x64xf32>
    %add3A_15 = arith.addf %dot_general3A_11, %get3A_14 : vector<1x64xf32>
    %max3A = arith.constant 0.000000e+00 : f32
    %max3A_16 = vector.broadcast %max3A : f32 to vector<1x64xf32>
    %max3A_17 = arith.maximumf %add3A_15, %max3A_16 : vector<1x64xf32>
    %abs3A = math.absf %add3A_15 : vector<1x64xf32>
    %neg3A = arith.constant 0.000000e+00 : f32
    %neg3A_18 = vector.broadcast %neg3A : f32 to vector<1x64xf32>
    %neg3A_19 = arith.subf %neg3A_18, %abs3A : vector<1x64xf32>
    %exp3A = math.exp %neg3A_19 : vector<1x64xf32>
    %add3A_20 = arith.constant 1.000000e+00 : f32
    %add3A_21 = vector.broadcast %add3A_20 : f32 to vector<1x64xf32>
    %add3A_22 = arith.addf %add3A_21, %exp3A : vector<1x64xf32>
    %log3A = math.log %add3A_22 : vector<1x64xf32>
    %add3A_23 = arith.addf %max3A_17, %log3A : vector<1x64xf32>
    %sub3A = arith.constant 0.693147182 : f32
    %sub3A_24 = vector.broadcast %sub3A : f32 to vector<1x64xf32>
    %sub3A_25 = arith.subf %add3A_23, %sub3A_24 : vector<1x64xf32>
    %get3A_26 = arith.constant 0 : index
    %get3A_27 = arith.constant 0 : index
    %get3A_28 = vector.load %arg5[%get3A_26, %get3A_27] : memref<64x1xf32, #tpu.memory_space<vmem>>, vector<64x1xf32>
    %dot_general3A_29 = arith.constant dense<0.000000e+00> : vector<1x1xf32>
    %dot_general3A_30 = tpu.matmul %sub3A_25, %get3A_28, %dot_general3A_29 {dimension_numbers = #tpu.dot_dimension_numbers<[1], [0], [0], [1], [0, 0, 1, 1], [], []>, transpose_lhs_hint = false} : vector<1x64xf32>, vector<64x1xf32>, vector<1x1xf32> -> vector<1x1xf32>
    %get3A_31 = arith.constant 0 : index
    %get3A_32 = arith.constant 0 : index
    %get3A_33 = vector.load %arg6[%get3A_31, %get3A_32] : memref<1x1xf32, #tpu.memory_space<vmem>>, vector<1x1xf32>
    %add3A_34 = arith.addf %dot_general3A_30, %get3A_33 : vector<1x1xf32>
    %swap3A = arith.constant 0 : index
    %swap3A_35 = arith.constant 0 : index
    %swap3A_36 = vector.load %arg7[%swap3A, %swap3A_35] : memref<1x1xf32, #tpu.memory_space<vmem>>, vector<1x1xf32>
    tpu.vector_store %arg7[%swap3A, %swap3A_35], %add3A_34 {strides = array<i32>} : memref<1x1xf32, #tpu.memory_space<vmem>>, vector<1x1xf32>,
    return
  }
  func.func @transform_0(%arg0: i32) -> (i32, i32) {
    %c0_i32 = arith.constant 0 : i32
    %c0_i32_0 = arith.constant 0 : i32
    %c0_i32_1 = arith.constant 0 : i32
    return %c0_i32, %c0_i32_0 : i32, i32
  }
  func.func @transform_1(%arg0: i32) -> (i32, i32) {
    %c0_i32 = arith.constant 0 : i32
    %c0_i32_0 = arith.constant 0 : i32
    %c0_i32_1 = arith.constant 0 : i32
    return %c0_i32, %c0_i32_0 : i32, i32
  }
  func.func @transform_2(%arg0: i32) -> (i32, i32) {
    %c0_i32 = arith.constant 0 : i32
    %c0_i32_0 = arith.constant 0 : i32
    %c0_i32_1 = arith.constant 0 : i32
    return %c0_i32, %c0_i32_0 : i32, i32
  }
  func.func @transform_3(%arg0: i32) -> (i32, i32) {
    %c0_i32 = arith.constant 0 : i32
    %c0_i32_0 = arith.constant 0 : i32
    %c0_i32_1 = arith.constant 0 : i32
    return %c0_i32, %c0_i32_0 : i32, i32
  }
  func.func @transform_4(%arg0: i32) -> (i32, i32) {
    %c0_i32 = arith.constant 0 : i32
    %c0_i32_0 = arith.constant 0 : i32
    %c0_i32_1 = arith.constant 0 : i32
    return %c0_i32, %c0_i32_0 : i32, i32
  }
  func.func @transform_5(%arg0: i32) -> (i32, i32) {
    %c0_i32 = arith.constant 0 : i32
    %c0_i32_0 = arith.constant 0 : i32
    %c0_i32_1 = arith.constant 0 : i32
    return %c0_i32, %c0_i32_0 : i32, i32
  }
  func.func @transform_6(%arg0: i32) -> (i32, i32) {
    %c0_i32 = arith.constant 0 : i32
    %c0_i32_0 = arith.constant 0 : i32
    %c0_i32_1 = arith.constant 0 : i32
    return %c0_i32, %c0_i32_0 : i32, i32
  }
}

</mosaic_0001>

<sc_bundles>
// kernel: kernel.15.cloned.1.call-start
scs
__scs_entry_jumppad:
0x0: {  	(pc) =	sbr.rel $0x88, $3  }
0x1: {  	(tag) =	ssettag $0x0;
	lr =	simm.s32 $0x1  }
0x2: {  	[smem:$0x3F7B] =	sst lr;
	_ =	strace $0xD0000000  }
0x3: {  	_ = 	snop  }
0x4: {  	_ = 	snop  }
0x5: {  	_ = 	snop  }
0x6: {  	_ = 	snop  }
0x7: {  	_ = 	snop  }
__scs_overlays_trampoline_lowered:
0x8: {  	[smem:$0x3F8A] =	sst s0  }
0x9: {  	[smem:$0x3F8B] =	sst s1  }
0xa: {  	[smem:$0x3F8C] =	sst s2  }
0xb: {  	[smem:$0x3F8D] =	sst s3  }
0xc: {  	[smem:$0x3F8E] =	sst s4  }
0xd: {  	[smem:$0x3F8F] =	sst s5  }
0xe: {  	[smem:$0x3F90] =	sst s6  }
0xf: {  	[smem:$0x3F91] =	sst s7  }
0x10: {  	[smem:$0x3F92] =	sst s8  }
0x11: {  	[smem:$0x3F93] =	sst s9;
	s0 =	simm.s32 @!p0 $0x0  }
0x12: {  	s1 =	sld [smem:$0x3F79];
	s0 =	simm.s32 @p0 $0x1  }
0x13: {  	[smem:$0x3F94] =	sst s0;
	s0 =	simm.s32 @!p1 $0x0  }
0x14: {  	s2 =	sld [smem:$0x3F78];
	s0 =	simm.s32 @p1 $0x1  }
0x15: {  	[smem:$0x3F95] =	sst s0;
	s0 =	simm.s32 @!p2 $0x0  }
0x16: {  	s3 =	sld [smem:$0x3FDB];
	s0 =	simm.s32 @p2 $0x1  }
0x17: {  	s4 =	simm.s32 $0x1BF5;
	[smem:$0x3F97] =	sst s0  }
0x18: {  	s0 =	sld [smem:$0x3F7A];
	_ =	swait.ge [sflag:s4], $0x0  }
0x19: {  	s7 =	sld [smem:$0x3F7B]  }
0x1a: {  	s8 =	sadd.s32 $0xFFFFE003, lr  }
0x1b: {  	s9 =	sadd.s32 $0xFFFFFEF7, lr;
	s5 =	simm.s32 $0xFFFFFFFF;
	p2 =	slt.u32 s8, $0xFFFFF086  }
0x1c: {  	p1 =	slt.u32 s9, $0xF7A;
	s5 =	simm.s32 @!p2 $0x0  }
0x1d: {  	s5 =	simm.s32 @p1 $0x1;
	p0 =	seq.s32 s7, s2  }
0x1e: {  	s7 =	smul.u32 @!p0 $0xF7A, s2;
	p2 =	seq.s32 @!p0 s5, $0x0  }
0x1f: {  	s9 =	smul.u32 $0xF7A, s1;
	s8 =	simm.s32 @!p0 $0x1BF5;
	p2 =	por !p2, p0  }
0x20: {  	[sflag:s8] =	ssyncset.s32 @!p0 $0xFFFFF086;
	s6 =	sadd.s32 @!p0 s3, s7;
	s7 =	simm.s32 @!p0 $0x108  }
0x21: {  	s3 =	sadd.s32 s3, s9;
	s6 =	sadd.s32 @!p0 $0x88, s6;
	s7 =	simm.s32 @p2 $0x1082  }
0x22: {  	[simem:s7], [sflag:s8] =	dma.local @!p0 [hbm:s6], $0xF7A  }
0x23: {  	s9 =	sor.u32 $0xD0000000, s2;
	s6 =	simm.s32 $0x108;
	_ =	swait.ge @!p0 [sflag:s8], $0x0  }
0x24: {  	s3 =	sadd.s32 $0x88, s3;
	s6 =	simm.s32 @!p1 $0x1082;
	[sflag:s4] =	ssyncset.s32 $0xFFFFF086  }
0x25: {  	[simem:s6], [sflag:s4] =	dma.local [hbm:s3], $0xF7A  }
0x26: {  	[smem:$0x3F7B] =	sst s1;
	(tag) =	ssettag s2;
	_ =	strace s9  }
0x27: {  	s1 =	sld [smem:$0x3F8B]  }
0x28: {  	s2 =	sld [smem:$0x3F8C]  }
0x29: {  	s4 =	sld [smem:$0x3F8E]  }
0x2a: {  	p0 =	seq.s32 s5, $0x0;
	s5 =	sld [smem:$0x3F8F]  }
0x2b: {  	s6 =	sld [smem:$0x3F90]  }
0x2c: {  	s7 =	sld [smem:$0x3F91]  }
0x2d: {  	s3 =	simm.s32 $0x108;
	s8 =	sld [smem:$0x3F92]  }
0x2e: {  	s3 =	simm.s32 @!p0 $0x1082;
	s9 =	sld [smem:$0x3F93]  }
0x2f: {  	lr =	sadd.s32 s0, s3;
	s0 =	sld [smem:$0x3F8A]  }
0x30: {  	s3 =	sld [smem:$0x3F8D]  }
0x31: {  	[smem:$0x3F96] =	sst s10  }
0x32: {  	s10 =	sld [smem:$0x3F94];
	_ =	sdelay $0x3  }
0x33: {  	p0 =	seq.s32 s10, $0x1;
	s10 =	sld [smem:$0x3F96];
	_ =	sdelay $0x3  }
0x34: {  	[smem:$0x3F96] =	sst s10  }
0x35: {  	s10 =	sld [smem:$0x3F95];
	_ =	sdelay $0x3  }
0x36: {  	p1 =	seq.s32 s10, $0x1;
	s10 =	sld [smem:$0x3F96];
	_ =	sdelay $0x3  }
0x37: {  	[smem:$0x3F96] =	sst s10  }
0x38: {  	s10 =	sld [smem:$0x3F97]  }
0x39: {  	_ = 	snop;
	(pc) =	sbr.ind lr, $3  }
0x3a: {  	_ = 	snop  }
0x3b: {  	_ = 	snop  }
0x3c: {  	p2 =	seq.s32 s10, $0x1;
	s10 =	sld [smem:$0x3F96]  }
0x3d: {  	_ =	shalt  }
0x3e: {  	_ =	shalt  }
0x3f: {  	_ =	shalt  }
0x40: {  	_ =	shalt  }
0x41: {  	_ =	shalt  }
0x42: {  	_ =	shalt  }
0x43: {  	_ =	shalt  }
0x44: {  	_ =	shalt  }
0x45: {  	_ =	shalt  }
0x46: {  	_ =	shalt  }
0x47: {  	_ =	shalt  }
0x48: {  	_ =	shalt  }
0x49: {  	_ =	shalt  }
0x4a: {  	_ =	shalt  }
0x4b: {  	_ =	shalt  }
0x4c: {  	_ =	shalt  }
0x4d: {  	_ =	shalt  }
0x4e: {  	_ =	shalt  }
0x4f: {  	_ =	shalt  }
0x50: {  	_ =	shalt  }
0x51: {  	_ =	shalt  }
0x52: {  	_ =	shalt  }
0x53: {  	_ =	shalt  }
0x54: {  	_ =	shalt  }
0x55: {  	_ =	shalt  }
0x56: {  	_ =	shalt  }
0x57: {  	_ =	shalt  }
0x58: {  	_ =	shalt  }
0x59: {  	_ =	shalt  }
0x5a: {  	_ =	shalt  }
0x5b: {  	_ =	shalt  }
0x5c: {  	_ =	shalt  }
0x5d: {  	_ =	shalt  }
0x5e: {  	_ =	shalt  }
0x5f: {  	_ =	shalt  }
0x60: {  	_ =	shalt  }
0x61: {  	_ =	shalt  }
0x62: {  	_ =	shalt  }
0x63: {  	_ =	shalt  }
0x64: {  	_ =	shalt  }
0x65: {  	_ =	shalt  }
0x66: {  	_ =	shalt  }
0x67: {  	_ =	shalt  }
0x68: {  	_ =	shalt  }
0x69: {  	_ =	shalt  }
0x6a: {  	_ =	shalt  }
0x6b: {  	_ =	shalt  }
0x6c: {  	_ =	shalt  }
0x6d: {  	_ =	shalt  }
0x6e: {  	_ =	shalt  }
0x6f: {  	_ =	shalt  }
0x70: {  	_ =	shalt  }
0x71: {  	_ =	shalt  }
0x72: {  	_ =	shalt  }
0x73: {  	_ =	shalt  }
0x74: {  	_ =	shalt  }
0x75: {  	_ =	shalt  }
0x76: {  	_ =	shalt  }
0x77: {  	_ =	shalt  }
0x78: {  	_ =	shalt  }
0x79: {  	_ =	shalt  }
0x7a: {  	_ =	shalt  }
0x7b: {  	_ =	shalt  }
0x7c: {  	_ =	shalt  }
0x7d: {  	_ =	shalt  }
0x7e: {  	_ =	shalt  }
0x7f: {  	_ =	shalt  }
0x80: {  	_ =	shalt  }
0x81: {  	_ =	shalt  }
0x82: {  	_ =	shalt  }
0x83: {  	_ =	shalt  }
0x84: {  	_ =	shalt  }
0x85: {  	_ =	shalt  }
0x86: {  	_ =	shalt  }
0x87: {  	_ =	shalt  }
.Lfunc_end0:
.L_simem_size_0:
called_computation_lowered:
.L_overlay_start_0:
0x88: {  	s2 =	sld [smem:$0x3FD9]  }
0x89: {  	s3 =	sld [smem:$0x3FFE];
	_ =	sdelay $0x1  }
0x8a: {  	s1 =	srdreg.scid  }
0x8b: {  	s0 =	sand.u32 $0x1, s1  }
0x8c: {  	s16 =	sshll.u32 s0, $0xA;
	s2 =	sadd.s32 s3, s2  }
0x8d: {  	s2 =	sadd.s32 s2, s16  }
0x8e: {  	[smem:$0x3FA2] =	sst s2  }
0x8f: {  	_ = 	snop  }
0x90: {  	(tm) =	ssettm $0x1  }
0x91: {  	s17 =	sld [smem:$0x3FFB];
	_ =	sdelay $0x3  }
0x92: {  	_ =	strace s17  }
0x93: {  	s2 =	sld [smem:$0x3FFC];
	_ =	sdelay $0x3  }
0x94: {  	_ =	strace s2  }
0x95: {  	s2 =	sld [smem:$0x3FFD];
	_ =	sdelay $0x3  }
0x96: {  	_ =	strace s2  }
0x97: {  	_ =	strace $0x8FFFFFFF  }
0x98: {  	s18 =	sld [smem:$0x3FDB];
	_ =	sdelay $0x1  }
0x99: {  	s19 =	simm.s32 $_scs_section_size  }
0x9a: {  	s4 =	simm.s32 $_size__tile_overlayer_lowered;
	s5 =	simm.s32 $_tile_overlayer_lowered  }
0x9b: {  	s22 =	simm.s32 $0x1BFF;
	s21 =	sshll.u32 s5, $0x1;
	s2 =	sadd.s32 s19, s18  }
0x9c: {  	s6 =	simm.s32 $0x0;
	s20 =	sshll.u32 s4, $0x1;
	s4 =	sadd.s32 s21, s2  }
0x9d: {  	[timem:s6], [sflag:s22] =	dma.local [hbm:s4], s20  }
0x9e: {  	_ =	swait.ge [sflag:s22], s20  }
0x9f: {  	s3 =	ssub.s32 $0x0, s20;
	[sflag:s22] =	ssyncset.done $0x0  }
0xa0: {  	[sflag:s22] =	ssyncadd.s32 s3;
	_ =	sdelay $0x1  }
0xa1: {  	s23 =	simm.s32 $0x1B8B  }
0xa2: {  	_ =	swait.ge [sflag:s23], $0x1  }
0xa3: {  	[sflag:s23] =	ssyncset.done $0x0  }
0xa4: {  	s25 =	simm.s32 $0x1B8E;
	s24 =	sld [smem:$0x3FFE];
	[sflag:s23] =	ssyncadd.s32 $0xFFFFFFFF  }
0xa5: {  	s26 =	simm.s32 $execute0_lowered;
	[smem:$0x3FD2] =	sst s25  }
0xa6: {  	s4 =	sshll.u32 s26, $0x1;
	_ =	strace $0x80000046;
	[dreg:$0x1] =	wrdreg $0xFFFFFFFF  }
0xa7: {  	s28 =	simm.s32 $_size_execute0_lowered;
	s2 =	sadd.s32 s2, s4;
	[dreg:$0x0] =	wrdreg $0x0  }
0xa8: {  	s4 =	sshll.u32 s28, $0x1;
	[dreg:$0x2] =	wrdreg s2  }
0xa9: {  	[dreg:$0x3] =	wrdreg s4  }
0xaa: {  	[dreg:$0x4] =	wrdreg $0xC0  }
0xab: {  	_ =	task [dreg:s6], $0x5FFFF  }
0xac: {  	[dreg:$0x1] =	wrdreg $0xFFFFFFFF  }
0xad: {  	[dreg:$0x0] =	wrdreg $0x60  }
0xae: {  	[dreg:$0x2] =	wrdreg s24  }
0xaf: {  	[dreg:$0x3] =	wrdreg $0x9  }
0xb0: {  	_ =	task.clear_ibuf [dreg:s6], $0x4FFFF;
	_ =	strace $0x90000046  }
0xb1: {  	s29 =	simm.s32 $0x9;
	_ =	strace $0x80000048  }
0xb2: {  	_ =	swait.ge [sflag:s29], $0x1  }
0xb3: {  	[sflag:s29] =	ssyncadd.s32 $0xFFFFFFFF  }
0xb4: {  	_ =	strace $0x90000048  }
0xb5: {  	_ =	sfence  }
0xb6: {  	s30 =	sld [smem:$0x0];
	_ =	sdelay $0x2  }
0xb7: {  	s31 =	sshll.u32 s1, $0xD;
	s1 =	sshrl.u32 s1, $0x2  }
0xb8: {  	s3 =	sand.u32 $0x4000, s31;
	s1 =	sadd.s32 s1, s30  }
0xb9: {  	s0 =	sor.u32 s3, s0;
	s1 =	sshll.u32 s1, $0x11  }
0xba: {  	s0 =	sor.u32 s1, s0  }
0xbb: {  	s0 =	sadd.s32 $0x8F2B, s0  }
0xbc: {  	[sflag:s0] =	ssyncadd.remote.s32 $0x1  }
0xbd: {  	_ =	sfence.sel $0xFFFF  }
0xbe: {  	[dreg:$0x0] =	wrdreg $0xFFFFFFFF;
	(pc) =	sbr.abs _section_cstart, $3  }
0xbf: {  	[dreg:$0x1] =	wrdreg $0xFFFFFFFF  }
0xc0: {  	_ =	task.clear_ibuf [dreg:s6], $0x2FFFF;
	_ =	strace $0x9FFFFFFF  }
0xc1: {  	(tm) =	ssettm $0x7FFFFFFF  }
tec
execute0_lowered:
.L_overlay_start_1:
0x0: {  	(tag) =	ssettag $0x1  }
0x1: {  	s6 =	rddreg [dreg:$0x0];
	s1 =	srdreg.scid  }
0x2: {  	s0 =	rddreg [dreg:$0x1];
	s2 =	simm.s32 $0x0;
	s11 =	simm.s32 $0x2780  }
0x3: {  	s12 =	simm.s32 $0x4F00;
	s13 =	simm.s32 $0x7680;
	s5 =	sand.u32 $0x1, s1  }
0x4: {  	s14 =	simm.s32 $0x9E00;
	s1 =	stileid.u32;
	s3 =	sshll.u32 s5, $0x4  }
0x5: {  	s15 =	simm.s32 $0xC580;
	s16 =	simm.s32 $0x0;
	s3 =	sor.u32 s1, s3  }
0x6: {  	[smem:$0x7FF] =	sst s2;
	s4 =	sadd.s32 $0x1AA00, s6;
	s7 =	smul.u32 $0x4E2, s3  }
0x7: {  	_ =	strace $0x80000047;
	s8 =	ssub.s32 $0x2, s5;
	s5 =	sadd.s32 $0x1A400, s6  }
0x8: {  	s31 =	sshrl.u32 s8, $0x1;
	s3 =	sadd.s32 $0x1B000, s6;
	s9 =	sadd.s32 s7, s6  }
0x9: {  	s10 =	ssub.s32 s8, s31;
	s6 =	sadd.s32 $0x10600, s9;
	s7 =	sadd.s32 $0x6800, s9  }
0xa: {  	s8 =	sadd.s32 $0x1B600, s9;
	s9 =	smax.u32 s10, $0x1;
	s10 =	simm.s32 $0x1  }
.LBB2_1:
0xb: {  	[tilespmem:s2], [sflag:$0x1] =	stream.linear.gather [hbm4b:s3+s2], $0x2780, $0x38;
	[tilespmem:$0xED00] =	vst v63  }
0xc: {  	_ =	swait.ge [sflag:s10], $0x2780  }
0xd: {  	[sflag:s10] =	ssyncset.done $0x0  }
0xe: {  	[sflag:s10] =	ssyncadd.s32 $0xFFFFD880  }
0xf: {  	[tilespmem:s11], [sflag:$0x1] =	stream.linear.gather [hbm4b:s4+s2], $0x2780, $0x38;
	[tilespmem:$0xED00] =	vst v63  }
0x10: {  	_ =	swait.ge [sflag:s10], $0x2780  }
0x11: {  	[sflag:s10] =	ssyncset.done $0x0  }
0x12: {  	[sflag:s10] =	ssyncadd.s32 $0xFFFFD880  }
0x13: {  	[tilespmem:s12], [sflag:$0x1] =	stream.linear.gather [hbm4b:s5+s2], $0x2780, $0x38;
	[tilespmem:$0xED00] =	vst v63  }
0x14: {  	_ =	swait.ge [sflag:s10], $0x2780  }
0x15: {  	[sflag:s10] =	ssyncset.done $0x0  }
0x16: {  	[sflag:s10] =	ssyncadd.s32 $0xFFFFD880  }
0x17: {  	[tilespmem:s13], [sflag:$0x1] =	stream.linear.gather [hbm4b:s6+s2], $0x2710, $0x38;
	[tilespmem:$0xED00] =	vst v63  }
0x18: {  	_ =	swait.ge [sflag:s10], $0x2710  }
0x19: {  	[sflag:s10] =	ssyncset.done $0x0  }
0x1a: {  	[sflag:s10] =	ssyncadd.s32 $0xFFFFD8F0  }
0x1b: {  	[tilespmem:s14], [sflag:$0x1] =	stream.linear.gather [hbm4b:s7+s2], $0x2710, $0x38;
	[tilespmem:$0xED00] =	vst v63  }
0x1c: {  	_ =	swait.ge [sflag:s10], $0x2710  }
0x1d: {  	[sflag:s10] =	ssyncset.done $0x0  }
0x1e: {  	s17 =	simm.s32 $0x0;
	[sflag:s10] =	ssyncadd.s32 $0xFFFFD8F0  }
0x1f: {  	v0 =	vld [tilespmem:s17+$0x9E00]  }
0x20: {  	v1 =	vld [tilespmem:s17+$0x7680];
	_ =	sdelay $0x6  }
0x21: {  	v2 =	vld.idx.msk [tilespmem:v0+s2+$0x0], $0xffff  }
0x22: {  	v3 =	vld.idx.msk [tilespmem:v1+s2+$0x0], $0xffff  }
0x23: {  	v4 =	vld.idx.msk [tilespmem:v1+s11+$0x0], $0xffff  }
0x24: {  	v5 =	vld.idx.msk [tilespmem:v0+s11+$0x0], $0xffff  }
0x25: {  	v6 =	vld.idx.msk [tilespmem:v1+s12+$0x0], $0xffff  }
0x26: {  	v7 =	vld.idx.msk [tilespmem:v0+s12+$0x0], $0xffff;
	_ =	sdelay $0x2  }
0x27: {  	s18 =	simm.s32 $0x10;
	v3 =	vsub.f32 v3, v2;
	v4 =	vsub.f32 v4, v5  }
0x28: {  	v0 =	vld [tilespmem:s18+$0x9E00]  }
0x29: {  	v1 =	vld [tilespmem:s18+$0x7680];
	v2 =	vsub.f32 v6, v7;
	v3 =	vmul.f32 v3, v3;
	v4 =	vmul.f32 v4, v4  }
0x2a: {  	s19 =	simm.s32 $0x80  }
.LBB2_2:
0x2b: {  	p0 =	sne.s32 s19, $0x9C00;
	v3 =	vadd.f32 v4, v3;
	v2 =	vmul.f32 v2, v2;
	_ =	sdelay $0x1  }
0x2c: {  	v2 =	vadd.f32 v2, v3;
	_ =	sdelay $0x1  }
0x2d: {  	[tilespmem:s17+$0xC580] =	vst v2;
	s17 =	smov.u32 s18  }
0x2e: {  	v2 =	vld.idx.msk [tilespmem:v0+s2+$0x0], $0xffff  }
0x2f: {  	v3 =	vld.idx.msk [tilespmem:v1+s2+$0x0], $0xffff  }
0x30: {  	v4 =	vld.idx.msk [tilespmem:v1+s11+$0x0], $0xffff  }
0x31: {  	v5 =	vld.idx.msk [tilespmem:v0+s11+$0x0], $0xffff  }
0x32: {  	v6 =	vld.idx.msk [tilespmem:v1+s12+$0x0], $0xffff  }
0x33: {  	v7 =	vld.idx.msk [tilespmem:v0+s12+$0x0], $0xffff;
	_ =	sdelay $0x2  }
.Ltmp0:
0x34: {  	(pc) =	sbr.rel @p0 .LBB2_2-.Ltmp0, $4  }
0x35: {  	s18 =	sshra.s32 s19, $0x2;
	v3 =	vsub.f32 v3, v2;
	v4 =	vsub.f32 v4, v5  }
0x36: {  	v0 =	vld [tilespmem:s18+$0x9E00]  }
0x37: {  	v3 =	vmul.f32 v3, v3;
	v2 =	vsub.f32 v6, v7;
	v4 =	vmul.f32 v4, v4;
	v1 =	vld [tilespmem:s18+$0x7680]  }
0x38: {  	s19 =	sadd.s32 $0x40, s19  }
0x39: {  	_ = 	snop  }
0x3a: {  	v3 =	vadd.f32 v4, v3;
	v2 =	vmul.f32 v2, v2;
	_ =	sdelay $0x1  }
0x3b: {  	v2 =	vadd.f32 v2, v3;
	_ =	sdelay $0x1  }
0x3c: {  	[tilespmem:s17+$0xC580] =	vst v2  }
0x3d: {  	v2 =	vld.idx.msk [tilespmem:v0+s2+$0x0], $0xffff  }
0x3e: {  	v57 =	vld.idx.msk [tilespmem:v1+s2+$0x0], $0xffff  }
0x3f: {  	v58 =	vld.idx.msk [tilespmem:v1+s11+$0x0], $0xffff  }
0x40: {  	v5 =	vld.idx.msk [tilespmem:v0+s11+$0x0], $0xffff  }
0x41: {  	v59 =	vld.idx.msk [tilespmem:v1+s12+$0x0], $0xffff  }
0x42: {  	v60 =	vld.idx.msk [tilespmem:v0+s12+$0x0], $0xffff;
	_ =	sdelay $0x2  }
0x43: {  	v2 =	vsub.f32 v57, v2;
	v61 =	vsub.f32 v58, v5;
	_ =	sdelay $0x1  }
0x44: {  	v0 =	vsub.f32 v59, v60;
	v62 =	vmul.f32 v2, v2;
	v63 =	vmul.f32 v61, v61;
	_ =	sdelay $0x1  }
0x45: {  	v0 =	vmul.f32 v0, v0;
	v1 =	vadd.f32 v63, v62;
	_ =	sdelay $0x1  }
0x46: {  	s16 =	sadd.s32 $0x1, s16;
	v0 =	vadd.f32 v0, v1  }
0x47: {  	p0 =	sne.s32 s16, s9  }
.Ltmp1:
0x48: {  	[tilespmem:s18+$0xC580] =	vst v0;
	(pc) =	sbr.rel @p0 .LBB2_1-.Ltmp1, $4  }
0x49: {  	[hbm4b:s8+s2] =	stream.linear.scatter [tilespmem:s15], [sflag:$0x1], $0x2710, $0x38;
	[tilespmem:$0xED00] =	vst v63  }
0x4a: {  	_ =	swait.ge [sflag:s10], $0x2710  }
0x4b: {  	[sflag:s10] =	ssyncset.done $0x0  }
0x4c: {  	[sflag:s10] =	ssyncadd.s32 $0xFFFFD8F0  }
0x4d: {  	_ =	sfence.sel $0x180000  }
0x4e: {  	[bflag:$0x0] =	sbarrier.arrive $0xFFFF  }
0x4f: {  	p0 =	sne.s32 s1, $0x0;
	_ =	strace $0x90000047  }
0x50: {  	s0 =	sadd.s32 @!p0 $0x100000, s0;
	[bflag:$0x2] =	sbarrier.arrive $0xFFFF  }
0x51: {  	[sflag:s0] =	ssyncadd.tile.s32 @!p0 $0x1;
	_ =	shalt  }
.Lfunc_end2:
_tile_overlayer_lowered:
.L_overlay_start_2:
0x52: {  	(tag) =	ssettag $0x2  }
0x53: {  	s0 =	rddreg [dreg:$0x0];
	s2 =	stileid.u32  }
0x54: {  	s1 =	rddreg [dreg:$0x1];
	p0 =	sne.s32 s2, $0x0  }
0x55: {  	s3 =	rddreg [dreg:$0x2];
	[bflag:$0x3] =	sbarrier.arrive $0xFFFF;
	s2 =	simm.s32 @!p0 $0x1C01  }
0x56: {  	[timem:s3], [sflag:s2] =	dma.local @!p0 [hbm:s0], s1  }
0x57: {  	s0 =	simm.s32 @!p0 $0x1  }
0x58: {  	_ =	swait.ge @!p0 [sflag:s0], s1  }
0x59: {  	s1 =	ssub.s32 @!p0 $0x0, s1;
	[sflag:s0] =	ssyncset.done @!p0 $0x0  }
0x5a: {  	[sflag:s0] =	ssyncadd.s32 @!p0 s1  }
0x5b: {  	[bflag:$0x3] =	sbarrier.arrive $0xFFFF  }
0x5c: {  	_ =	shalt  }

// kernel: kernel.18.cloned.1.call-start
scs
__scs_entry_jumppad:
0x0: {  	(pc) =	sbr.rel $0x88, $3  }
0x1: {  	(tag) =	ssettag $0x0;
	lr =	simm.s32 $0x1  }
0x2: {  	[smem:$0x3F7B] =	sst lr;
	_ =	strace $0xD0000000  }
0x3: {  	_ = 	snop  }
0x4: {  	_ = 	snop  }
0x5: {  	_ = 	snop  }
0x6: {  	_ = 	snop  }
0x7: {  	_ = 	snop  }
__scs_overlays_trampoline_lowered:
0x8: {  	[smem:$0x3F8A] =	sst s0  }
0x9: {  	[smem:$0x3F8B] =	sst s1  }
0xa: {  	[smem:$0x3F8C] =	sst s2  }
0xb: {  	[smem:$0x3F8D] =	sst s3  }
0xc: {  	[smem:$0x3F8E] =	sst s4  }
0xd: {  	[smem:$0x3F8F] =	sst s5  }
0xe: {  	[smem:$0x3F90] =	sst s6  }
0xf: {  	[smem:$0x3F91] =	sst s7  }
0x10: {  	[smem:$0x3F92] =	sst s8  }
0x11: {  	[smem:$0x3F93] =	sst s9;
	s0 =	simm.s32 @!p0 $0x0  }
0x12: {  	s1 =	sld [smem:$0x3F79];
	s0 =	simm.s32 @p0 $0x1  }
0x13: {  	[smem:$0x3F94] =	sst s0;
	s0 =	simm.s32 @!p1 $0x0  }
0x14: {  	s2 =	sld [smem:$0x3F78];
	s0 =	simm.s32 @p1 $0x1  }
0x15: {  	[smem:$0x3F95] =	sst s0;
	s0 =	simm.s32 @!p2 $0x0  }
0x16: {  	s3 =	sld [smem:$0x3FDB];
	s0 =	simm.s32 @p2 $0x1  }
0x17: {  	s4 =	simm.s32 $0x1BF5;
	[smem:$0x3F97] =	sst s0  }
0x18: {  	s0 =	sld [smem:$0x3F7A];
	_ =	swait.ge [sflag:s4], $0x0  }
0x19: {  	s7 =	sld [smem:$0x3F7B]  }
0x1a: {  	s8 =	sadd.s32 $0xFFFFE003, lr  }
0x1b: {  	s9 =	sadd.s32 $0xFFFFFEF7, lr;
	s5 =	simm.s32 $0xFFFFFFFF;
	p2 =	slt.u32 s8, $0xFFFFF086  }
0x1c: {  	p1 =	slt.u32 s9, $0xF7A;
	s5 =	simm.s32 @!p2 $0x0  }
0x1d: {  	s5 =	simm.s32 @p1 $0x1;
	p0 =	seq.s32 s7, s2  }
0x1e: {  	s7 =	smul.u32 @!p0 $0xF7A, s2;
	p2 =	seq.s32 @!p0 s5, $0x0  }
0x1f: {  	s9 =	smul.u32 $0xF7A, s1;
	s8 =	simm.s32 @!p0 $0x1BF5;
	p2 =	por !p2, p0  }
0x20: {  	[sflag:s8] =	ssyncset.s32 @!p0 $0xFFFFF086;
	s6 =	sadd.s32 @!p0 s3, s7;
	s7 =	simm.s32 @!p0 $0x108  }
0x21: {  	s3 =	sadd.s32 s3, s9;
	s6 =	sadd.s32 @!p0 $0x88, s6;
	s7 =	simm.s32 @p2 $0x1082  }
0x22: {  	[simem:s7], [sflag:s8] =	dma.local @!p0 [hbm:s6], $0xF7A  }
0x23: {  	s9 =	sor.u32 $0xD0000000, s2;
	s6 =	simm.s32 $0x108;
	_ =	swait.ge @!p0 [sflag:s8], $0x0  }
0x24: {  	s3 =	sadd.s32 $0x88, s3;
	s6 =	simm.s32 @!p1 $0x1082;
	[sflag:s4] =	ssyncset.s32 $0xFFFFF086  }
0x25: {  	[simem:s6], [sflag:s4] =	dma.local [hbm:s3], $0xF7A  }
0x26: {  	[smem:$0x3F7B] =	sst s1;
	(tag) =	ssettag s2;
	_ =	strace s9  }
0x27: {  	s1 =	sld [smem:$0x3F8B]  }
0x28: {  	s2 =	sld [smem:$0x3F8C]  }
0x29: {  	s4 =	sld [smem:$0x3F8E]  }
0x2a: {  	p0 =	seq.s32 s5, $0x0;
	s5 =	sld [smem:$0x3F8F]  }
0x2b: {  	s6 =	sld [smem:$0x3F90]  }
0x2c: {  	s7 =	sld [smem:$0x3F91]  }
0x2d: {  	s3 =	simm.s32 $0x108;
	s8 =	sld [smem:$0x3F92]  }
0x2e: {  	s3 =	simm.s32 @!p0 $0x1082;
	s9 =	sld [smem:$0x3F93]  }
0x2f: {  	lr =	sadd.s32 s0, s3;
	s0 =	sld [smem:$0x3F8A]  }
0x30: {  	s3 =	sld [smem:$0x3F8D]  }
0x31: {  	[smem:$0x3F96] =	sst s10  }
0x32: {  	s10 =	sld [smem:$0x3F94];
	_ =	sdelay $0x3  }
0x33: {  	p0 =	seq.s32 s10, $0x1;
	s10 =	sld [smem:$0x3F96];
	_ =	sdelay $0x3  }
0x34: {  	[smem:$0x3F96] =	sst s10  }
0x35: {  	s10 =	sld [smem:$0x3F95];
	_ =	sdelay $0x3  }
0x36: {  	p1 =	seq.s32 s10, $0x1;
	s10 =	sld [smem:$0x3F96];
	_ =	sdelay $0x3  }
0x37: {  	[smem:$0x3F96] =	sst s10  }
0x38: {  	s10 =	sld [smem:$0x3F97]  }
0x39: {  	_ = 	snop;
	(pc) =	sbr.ind lr, $3  }
0x3a: {  	_ = 	snop  }
0x3b: {  	_ = 	snop  }
0x3c: {  	p2 =	seq.s32 s10, $0x1;
	s10 =	sld [smem:$0x3F96]  }
0x3d: {  	_ =	shalt  }
0x3e: {  	_ =	shalt  }
0x3f: {  	_ =	shalt  }
0x40: {  	_ =	shalt  }
0x41: {  	_ =	shalt  }
0x42: {  	_ =	shalt  }
0x43: {  	_ =	shalt  }
0x44: {  	_ =	shalt  }
0x45: {  	_ =	shalt  }
0x46: {  	_ =	shalt  }
0x47: {  	_ =	shalt  }
0x48: {  	_ =	shalt  }
0x49: {  	_ =	shalt  }
0x4a: {  	_ =	shalt  }
0x4b: {  	_ =	shalt  }
0x4c: {  	_ =	shalt  }
0x4d: {  	_ =	shalt  }
0x4e: {  	_ =	shalt  }
0x4f: {  	_ =	shalt  }
0x50: {  	_ =	shalt  }
0x51: {  	_ =	shalt  }
0x52: {  	_ =	shalt  }
0x53: {  	_ =	shalt  }
0x54: {  	_ =	shalt  }
0x55: {  	_ =	shalt  }
0x56: {  	_ =	shalt  }
0x57: {  	_ =	shalt  }
0x58: {  	_ =	shalt  }
0x59: {  	_ =	shalt  }
0x5a: {  	_ =	shalt  }
0x5b: {  	_ =	shalt  }
0x5c: {  	_ =	shalt  }
0x5d: {  	_ =	shalt  }
0x5e: {  	_ =	shalt  }
0x5f: {  	_ =	shalt  }
0x60: {  	_ =	shalt  }
0x61: {  	_ =	shalt  }
0x62: {  	_ =	shalt  }
0x63: {  	_ =	shalt  }
0x64: {  	_ =	shalt  }
0x65: {  	_ =	shalt  }
0x66: {  	_ =	shalt  }
0x67: {  	_ =	shalt  }
0x68: {  	_ =	shalt  }
0x69: {  	_ =	shalt  }
0x6a: {  	_ =	shalt  }
0x6b: {  	_ =	shalt  }
0x6c: {  	_ =	shalt  }
0x6d: {  	_ =	shalt  }
0x6e: {  	_ =	shalt  }
0x6f: {  	_ =	shalt  }
0x70: {  	_ =	shalt  }
0x71: {  	_ =	shalt  }
0x72: {  	_ =	shalt  }
0x73: {  	_ =	shalt  }
0x74: {  	_ =	shalt  }
0x75: {  	_ =	shalt  }
0x76: {  	_ =	shalt  }
0x77: {  	_ =	shalt  }
0x78: {  	_ =	shalt  }
0x79: {  	_ =	shalt  }
0x7a: {  	_ =	shalt  }
0x7b: {  	_ =	shalt  }
0x7c: {  	_ =	shalt  }
0x7d: {  	_ =	shalt  }
0x7e: {  	_ =	shalt  }
0x7f: {  	_ =	shalt  }
0x80: {  	_ =	shalt  }
0x81: {  	_ =	shalt  }
0x82: {  	_ =	shalt  }
0x83: {  	_ =	shalt  }
0x84: {  	_ =	shalt  }
0x85: {  	_ =	shalt  }
0x86: {  	_ =	shalt  }
0x87: {  	_ =	shalt  }
.Lfunc_end0:
.L_simem_size_0:
called_computation.1_lowered:
.L_overlay_start_0:
0x88: {  	s2 =	sld [smem:$0x3FD9]  }
0x89: {  	s3 =	sld [smem:$0x3FFE];
	_ =	sdelay $0x1  }
0x8a: {  	s1 =	srdreg.scid  }
0x8b: {  	s0 =	sand.u32 $0x1, s1  }
0x8c: {  	s16 =	sshll.u32 s0, $0xA;
	s2 =	sadd.s32 s3, s2  }
0x8d: {  	s2 =	sadd.s32 s2, s16  }
0x8e: {  	[smem:$0x3FA2] =	sst s2  }
0x8f: {  	_ = 	snop  }
0x90: {  	(tm) =	ssettm $0x1  }
0x91: {  	s17 =	sld [smem:$0x3FFB];
	_ =	sdelay $0x3  }
0x92: {  	_ =	strace s17  }
0x93: {  	s2 =	sld [smem:$0x3FFC];
	_ =	sdelay $0x3  }
0x94: {  	_ =	strace s2  }
0x95: {  	s2 =	sld [smem:$0x3FFD];
	_ =	sdelay $0x3  }
0x96: {  	_ =	strace s2  }
0x97: {  	_ =	strace $0x8FFFFFFF  }
0x98: {  	s18 =	sld [smem:$0x3FDB];
	_ =	sdelay $0x1  }
0x99: {  	s19 =	simm.s32 $_scs_section_size  }
0x9a: {  	s4 =	simm.s32 $_size__tile_overlayer_lowered;
	s5 =	simm.s32 $_tile_overlayer_lowered  }
0x9b: {  	s22 =	simm.s32 $0x1BFF;
	s21 =	sshll.u32 s5, $0x1;
	s2 =	sadd.s32 s19, s18  }
0x9c: {  	s6 =	simm.s32 $0x0;
	s20 =	sshll.u32 s4, $0x1;
	s4 =	sadd.s32 s21, s2  }
0x9d: {  	[timem:s6], [sflag:s22] =	dma.local [hbm:s4], s20  }
0x9e: {  	_ =	swait.ge [sflag:s22], s20  }
0x9f: {  	s3 =	ssub.s32 $0x0, s20;
	[sflag:s22] =	ssyncset.done $0x0  }
0xa0: {  	[sflag:s22] =	ssyncadd.s32 s3;
	_ =	sdelay $0x1  }
0xa1: {  	s23 =	simm.s32 $0x1B8B  }
0xa2: {  	_ =	swait.ge [sflag:s23], $0x1  }
0xa3: {  	[sflag:s23] =	ssyncset.done $0x0  }
0xa4: {  	s25 =	simm.s32 $0x1B8E;
	s24 =	sld [smem:$0x3FFE];
	[sflag:s23] =	ssyncadd.s32 $0xFFFFFFFF  }
0xa5: {  	s26 =	simm.s32 $execute0_lowered;
	[smem:$0x3FD2] =	sst s25  }
0xa6: {  	s4 =	sshll.u32 s26, $0x1;
	_ =	strace $0x80000049;
	[dreg:$0x1] =	wrdreg $0xFFFFFFFF  }
0xa7: {  	s28 =	simm.s32 $_size_execute0_lowered;
	s2 =	sadd.s32 s2, s4;
	[dreg:$0x0] =	wrdreg $0x0  }
0xa8: {  	s4 =	sshll.u32 s28, $0x1;
	[dreg:$0x2] =	wrdreg s2  }
0xa9: {  	[dreg:$0x3] =	wrdreg s4  }
0xaa: {  	[dreg:$0x4] =	wrdreg $0xC0  }
0xab: {  	_ =	task [dreg:s6], $0x5FFFF  }
0xac: {  	[dreg:$0x1] =	wrdreg $0xFFFFFFFF  }
0xad: {  	[dreg:$0x0] =	wrdreg $0x60  }
0xae: {  	[dreg:$0x2] =	wrdreg s24  }
0xaf: {  	[dreg:$0x3] =	wrdreg $0x0  }
0xb0: {  	[dreg:$0x4] =	wrdreg $0x9  }
0xb1: {  	_ =	task.clear_ibuf [dreg:s6], $0x5FFFF;
	_ =	strace $0x90000049  }
0xb2: {  	s29 =	simm.s32 $0x9;
	_ =	strace $0x8000004B  }
0xb3: {  	_ =	swait.ge [sflag:s29], $0x1  }
0xb4: {  	[sflag:s29] =	ssyncadd.s32 $0xFFFFFFFF  }
0xb5: {  	_ =	strace $0x9000004B  }
0xb6: {  	_ =	sfence  }
0xb7: {  	s30 =	sld [smem:$0x0];
	_ =	sdelay $0x2  }
0xb8: {  	s31 =	sshll.u32 s1, $0xD;
	s1 =	sshrl.u32 s1, $0x2  }
0xb9: {  	s3 =	sand.u32 $0x4000, s31;
	s1 =	sadd.s32 s1, s30  }
0xba: {  	s0 =	sor.u32 s3, s0;
	s1 =	sshll.u32 s1, $0x11  }
0xbb: {  	s0 =	sor.u32 s1, s0  }
0xbc: {  	s0 =	sadd.s32 $0x8F2B, s0  }
0xbd: {  	[sflag:s0] =	ssyncadd.remote.s32 $0x1  }
0xbe: {  	_ =	sfence.sel $0xFFFF  }
0xbf: {  	[dreg:$0x0] =	wrdreg $0xFFFFFFFF;
	(pc) =	sbr.abs _section_cstart, $3  }
0xc0: {  	[dreg:$0x1] =	wrdreg $0xFFFFFFFF  }
0xc1: {  	_ =	task.clear_ibuf [dreg:s6], $0x2FFFF;
	_ =	strace $0x9FFFFFFF  }
0xc2: {  	(tm) =	ssettm $0x7FFFFFFF  }
0xc3: {  	_ =	shalt  }
tec
execute0_lowered:
.L_overlay_start_1:
0x0: {  	(tag) =	ssettag $0x1  }
0x1: {  	s8 =	rddreg [dreg:$0x0]  }
0x2: {  	s1 =	rddreg [dreg:$0x1];
	s3 =	simm.s32 $0x0;
	s2 =	stileid.u32  }
0x3: {  	s7 =	srdreg.scid;
	s23 =	simm.s32 $0x14080;
	s24 =	simm.s32 $0x80  }
0x4: {  	s25 =	simm.s32 $0x14100;
	s26 =	simm.s32 $0x1;
	[smem:$0x7FF] =	sst s3  }
0x5: {  	s4 =	sadd.s32 $0x3A400, s8;
	s5 =	sadd.s32 $0xB08800, s8;
	s9 =	smul.u32 $0x50000, s2  }
0x6: {  	s6 =	sadd.s32 $0x25400, s8;
	s13 =	sand.u32 $0x1, s7;
	s14 =	smul.u32 $0x14000, s2  }
0x7: {  	s7 =	sadd.s32 $0x2FC00, s8;
	s18 =	sadd.s32 $0x1048800, s8;
	s22 =	sshll.u32 s2, $0x7  }
0x8: {  	_ =	strace $0x8000004A;
	s31 =	ssub.s32 $0x2, s13;
	s20 =	smul.u32 $0x140000, s13  }
0x9: {  	s13 =	sshll.u32 s13, $0xB;
	s10 =	sshrl.u32 s31, $0x1;
	s9 =	sshrl.u32 s9, $0x2  }
0xa: {  	s15 =	sadd.s32 $0x4000, s14;
	s16 =	sadd.s32 $0x8000, s14;
	s17 =	sadd.s32 $0xC000, s14  }
0xb: {  	s21 =	sadd.s32 $0x10000, s14;
	s13 =	sor.u32 s22, s13;
	s22 =	simm.s32 $0x14000  }
0xc: {  	s19 =	ssub.s32 s31, s10;
	s8 =	sadd.s32 s9, s1;
	s9 =	sadd.s32 s15, s1  }
0xd: {  	s10 =	sadd.s32 s16, s1;
	s11 =	sadd.s32 s17, s1;
	s12 =	sadd.s32 s21, s1  }
0xe: {  	s14 =	sadd.s32 s14, s20;
	s15 =	sadd.s32 s20, s15;
	s16 =	sadd.s32 s20, s16  }
0xf: {  	s17 =	sadd.s32 s20, s17;
	s20 =	sadd.s32 s20, s21;
	s21 =	simm.s32 $0x2  }
0x10: {  	s14 =	sshrl.u32 s14, $0x3;
	s15 =	sshrl.u32 s15, $0x3;
	s16 =	sshrl.u32 s16, $0x3  }
0x11: {  	s17 =	sshrl.u32 s17, $0x3;
	s20 =	sshrl.u32 s20, $0x3;
	s19 =	smax.u32 s19, $0x1  }
0x12: {  	s14 =	sadd.s32 s18, s14;
	s15 =	sadd.s32 s18, s15;
	s16 =	sadd.s32 s18, s16  }
0x13: {  	v0 =	vimm.f32 $0.0e+00;
	s17 =	sadd.s32 s18, s17;
	s18 =	sadd.s32 s18, s20;
	s20 =	simm.s32 $0x18100  }
.LBB2_1:
0x14: {  	s28 =	simm.s32 $0x0;
	s29 =	simm.s32 $0x200  }
.LBB2_2:
0x15: {  	p0 =	sne.s32 s29, $0xFE00;
	[tilespmem:s28+$0x18170] =	vst v0  }
0x16: {  	[tilespmem:s28+$0x18100] =	vst v0  }
0x17: {  	[tilespmem:s28+$0x18110] =	vst v0  }
.Ltmp0:
0x18: {  	[tilespmem:s28+$0x18120] =	vst v0;
	(pc) =	sbr.rel @p0 .LBB2_2-.Ltmp0, $4  }
0x19: {  	[tilespmem:s28+$0x18130] =	vst v0  }
0x1a: {  	[tilespmem:s28+$0x18140] =	vst v0  }
0x1b: {  	[tilespmem:s28+$0x18150] =	vst v0  }
0x1c: {  	[tilespmem:s28+$0x18160] =	vst v0;
	s28 =	sshra.s32 s29, $0x2;
	s29 =	sadd.s32 $0x200, s29  }
0x1d: {  	[tilespmem:s28+$0x18170] =	vst v0  }
0x1e: {  	[tilespmem:s28+$0x18100] =	vst v0  }
0x1f: {  	[tilespmem:s28+$0x18110] =	vst v0  }
0x20: {  	[tilespmem:s28+$0x18120] =	vst v0  }
0x21: {  	[tilespmem:s28+$0x18130] =	vst v0  }
0x22: {  	[tilespmem:s28+$0x18140] =	vst v0  }
0x23: {  	[tilespmem:s28+$0x18150] =	vst v0  }
0x24: {  	[tilespmem:s28+$0x18160] =	vst v0  }
0x25: {  	[spmem:s8] =	stream.linear.scatter [tilespmem:s20], [sflag:$0x2], $0x4000, $0x38;
	[tilespmem:$0x1C100] =	vst v63  }
0x26: {  	_ =	swait.ge [sflag:s21], $0x4000  }
0x27: {  	[sflag:s21] =	ssyncset.done $0x0  }
0x28: {  	[sflag:s21] =	ssyncadd.s32 $0xFFFFC000  }
0x29: {  	[spmem:s9] =	stream.linear.scatter [tilespmem:s20], [sflag:$0x2], $0x4000, $0x38;
	[tilespmem:$0x1C100] =	vst v63  }
0x2a: {  	_ =	swait.ge [sflag:s21], $0x4000  }
0x2b: {  	[sflag:s21] =	ssyncset.done $0x0  }
0x2c: {  	[sflag:s21] =	ssyncadd.s32 $0xFFFFC000  }
0x2d: {  	[spmem:s10] =	stream.linear.scatter [tilespmem:s20], [sflag:$0x2], $0x4000, $0x38;
	[tilespmem:$0x1C100] =	vst v63  }
0x2e: {  	_ =	swait.ge [sflag:s21], $0x4000  }
0x2f: {  	[sflag:s21] =	ssyncset.done $0x0  }
0x30: {  	[sflag:s21] =	ssyncadd.s32 $0xFFFFC000  }
0x31: {  	[spmem:s11] =	stream.linear.scatter [tilespmem:s20], [sflag:$0x2], $0x4000, $0x38;
	[tilespmem:$0x1C100] =	vst v63  }
0x32: {  	_ =	swait.ge [sflag:s21], $0x4000  }
0x33: {  	[sflag:s21] =	ssyncset.done $0x0  }
0x34: {  	[sflag:s21] =	ssyncadd.s32 $0xFFFFC000  }
0x35: {  	[spmem:s12] =	stream.linear.scatter [tilespmem:s20], [sflag:$0x2], $0x4000, $0x38;
	[tilespmem:$0x1C100] =	vst v63  }
0x36: {  	_ =	swait.ge [sflag:s21], $0x4000  }
0x37: {  	[sflag:s21] =	ssyncset.done $0x0  }
0x38: {  	[sflag:s21] =	ssyncadd.s32 $0xFFFFC000  }
0x39: {  	s28 =	simm.s32 $0x0;
	s29 =	simm.s32 $0x0;
	[bflag:$0x0] =	sbarrier.arrive $0xFFFF  }
.LBB2_4:
0x3a: {  	s30 =	sshll.u32 s29, $0xC  }
0x3b: {  	s30 =	sor.u32 s13, s30  }
0x3c: {  	s31 =	sshrl.u32 s30, $0x3  }
0x3d: {  	s0 =	sadd.s32 s6, s31  }
0x3e: {  	[tilespmem:s22], [sflag:$0x2] =	stream.linear.gather [hbm4b:s0+s28], $0x80, $0x38;
	[tilespmem:$0x1C100] =	vst v63  }
0x3f: {  	_ =	swait.ge [sflag:s21], $0x80  }
0x40: {  	[sflag:s21] =	ssyncset.done $0x0  }
0x41: {  	s0 =	sadd.s32 s7, s31;
	[sflag:s21] =	ssyncadd.s32 $0xFFFFFF80  }
0x42: {  	[tilespmem:s23], [sflag:$0x2] =	stream.linear.gather [hbm4b:s0+s28], $0x80, $0x38;
	[tilespmem:$0x1C100] =	vst v63  }
0x43: {  	_ =	swait.ge [sflag:s21], $0x80  }
0x44: {  	[sflag:s21] =	ssyncset.done $0x0  }
0x45: {  	[sflag:s21] =	ssyncadd.s32 $0xFFFFFF80  }
0x46: {  	[tilespmem:s25], [sflag:$0x1] =	stream.indirect.gather [hbm4b:s4+s24], $0x80, s23, s24, $0xb8;
	[tilespmem:$0x1C100] =	vst v63  }
0x47: {  	_ =	swait.ge [sflag:s26], $0x4000  }
0x48: {  	s0 =	sshll.u32 s30, $0x4;
	[sflag:s26] =	ssyncset.done $0x0  }
0x49: {  	s0 =	sadd.s32 s5, s0;
	[sflag:s26] =	ssyncadd.s32 $0xFFFFC000  }
0x4a: {  	[tilespmem:s20], [sflag:$0x2] =	stream.linear.gather [hbm4b:s0+s28], $0x4000, $0x38;
	[tilespmem:$0x1C100] =	vst v63  }
0x4b: {  	_ =	swait.ge [sflag:s21], $0x4000  }
0x4c: {  	[sflag:s21] =	ssyncset.done $0x0  }
0x4d: {  	s30 =	simm.s32 $0x0;
	[sflag:s21] =	ssyncadd.s32 $0xFFFFC000  }
0x4e: {  	v8 =	vld [tilespmem:s30+$0x18100]  }
0x4f: {  	v12 =	vld [tilespmem:s30+$0x18110]  }
0x50: {  	v6 =	vld [tilespmem:s30+$0x18120]  }
0x51: {  	v5 =	vld [tilespmem:s30+$0x18130]  }
0x52: {  	v4 =	vld [tilespmem:s30+$0x18140]  }
0x53: {  	v3 =	vld [tilespmem:s30+$0x18150]  }
0x54: {  	v2 =	vld [tilespmem:s30+$0x18160]  }
0x55: {  	v1 =	vld [tilespmem:s30+$0x18170]  }
0x56: {  	v13 =	vld [tilespmem:s30+$0x14100]  }
0x57: {  	v14 =	vld [tilespmem:s30+$0x14110]  }
0x58: {  	v11 =	vld [tilespmem:s30+$0x14120]  }
0x59: {  	v10 =	vld [tilespmem:s30+$0x14130]  }
0x5a: {  	v9 =	vld [tilespmem:s30+$0x14140]  }
0x5b: {  	v7 =	vld [tilespmem:s30+$0x14150];
	v13 =	vmul.f32 v8, v13  }
0x5c: {  	s31 =	simm.s32 $0x200;
	v12 =	vmul.f32 v12, v14;
	v8 =	vld [tilespmem:s30+$0x14160]  }
.LBB2_5:
0x5d: {  	s0 =	sshra.s32 s31, $0x2;
	p0 =	sne.s32 s31, $0xFE00;
	[tilespmem:s30+$0x14100] =	vst v13;
	v6 =	vmul.f32 v6, v11;
	v11 =	vld [tilespmem:s30+$0x14170]  }
0x5e: {  	v13 =	vld [tilespmem:s0+$0x18100];
	[tilespmem:s30+$0x14110] =	vst v12;
	v5 =	vmul.f32 v5, v10  }
0x5f: {  	v12 =	vld [tilespmem:s0+$0x18110];
	[tilespmem:s30+$0x14120] =	vst v6;
	v4 =	vmul.f32 v4, v9  }
0x60: {  	v6 =	vld [tilespmem:s0+$0x18120];
	[tilespmem:s30+$0x14130] =	vst v5;
	v3 =	vmul.f32 v3, v7  }
0x61: {  	v5 =	vld [tilespmem:s0+$0x18130];
	[tilespmem:s30+$0x14140] =	vst v4;
	v2 =	vmul.f32 v2, v8  }
0x62: {  	v4 =	vld [tilespmem:s0+$0x18140];
	[tilespmem:s30+$0x14150] =	vst v3;
	v1 =	vmul.f32 v1, v11  }
0x63: {  	v3 =	vld [tilespmem:s0+$0x18150];
	[tilespmem:s30+$0x14160] =	vst v2  }
0x64: {  	v2 =	vld [tilespmem:s0+$0x18160];
	[tilespmem:s30+$0x14170] =	vst v1;
	s30 =	smov.u32 s0  }
0x65: {  	v1 =	vld [tilespmem:s30+$0x18170]  }
0x66: {  	v7 =	vld [tilespmem:s30+$0x14100]  }
0x67: {  	v8 =	vld [tilespmem:s30+$0x14110]  }
.Ltmp1:
0x68: {  	v11 =	vld [tilespmem:s30+$0x14120];
	(pc) =	sbr.rel @p0 .LBB2_5-.Ltmp1, $4  }
0x69: {  	v10 =	vld [tilespmem:s30+$0x14130]  }
0x6a: {  	v9 =	vld [tilespmem:s30+$0x14140]  }
0x6b: {  	v13 =	vmul.f32 v13, v7;
	v7 =	vld [tilespmem:s30+$0x14150]  }
0x6c: {  	s31 =	sadd.s32 $0x200, s31;
	v12 =	vmul.f32 v12, v8;
	v8 =	vld [tilespmem:s30+$0x14160]  }
0x6d: {  	[tilespmem:s30+$0x14100] =	vst v13;
	v6 =	vmul.f32 v6, v11;
	v63 =	vld [tilespmem:s30+$0x14170]  }
0x6e: {  	[tilespmem:s30+$0x14110] =	vst v12;
	v5 =	vmul.f32 v5, v10  }
0x6f: {  	[tilespmem:s30+$0x14120] =	vst v6;
	v4 =	vmul.f32 v4, v9  }
0x70: {  	[tilespmem:s30+$0x14130] =	vst v5;
	v3 =	vmul.f32 v3, v7  }
0x71: {  	[tilespmem:s30+$0x14140] =	vst v4;
	v2 =	vmul.f32 v2, v8  }
0x72: {  	s29 =	sadd.s32 $0x1, s29;
	[tilespmem:s30+$0x14150] =	vst v3;
	v1 =	vmul.f32 v1, v63  }
0x73: {  	p0 =	sne.s32 s29, $0x54;
	[tilespmem:s30+$0x14160] =	vst v2  }
.Ltmp2:
0x74: {  	[tilespmem:s30+$0x14170] =	vst v1;
	(pc) =	sbr.rel @p0 .LBB2_4-.Ltmp2, $4  }
0x75: {  	[spmem:s1] =	stream.indirect.scatter.add.f32 [tilespmem:s25], [sflag:$0x2], $0x80, s22, s24, $0xb8;
	[tilespmem:$0x1C100] =	vst v63  }
0x76: {  	_ =	swait.ge [sflag:s21], $0x4000  }
0x77: {  	[sflag:s21] =	ssyncset.done $0x0  }
0x78: {  	[sflag:s21] =	ssyncadd.s32 $0xFFFFC000  }
0x79: {  	s0 =	sshll.u32 s2, $0x6  }
0x7a: {  	[bflag:$0x0] =	sbarrier.arrive $0xFFFF;
	s28 =	sshrl.u32 s8, $0x3;
	s0 =	sor.u32 $0x1C02, s0  }
0x7b: {  	[hbm:s14], [sflag:s0] =	dma.local [spmem:s28], $0x800  }
0x7c: {  	_ =	swait.ge [sflag:s21], $0x800  }
0x7d: {  	[sflag:s21] =	ssyncset.done $0x0  }
0x7e: {  	s31 =	sshrl.u32 s9, $0x3;
	[sflag:s21] =	ssyncadd.s32 $0xFFFFF800  }
0x7f: {  	[hbm:s15], [sflag:s0] =	dma.local [spmem:s31], $0x800  }
0x80: {  	_ =	swait.ge [sflag:s21], $0x800  }
0x81: {  	[sflag:s21] =	ssyncset.done $0x0  }
0x82: {  	s29 =	sshrl.u32 s10, $0x3;
	[sflag:s21] =	ssyncadd.s32 $0xFFFFF800  }
0x83: {  	[hbm:s16], [sflag:s0] =	dma.local [spmem:s29], $0x800  }
0x84: {  	_ =	swait.ge [sflag:s21], $0x800  }
0x85: {  	[sflag:s21] =	ssyncset.done $0x0  }
0x86: {  	s30 =	sshrl.u32 s11, $0x3;
	[sflag:s21] =	ssyncadd.s32 $0xFFFFF800  }
0x87: {  	[hbm:s17], [sflag:s0] =	dma.local [spmem:s30], $0x800  }
0x88: {  	s3 =	sadd.s32 $0x1, s3;
	_ =	swait.ge [sflag:s21], $0x800  }
0x89: {  	p0 =	sne.s32 s3, s19;
	[sflag:s21] =	ssyncset.done $0x0  }
.Ltmp3:
0x8a: {  	s31 =	sshrl.u32 s12, $0x3;
	[sflag:s21] =	ssyncadd.s32 $0xFFFFF800;
	(pc) =	sbr.rel @p0 .LBB2_1-.Ltmp3, $4  }
0x8b: {  	[hbm:s18], [sflag:s0] =	dma.local [spmem:s31], $0x800  }
0x8c: {  	_ =	swait.ge [sflag:s21], $0x800  }
0x8d: {  	[sflag:s21] =	ssyncset.done $0x0  }
0x8e: {  	[sflag:s21] =	ssyncadd.s32 $0xFFFFF800  }
0x8f: {  	_ =	sfence.sel $0x180000  }
0x90: {  	[bflag:$0x0] =	sbarrier.arrive $0xFFFF  }
0x91: {  	_ =	strace $0x9000004A  }
0x92: {  	[bflag:$0x2] =	sbarrier.arrive $0xFFFF  }
0x93: {  	p0 =	sne.s32 s2, $0x0;
	s0 =	rddreg [dreg:$0x2]  }
0x94: {  	s0 =	sadd.s32 @!p0 $0x100000, s0  }
0x95: {  	[sflag:s0] =	ssyncadd.tile.s32 @!p0 $0x1;
	_ =	shalt  }
.Lfunc_end2:
_tile_overlayer_lowered:
.L_overlay_start_2:
0x96: {  	(tag) =	ssettag $0x2  }
0x97: {  	s0 =	rddreg [dreg:$0x0];
	s2 =	stileid.u32  }
0x98: {  	s1 =	rddreg [dreg:$0x1];
	p0 =	sne.s32 s2, $0x0  }
0x99: {  	s3 =	rddreg [dreg:$0x2];
	[bflag:$0x3] =	sbarrier.arrive $0xFFFF;
	s2 =	simm.s32 @!p0 $0x1C02  }
0x9a: {  	[timem:s3], [sflag:s2] =	dma.local @!p0 [hbm:s0], s1  }
0x9b: {  	s0 =	simm.s32 @!p0 $0x2  }
0x9c: {  	_ =	swait.ge @!p0 [sflag:s0], s1  }
0x9d: {  	s1 =	ssub.s32 @!p0 $0x0, s1;
	[sflag:s0] =	ssyncset.done @!p0 $0x0  }
0x9e: {  	[sflag:s0] =	ssyncadd.s32 @!p0 s1  }
0x9f: {  	[bflag:$0x3] =	sbarrier.arrive $0xFFFF  }
0xa0: {  	_ =	shalt  }

// kernel: kernel.21.cloned.1.call-start
scs
__scs_entry_jumppad:
0x0: {  	(pc) =	sbr.rel $0x88, $3  }
0x1: {  	(tag) =	ssettag $0x0;
	lr =	simm.s32 $0x1  }
0x2: {  	[smem:$0x3F7B] =	sst lr;
	_ =	strace $0xD0000000  }
0x3: {  	_ = 	snop  }
0x4: {  	_ = 	snop  }
0x5: {  	_ = 	snop  }
0x6: {  	_ = 	snop  }
0x7: {  	_ = 	snop  }
__scs_overlays_trampoline_lowered:
0x8: {  	[smem:$0x3F8A] =	sst s0  }
0x9: {  	[smem:$0x3F8B] =	sst s1  }
0xa: {  	[smem:$0x3F8C] =	sst s2  }
0xb: {  	[smem:$0x3F8D] =	sst s3  }
0xc: {  	[smem:$0x3F8E] =	sst s4  }
0xd: {  	[smem:$0x3F8F] =	sst s5  }
0xe: {  	[smem:$0x3F90] =	sst s6  }
0xf: {  	[smem:$0x3F91] =	sst s7  }
0x10: {  	[smem:$0x3F92] =	sst s8  }
0x11: {  	[smem:$0x3F93] =	sst s9;
	s0 =	simm.s32 @!p0 $0x0  }
0x12: {  	s1 =	sld [smem:$0x3F79];
	s0 =	simm.s32 @p0 $0x1  }
0x13: {  	[smem:$0x3F94] =	sst s0;
	s0 =	simm.s32 @!p1 $0x0  }
0x14: {  	s2 =	sld [smem:$0x3F78];
	s0 =	simm.s32 @p1 $0x1  }
0x15: {  	[smem:$0x3F95] =	sst s0;
	s0 =	simm.s32 @!p2 $0x0  }
0x16: {  	s3 =	sld [smem:$0x3FDB];
	s0 =	simm.s32 @p2 $0x1  }
0x17: {  	s4 =	simm.s32 $0x1BF5;
	[smem:$0x3F97] =	sst s0  }
0x18: {  	s0 =	sld [smem:$0x3F7A];
	_ =	swait.ge [sflag:s4], $0x0  }
0x19: {  	s7 =	sld [smem:$0x3F7B]  }
0x1a: {  	s8 =	sadd.s32 $0xFFFFE003, lr  }
0x1b: {  	s9 =	sadd.s32 $0xFFFFFEF7, lr;
	s5 =	simm.s32 $0xFFFFFFFF;
	p2 =	slt.u32 s8, $0xFFFFF086  }
0x1c: {  	p1 =	slt.u32 s9, $0xF7A;
	s5 =	simm.s32 @!p2 $0x0  }
0x1d: {  	s5 =	simm.s32 @p1 $0x1;
	p0 =	seq.s32 s7, s2  }
0x1e: {  	s7 =	smul.u32 @!p0 $0xF7A, s2;
	p2 =	seq.s32 @!p0 s5, $0x0  }
0x1f: {  	s9 =	smul.u32 $0xF7A, s1;
	s8 =	simm.s32 @!p0 $0x1BF5;
	p2 =	por !p2, p0  }
0x20: {  	[sflag:s8] =	ssyncset.s32 @!p0 $0xFFFFF086;
	s6 =	sadd.s32 @!p0 s3, s7;
	s7 =	simm.s32 @!p0 $0x108  }
0x21: {  	s3 =	sadd.s32 s3, s9;
	s6 =	sadd.s32 @!p0 $0x88, s6;
	s7 =	simm.s32 @p2 $0x1082  }
0x22: {  	[simem:s7], [sflag:s8] =	dma.local @!p0 [hbm:s6], $0xF7A  }
0x23: {  	s9 =	sor.u32 $0xD0000000, s2;
	s6 =	simm.s32 $0x108;
	_ =	swait.ge @!p0 [sflag:s8], $0x0  }
0x24: {  	s3 =	sadd.s32 $0x88, s3;
	s6 =	simm.s32 @!p1 $0x1082;
	[sflag:s4] =	ssyncset.s32 $0xFFFFF086  }
0x25: {  	[simem:s6], [sflag:s4] =	dma.local [hbm:s3], $0xF7A  }
0x26: {  	[smem:$0x3F7B] =	sst s1;
	(tag) =	ssettag s2;
	_ =	strace s9  }
0x27: {  	s1 =	sld [smem:$0x3F8B]  }
0x28: {  	s2 =	sld [smem:$0x3F8C]  }
0x29: {  	s4 =	sld [smem:$0x3F8E]  }
0x2a: {  	p0 =	seq.s32 s5, $0x0;
	s5 =	sld [smem:$0x3F8F]  }
0x2b: {  	s6 =	sld [smem:$0x3F90]  }
0x2c: {  	s7 =	sld [smem:$0x3F91]  }
0x2d: {  	s3 =	simm.s32 $0x108;
	s8 =	sld [smem:$0x3F92]  }
0x2e: {  	s3 =	simm.s32 @!p0 $0x1082;
	s9 =	sld [smem:$0x3F93]  }
0x2f: {  	lr =	sadd.s32 s0, s3;
	s0 =	sld [smem:$0x3F8A]  }
0x30: {  	s3 =	sld [smem:$0x3F8D]  }
0x31: {  	[smem:$0x3F96] =	sst s10  }
0x32: {  	s10 =	sld [smem:$0x3F94];
	_ =	sdelay $0x3  }
0x33: {  	p0 =	seq.s32 s10, $0x1;
	s10 =	sld [smem:$0x3F96];
	_ =	sdelay $0x3  }
0x34: {  	[smem:$0x3F96] =	sst s10  }
0x35: {  	s10 =	sld [smem:$0x3F95];
	_ =	sdelay $0x3  }
0x36: {  	p1 =	seq.s32 s10, $0x1;
	s10 =	sld [smem:$0x3F96];
	_ =	sdelay $0x3  }
0x37: {  	[smem:$0x3F96] =	sst s10  }
0x38: {  	s10 =	sld [smem:$0x3F97]  }
0x39: {  	_ = 	snop;
	(pc) =	sbr.ind lr, $3  }
0x3a: {  	_ = 	snop  }
0x3b: {  	_ = 	snop  }
0x3c: {  	p2 =	seq.s32 s10, $0x1;
	s10 =	sld [smem:$0x3F96]  }
0x3d: {  	_ =	shalt  }
0x3e: {  	_ =	shalt  }
0x3f: {  	_ =	shalt  }
0x40: {  	_ =	shalt  }
0x41: {  	_ =	shalt  }
0x42: {  	_ =	shalt  }
0x43: {  	_ =	shalt  }
0x44: {  	_ =	shalt  }
0x45: {  	_ =	shalt  }
0x46: {  	_ =	shalt  }
0x47: {  	_ =	shalt  }
0x48: {  	_ =	shalt  }
0x49: {  	_ =	shalt  }
0x4a: {  	_ =	shalt  }
0x4b: {  	_ =	shalt  }
0x4c: {  	_ =	shalt  }
0x4d: {  	_ =	shalt  }
0x4e: {  	_ =	shalt  }
0x4f: {  	_ =	shalt  }
0x50: {  	_ =	shalt  }
0x51: {  	_ =	shalt  }
0x52: {  	_ =	shalt  }
0x53: {  	_ =	shalt  }
0x54: {  	_ =	shalt  }
0x55: {  	_ =	shalt  }
0x56: {  	_ =	shalt  }
0x57: {  	_ =	shalt  }
0x58: {  	_ =	shalt  }
0x59: {  	_ =	shalt  }
0x5a: {  	_ =	shalt  }
0x5b: {  	_ =	shalt  }
0x5c: {  	_ =	shalt  }
0x5d: {  	_ =	shalt  }
0x5e: {  	_ =	shalt  }
0x5f: {  	_ =	shalt  }
0x60: {  	_ =	shalt  }
0x61: {  	_ =	shalt  }
0x62: {  	_ =	shalt  }
0x63: {  	_ =	shalt  }
0x64: {  	_ =	shalt  }
0x65: {  	_ =	shalt  }
0x66: {  	_ =	shalt  }
0x67: {  	_ =	shalt  }
0x68: {  	_ =	shalt  }
0x69: {  	_ =	shalt  }
0x6a: {  	_ =	shalt  }
0x6b: {  	_ =	shalt  }
0x6c: {  	_ =	shalt  }
0x6d: {  	_ =	shalt  }
0x6e: {  	_ =	shalt  }
0x6f: {  	_ =	shalt  }
0x70: {  	_ =	shalt  }
0x71: {  	_ =	shalt  }
0x72: {  	_ =	shalt  }
0x73: {  	_ =	shalt  }
0x74: {  	_ =	shalt  }
0x75: {  	_ =	shalt  }
0x76: {  	_ =	shalt  }
0x77: {  	_ =	shalt  }
0x78: {  	_ =	shalt  }
0x79: {  	_ =	shalt  }
0x7a: {  	_ =	shalt  }
0x7b: {  	_ =	shalt  }
0x7c: {  	_ =	shalt  }
0x7d: {  	_ =	shalt  }
0x7e: {  	_ =	shalt  }
0x7f: {  	_ =	shalt  }
0x80: {  	_ =	shalt  }
0x81: {  	_ =	shalt  }
0x82: {  	_ =	shalt  }
0x83: {  	_ =	shalt  }
0x84: {  	_ =	shalt  }
0x85: {  	_ =	shalt  }
0x86: {  	_ =	shalt  }
0x87: {  	_ =	shalt  }
.Lfunc_end0:
.L_simem_size_0:
called_computation.2_lowered:
.L_overlay_start_0:
0x88: {  	s2 =	sld [smem:$0x3FD9]  }
0x89: {  	s3 =	sld [smem:$0x3FFE];
	_ =	sdelay $0x1  }
0x8a: {  	s1 =	srdreg.scid  }
0x8b: {  	s0 =	sand.u32 $0x1, s1  }
0x8c: {  	s16 =	sshll.u32 s0, $0xA;
	s2 =	sadd.s32 s3, s2  }
0x8d: {  	s2 =	sadd.s32 s2, s16  }
0x8e: {  	[smem:$0x3FA2] =	sst s2  }
0x8f: {  	_ = 	snop  }
0x90: {  	(tm) =	ssettm $0x1  }
0x91: {  	s17 =	sld [smem:$0x3FFB];
	_ =	sdelay $0x3  }
0x92: {  	_ =	strace s17  }
0x93: {  	s2 =	sld [smem:$0x3FFC];
	_ =	sdelay $0x3  }
0x94: {  	_ =	strace s2  }
0x95: {  	s2 =	sld [smem:$0x3FFD];
	_ =	sdelay $0x3  }
0x96: {  	_ =	strace s2  }
0x97: {  	_ =	strace $0x8FFFFFFF  }
0x98: {  	s18 =	sld [smem:$0x3FDB];
	_ =	sdelay $0x1  }
0x99: {  	s19 =	simm.s32 $_scs_section_size  }
0x9a: {  	s4 =	simm.s32 $_size__tile_overlayer_lowered;
	s5 =	simm.s32 $_tile_overlayer_lowered  }
0x9b: {  	s22 =	simm.s32 $0x1BFF;
	s21 =	sshll.u32 s5, $0x1;
	s2 =	sadd.s32 s19, s18  }
0x9c: {  	s6 =	simm.s32 $0x0;
	s20 =	sshll.u32 s4, $0x1;
	s4 =	sadd.s32 s21, s2  }
0x9d: {  	[timem:s6], [sflag:s22] =	dma.local [hbm:s4], s20  }
0x9e: {  	_ =	swait.ge [sflag:s22], s20  }
0x9f: {  	s3 =	ssub.s32 $0x0, s20;
	[sflag:s22] =	ssyncset.done $0x0  }
0xa0: {  	[sflag:s22] =	ssyncadd.s32 s3;
	_ =	sdelay $0x1  }
0xa1: {  	s23 =	simm.s32 $0x1B8B  }
0xa2: {  	_ =	swait.ge [sflag:s23], $0x1  }
0xa3: {  	[sflag:s23] =	ssyncset.done $0x0  }
0xa4: {  	s25 =	simm.s32 $0x1B8E;
	s24 =	sld [smem:$0x3FFE];
	[sflag:s23] =	ssyncadd.s32 $0xFFFFFFFF  }
0xa5: {  	s26 =	simm.s32 $execute0_lowered;
	[smem:$0x3FD2] =	sst s25  }
0xa6: {  	s4 =	sshll.u32 s26, $0x1;
	_ =	strace $0x8000004C;
	[dreg:$0x1] =	wrdreg $0xFFFFFFFF  }
0xa7: {  	s28 =	simm.s32 $_size_execute0_lowered;
	s2 =	sadd.s32 s2, s4;
	[dreg:$0x0] =	wrdreg $0x0  }
0xa8: {  	s4 =	sshll.u32 s28, $0x1;
	[dreg:$0x2] =	wrdreg s2  }
0xa9: {  	[dreg:$0x3] =	wrdreg s4  }
0xaa: {  	[dreg:$0x4] =	wrdreg $0xC0  }
0xab: {  	_ =	task [dreg:s6], $0x5FFFF  }
0xac: {  	[dreg:$0x1] =	wrdreg $0xFFFFFFFF  }
0xad: {  	[dreg:$0x0] =	wrdreg $0x60  }
0xae: {  	[dreg:$0x2] =	wrdreg s24  }
0xaf: {  	[dreg:$0x3] =	wrdreg $0x0  }
0xb0: {  	[dreg:$0x4] =	wrdreg $0x9  }
0xb1: {  	_ =	task.clear_ibuf [dreg:s6], $0x5FFFF;
	_ =	strace $0x9000004C  }
0xb2: {  	s29 =	simm.s32 $0x9;
	_ =	strace $0x8000004E  }
0xb3: {  	_ =	swait.ge [sflag:s29], $0x1  }
0xb4: {  	[sflag:s29] =	ssyncadd.s32 $0xFFFFFFFF  }
0xb5: {  	_ =	strace $0x9000004E  }
0xb6: {  	_ =	sfence  }
0xb7: {  	s30 =	sld [smem:$0x0];
	_ =	sdelay $0x2  }
0xb8: {  	s31 =	sshll.u32 s1, $0xD;
	s1 =	sshrl.u32 s1, $0x2  }
0xb9: {  	s3 =	sand.u32 $0x4000, s31;
	s1 =	sadd.s32 s1, s30  }
0xba: {  	s0 =	sor.u32 s3, s0;
	s1 =	sshll.u32 s1, $0x11  }
0xbb: {  	s0 =	sor.u32 s1, s0  }
0xbc: {  	s0 =	sadd.s32 $0x8F2B, s0  }
0xbd: {  	[sflag:s0] =	ssyncadd.remote.s32 $0x1  }
0xbe: {  	_ =	sfence.sel $0xFFFF  }
0xbf: {  	[dreg:$0x0] =	wrdreg $0xFFFFFFFF;
	(pc) =	sbr.abs _section_cstart, $3  }
0xc0: {  	[dreg:$0x1] =	wrdreg $0xFFFFFFFF  }
0xc1: {  	_ =	task.clear_ibuf [dreg:s6], $0x2FFFF;
	_ =	strace $0x9FFFFFFF  }
0xc2: {  	(tm) =	ssettm $0x7FFFFFFF  }
0xc3: {  	_ =	shalt  }
tec
execute0_lowered:
.L_overlay_start_1:
0x0: {  	(tag) =	ssettag $0x1  }
0x1: {  	s8 =	rddreg [dreg:$0x0]  }
0x2: {  	s1 =	rddreg [dreg:$0x1];
	s3 =	simm.s32 $0x0;
	s2 =	stileid.u32  }
0x3: {  	s7 =	srdreg.scid;
	s23 =	simm.s32 $0x14080;
	s24 =	simm.s32 $0x80  }
0x4: {  	s25 =	simm.s32 $0x14100;
	s26 =	simm.s32 $0x1;
	[smem:$0x7FF] =	sst s3  }
0x5: {  	s4 =	sadd.s32 $0x3A400, s8;
	s5 =	sadd.s32 $0x1098800, s8;
	s9 =	smul.u32 $0x50000, s2  }
0x6: {  	s6 =	sadd.s32 $0x25400, s8;
	s13 =	sand.u32 $0x1, s7;
	s14 =	smul.u32 $0x14000, s2  }
0x7: {  	s7 =	sadd.s32 $0x2FC00, s8;
	s18 =	sadd.s32 $0xB08800, s8;
	s22 =	sshll.u32 s2, $0x7  }
0x8: {  	_ =	strace $0x8000004D;
	s31 =	ssub.s32 $0x2, s13;
	s20 =	smul.u32 $0x140000, s13  }
0x9: {  	s13 =	sshll.u32 s13, $0xB;
	s10 =	sshrl.u32 s31, $0x1;
	s9 =	sshrl.u32 s9, $0x2  }
0xa: {  	s15 =	sadd.s32 $0x4000, s14;
	s16 =	sadd.s32 $0x8000, s14;
	s17 =	sadd.s32 $0xC000, s14  }
0xb: {  	s21 =	sadd.s32 $0x10000, s14;
	s13 =	sor.u32 s22, s13;
	s22 =	simm.s32 $0x14000  }
0xc: {  	s19 =	ssub.s32 s31, s10;
	s8 =	sadd.s32 s9, s1;
	s9 =	sadd.s32 s15, s1  }
0xd: {  	s10 =	sadd.s32 s16, s1;
	s11 =	sadd.s32 s17, s1;
	s12 =	sadd.s32 s21, s1  }
0xe: {  	s14 =	sadd.s32 s14, s20;
	s15 =	sadd.s32 s20, s15;
	s16 =	sadd.s32 s20, s16  }
0xf: {  	s17 =	sadd.s32 s20, s17;
	s20 =	sadd.s32 s20, s21;
	s21 =	simm.s32 $0x2  }
0x10: {  	s14 =	sshrl.u32 s14, $0x3;
	s15 =	sshrl.u32 s15, $0x3;
	s16 =	sshrl.u32 s16, $0x3  }
0x11: {  	s17 =	sshrl.u32 s17, $0x3;
	s20 =	sshrl.u32 s20, $0x3;
	s19 =	smax.u32 s19, $0x1  }
0x12: {  	s14 =	sadd.s32 s18, s14;
	s15 =	sadd.s32 s18, s15;
	s16 =	sadd.s32 s18, s16  }
0x13: {  	v0 =	vimm.f32 $0.0e+00;
	s17 =	sadd.s32 s18, s17;
	s18 =	sadd.s32 s18, s20;
	s20 =	simm.s32 $0x18100  }
.LBB2_1:
0x14: {  	s28 =	simm.s32 $0x0;
	s29 =	simm.s32 $0x200  }
.LBB2_2:
0x15: {  	p0 =	sne.s32 s29, $0xFE00;
	[tilespmem:s28+$0x18170] =	vst v0  }
0x16: {  	[tilespmem:s28+$0x18100] =	vst v0  }
0x17: {  	[tilespmem:s28+$0x18110] =	vst v0  }
.Ltmp0:
0x18: {  	[tilespmem:s28+$0x18120] =	vst v0;
	(pc) =	sbr.rel @p0 .LBB2_2-.Ltmp0, $4  }
0x19: {  	[tilespmem:s28+$0x18130] =	vst v0  }
0x1a: {  	[tilespmem:s28+$0x18140] =	vst v0  }
0x1b: {  	[tilespmem:s28+$0x18150] =	vst v0  }
0x1c: {  	[tilespmem:s28+$0x18160] =	vst v0;
	s28 =	sshra.s32 s29, $0x2;
	s29 =	sadd.s32 $0x200, s29  }
0x1d: {  	[tilespmem:s28+$0x18170] =	vst v0  }
0x1e: {  	[tilespmem:s28+$0x18100] =	vst v0  }
0x1f: {  	[tilespmem:s28+$0x18110] =	vst v0  }
0x20: {  	[tilespmem:s28+$0x18120] =	vst v0  }
0x21: {  	[tilespmem:s28+$0x18130] =	vst v0  }
0x22: {  	[tilespmem:s28+$0x18140] =	vst v0  }
0x23: {  	[tilespmem:s28+$0x18150] =	vst v0  }
0x24: {  	[tilespmem:s28+$0x18160] =	vst v0  }
0x25: {  	[spmem:s8] =	stream.linear.scatter [tilespmem:s20], [sflag:$0x2], $0x4000, $0x38;
	[tilespmem:$0x1C100] =	vst v63  }
0x26: {  	_ =	swait.ge [sflag:s21], $0x4000  }
0x27: {  	[sflag:s21] =	ssyncset.done $0x0  }
0x28: {  	[sflag:s21] =	ssyncadd.s32 $0xFFFFC000  }
0x29: {  	[spmem:s9] =	stream.linear.scatter [tilespmem:s20], [sflag:$0x2], $0x4000, $0x38;
	[tilespmem:$0x1C100] =	vst v63  }
0x2a: {  	_ =	swait.ge [sflag:s21], $0x4000  }
0x2b: {  	[sflag:s21] =	ssyncset.done $0x0  }
0x2c: {  	[sflag:s21] =	ssyncadd.s32 $0xFFFFC000  }
0x2d: {  	[spmem:s10] =	stream.linear.scatter [tilespmem:s20], [sflag:$0x2], $0x4000, $0x38;
	[tilespmem:$0x1C100] =	vst v63  }
0x2e: {  	_ =	swait.ge [sflag:s21], $0x4000  }
0x2f: {  	[sflag:s21] =	ssyncset.done $0x0  }
0x30: {  	[sflag:s21] =	ssyncadd.s32 $0xFFFFC000  }
0x31: {  	[spmem:s11] =	stream.linear.scatter [tilespmem:s20], [sflag:$0x2], $0x4000, $0x38;
	[tilespmem:$0x1C100] =	vst v63  }
0x32: {  	_ =	swait.ge [sflag:s21], $0x4000  }
0x33: {  	[sflag:s21] =	ssyncset.done $0x0  }
0x34: {  	[sflag:s21] =	ssyncadd.s32 $0xFFFFC000  }
0x35: {  	[spmem:s12] =	stream.linear.scatter [tilespmem:s20], [sflag:$0x2], $0x4000, $0x38;
	[tilespmem:$0x1C100] =	vst v63  }
0x36: {  	_ =	swait.ge [sflag:s21], $0x4000  }
0x37: {  	[sflag:s21] =	ssyncset.done $0x0  }
0x38: {  	[sflag:s21] =	ssyncadd.s32 $0xFFFFC000  }
0x39: {  	s28 =	simm.s32 $0x0;
	s29 =	simm.s32 $0x0;
	[bflag:$0x0] =	sbarrier.arrive $0xFFFF  }
.LBB2_4:
0x3a: {  	s30 =	sshll.u32 s29, $0xC  }
0x3b: {  	s30 =	sor.u32 s13, s30  }
0x3c: {  	s31 =	sshrl.u32 s30, $0x3  }
0x3d: {  	s0 =	sadd.s32 s6, s31  }
0x3e: {  	[tilespmem:s22], [sflag:$0x2] =	stream.linear.gather [hbm4b:s0+s28], $0x80, $0x38;
	[tilespmem:$0x1C100] =	vst v63  }
0x3f: {  	_ =	swait.ge [sflag:s21], $0x80  }
0x40: {  	[sflag:s21] =	ssyncset.done $0x0  }
0x41: {  	s0 =	sadd.s32 s7, s31;
	[sflag:s21] =	ssyncadd.s32 $0xFFFFFF80  }
0x42: {  	[tilespmem:s23], [sflag:$0x2] =	stream.linear.gather [hbm4b:s0+s28], $0x80, $0x38;
	[tilespmem:$0x1C100] =	vst v63  }
0x43: {  	_ =	swait.ge [sflag:s21], $0x80  }
0x44: {  	[sflag:s21] =	ssyncset.done $0x0  }
0x45: {  	[sflag:s21] =	ssyncadd.s32 $0xFFFFFF80  }
0x46: {  	[tilespmem:s25], [sflag:$0x1] =	stream.indirect.gather [hbm4b:s4+s24], $0x80, s23, s24, $0xb8;
	[tilespmem:$0x1C100] =	vst v63  }
0x47: {  	_ =	swait.ge [sflag:s26], $0x4000  }
0x48: {  	s0 =	sshll.u32 s30, $0x4;
	[sflag:s26] =	ssyncset.done $0x0  }
0x49: {  	s0 =	sadd.s32 s5, s0;
	[sflag:s26] =	ssyncadd.s32 $0xFFFFC000  }
0x4a: {  	[tilespmem:s20], [sflag:$0x2] =	stream.linear.gather [hbm4b:s0+s28], $0x4000, $0x38;
	[tilespmem:$0x1C100] =	vst v63  }
0x4b: {  	_ =	swait.ge [sflag:s21], $0x4000  }
0x4c: {  	[sflag:s21] =	ssyncset.done $0x0  }
0x4d: {  	s30 =	simm.s32 $0x0;
	[sflag:s21] =	ssyncadd.s32 $0xFFFFC000  }
0x4e: {  	v8 =	vld [tilespmem:s30+$0x18100]  }
0x4f: {  	v12 =	vld [tilespmem:s30+$0x18110]  }
0x50: {  	v6 =	vld [tilespmem:s30+$0x18120]  }
0x51: {  	v5 =	vld [tilespmem:s30+$0x18130]  }
0x52: {  	v4 =	vld [tilespmem:s30+$0x18140]  }
0x53: {  	v3 =	vld [tilespmem:s30+$0x18150]  }
0x54: {  	v2 =	vld [tilespmem:s30+$0x18160]  }
0x55: {  	v1 =	vld [tilespmem:s30+$0x18170]  }
0x56: {  	v13 =	vld [tilespmem:s30+$0x14100]  }
0x57: {  	v14 =	vld [tilespmem:s30+$0x14110]  }
0x58: {  	v11 =	vld [tilespmem:s30+$0x14120]  }
0x59: {  	v10 =	vld [tilespmem:s30+$0x14130]  }
0x5a: {  	v9 =	vld [tilespmem:s30+$0x14140]  }
0x5b: {  	v7 =	vld [tilespmem:s30+$0x14150];
	v13 =	vmul.f32 v8, v13  }
0x5c: {  	s31 =	simm.s32 $0x200;
	v12 =	vmul.f32 v12, v14;
	v8 =	vld [tilespmem:s30+$0x14160]  }
.LBB2_5:
0x5d: {  	s0 =	sshra.s32 s31, $0x2;
	p0 =	sne.s32 s31, $0xFE00;
	[tilespmem:s30+$0x14100] =	vst v13;
	v6 =	vmul.f32 v6, v11;
	v11 =	vld [tilespmem:s30+$0x14170]  }
0x5e: {  	v13 =	vld [tilespmem:s0+$0x18100];
	[tilespmem:s30+$0x14110] =	vst v12;
	v5 =	vmul.f32 v5, v10  }
0x5f: {  	v12 =	vld [tilespmem:s0+$0x18110];
	[tilespmem:s30+$0x14120] =	vst v6;
	v4 =	vmul.f32 v4, v9  }
0x60: {  	v6 =	vld [tilespmem:s0+$0x18120];
	[tilespmem:s30+$0x14130] =	vst v5;
	v3 =	vmul.f32 v3, v7  }
0x61: {  	v5 =	vld [tilespmem:s0+$0x18130];
	[tilespmem:s30+$0x14140] =	vst v4;
	v2 =	vmul.f32 v2, v8  }
0x62: {  	v4 =	vld [tilespmem:s0+$0x18140];
	[tilespmem:s30+$0x14150] =	vst v3;
	v1 =	vmul.f32 v1, v11  }
0x63: {  	v3 =	vld [tilespmem:s0+$0x18150];
	[tilespmem:s30+$0x14160] =	vst v2  }
0x64: {  	v2 =	vld [tilespmem:s0+$0x18160];
	[tilespmem:s30+$0x14170] =	vst v1;
	s30 =	smov.u32 s0  }
0x65: {  	v1 =	vld [tilespmem:s30+$0x18170]  }
0x66: {  	v7 =	vld [tilespmem:s30+$0x14100]  }
0x67: {  	v8 =	vld [tilespmem:s30+$0x14110]  }
.Ltmp1:
0x68: {  	v11 =	vld [tilespmem:s30+$0x14120];
	(pc) =	sbr.rel @p0 .LBB2_5-.Ltmp1, $4  }
0x69: {  	v10 =	vld [tilespmem:s30+$0x14130]  }
0x6a: {  	v9 =	vld [tilespmem:s30+$0x14140]  }
0x6b: {  	v13 =	vmul.f32 v13, v7;
	v7 =	vld [tilespmem:s30+$0x14150]  }
0x6c: {  	s31 =	sadd.s32 $0x200, s31;
	v12 =	vmul.f32 v12, v8;
	v8 =	vld [tilespmem:s30+$0x14160]  }
0x6d: {  	[tilespmem:s30+$0x14100] =	vst v13;
	v6 =	vmul.f32 v6, v11;
	v63 =	vld [tilespmem:s30+$0x14170]  }
0x6e: {  	[tilespmem:s30+$0x14110] =	vst v12;
	v5 =	vmul.f32 v5, v10  }
0x6f: {  	[tilespmem:s30+$0x14120] =	vst v6;
	v4 =	vmul.f32 v4, v9  }
0x70: {  	[tilespmem:s30+$0x14130] =	vst v5;
	v3 =	vmul.f32 v3, v7  }
0x71: {  	[tilespmem:s30+$0x14140] =	vst v4;
	v2 =	vmul.f32 v2, v8  }
0x72: {  	s29 =	sadd.s32 $0x1, s29;
	[tilespmem:s30+$0x14150] =	vst v3;
	v1 =	vmul.f32 v1, v63  }
0x73: {  	p0 =	sne.s32 s29, $0x54;
	[tilespmem:s30+$0x14160] =	vst v2  }
.Ltmp2:
0x74: {  	[tilespmem:s30+$0x14170] =	vst v1;
	(pc) =	sbr.rel @p0 .LBB2_4-.Ltmp2, $4  }
0x75: {  	[spmem:s1] =	stream.indirect.scatter.add.f32 [tilespmem:s25], [sflag:$0x2], $0x80, s22, s24, $0xb8;
	[tilespmem:$0x1C100] =	vst v63  }
0x76: {  	_ =	swait.ge [sflag:s21], $0x4000  }
0x77: {  	[sflag:s21] =	ssyncset.done $0x0  }
0x78: {  	[sflag:s21] =	ssyncadd.s32 $0xFFFFC000  }
0x79: {  	s0 =	sshll.u32 s2, $0x6  }
0x7a: {  	[bflag:$0x0] =	sbarrier.arrive $0xFFFF;
	s28 =	sshrl.u32 s8, $0x3;
	s0 =	sor.u32 $0x1C02, s0  }
0x7b: {  	[hbm:s14], [sflag:s0] =	dma.local [spmem:s28], $0x800  }
0x7c: {  	_ =	swait.ge [sflag:s21], $0x800  }
0x7d: {  	[sflag:s21] =	ssyncset.done $0x0  }
0x7e: {  	s31 =	sshrl.u32 s9, $0x3;
	[sflag:s21] =	ssyncadd.s32 $0xFFFFF800  }
0x7f: {  	[hbm:s15], [sflag:s0] =	dma.local [spmem:s31], $0x800  }
0x80: {  	_ =	swait.ge [sflag:s21], $0x800  }
0x81: {  	[sflag:s21] =	ssyncset.done $0x0  }
0x82: {  	s29 =	sshrl.u32 s10, $0x3;
	[sflag:s21] =	ssyncadd.s32 $0xFFFFF800  }
0x83: {  	[hbm:s16], [sflag:s0] =	dma.local [spmem:s29], $0x800  }
0x84: {  	_ =	swait.ge [sflag:s21], $0x800  }
0x85: {  	[sflag:s21] =	ssyncset.done $0x0  }
0x86: {  	s30 =	sshrl.u32 s11, $0x3;
	[sflag:s21] =	ssyncadd.s32 $0xFFFFF800  }
0x87: {  	[hbm:s17], [sflag:s0] =	dma.local [spmem:s30], $0x800  }
0x88: {  	s3 =	sadd.s32 $0x1, s3;
	_ =	swait.ge [sflag:s21], $0x800  }
0x89: {  	p0 =	sne.s32 s3, s19;
	[sflag:s21] =	ssyncset.done $0x0  }
.Ltmp3:
0x8a: {  	s31 =	sshrl.u32 s12, $0x3;
	[sflag:s21] =	ssyncadd.s32 $0xFFFFF800;
	(pc) =	sbr.rel @p0 .LBB2_1-.Ltmp3, $4  }
0x8b: {  	[hbm:s18], [sflag:s0] =	dma.local [spmem:s31], $0x800  }
0x8c: {  	_ =	swait.ge [sflag:s21], $0x800  }
0x8d: {  	[sflag:s21] =	ssyncset.done $0x0  }
0x8e: {  	[sflag:s21] =	ssyncadd.s32 $0xFFFFF800  }
0x8f: {  	_ =	sfence.sel $0x180000  }
0x90: {  	[bflag:$0x0] =	sbarrier.arrive $0xFFFF  }
0x91: {  	_ =	strace $0x9000004D  }
0x92: {  	[bflag:$0x2] =	sbarrier.arrive $0xFFFF  }
0x93: {  	p0 =	sne.s32 s2, $0x0;
	s0 =	rddreg [dreg:$0x2]  }
0x94: {  	s0 =	sadd.s32 @!p0 $0x100000, s0  }
0x95: {  	[sflag:s0] =	ssyncadd.tile.s32 @!p0 $0x1;
	_ =	shalt  }
.Lfunc_end2:
_tile_overlayer_lowered:
.L_overlay_start_2:
0x96: {  	(tag) =	ssettag $0x2  }
0x97: {  	s0 =	rddreg [dreg:$0x0];
	s2 =	stileid.u32  }
0x98: {  	s1 =	rddreg [dreg:$0x1];
	p0 =	sne.s32 s2, $0x0  }
0x99: {  	s3 =	rddreg [dreg:$0x2];
	[bflag:$0x3] =	sbarrier.arrive $0xFFFF;
	s2 =	simm.s32 @!p0 $0x1C02  }
0x9a: {  	[timem:s3], [sflag:s2] =	dma.local @!p0 [hbm:s0], s1  }
0x9b: {  	s0 =	simm.s32 @!p0 $0x2  }
0x9c: {  	_ =	swait.ge @!p0 [sflag:s0], s1  }
0x9d: {  	s1 =	ssub.s32 @!p0 $0x0, s1;
	[sflag:s0] =	ssyncset.done @!p0 $0x0  }
0x9e: {  	[sflag:s0] =	ssyncadd.s32 @!p0 s1  }
0x9f: {  	[bflag:$0x3] =	sbarrier.arrive $0xFFFF  }
0xa0: {  	_ =	shalt  }

// kernel: kernel.24.cloned.1.call-start
scs
__scs_entry_jumppad:
0x0: {  	(pc) =	sbr.rel $0x88, $3  }
0x1: {  	(tag) =	ssettag $0x0;
	lr =	simm.s32 $0x1  }
0x2: {  	[smem:$0x3F7B] =	sst lr;
	_ =	strace $0xD0000000  }
0x3: {  	_ = 	snop  }
0x4: {  	_ = 	snop  }
0x5: {  	_ = 	snop  }
0x6: {  	_ = 	snop  }
0x7: {  	_ = 	snop  }
__scs_overlays_trampoline_lowered:
0x8: {  	[smem:$0x3F8A] =	sst s0  }
0x9: {  	[smem:$0x3F8B] =	sst s1  }
0xa: {  	[smem:$0x3F8C] =	sst s2  }
0xb: {  	[smem:$0x3F8D] =	sst s3  }
0xc: {  	[smem:$0x3F8E] =	sst s4  }
0xd: {  	[smem:$0x3F8F] =	sst s5  }
0xe: {  	[smem:$0x3F90] =	sst s6  }
0xf: {  	[smem:$0x3F91] =	sst s7  }
0x10: {  	[smem:$0x3F92] =	sst s8  }
0x11: {  	[smem:$0x3F93] =	sst s9;
	s0 =	simm.s32 @!p0 $0x0  }
0x12: {  	s1 =	sld [smem:$0x3F79];
	s0 =	simm.s32 @p0 $0x1  }
0x13: {  	[smem:$0x3F94] =	sst s0;
	s0 =	simm.s32 @!p1 $0x0  }
0x14: {  	s2 =	sld [smem:$0x3F78];
	s0 =	simm.s32 @p1 $0x1  }
0x15: {  	[smem:$0x3F95] =	sst s0;
	s0 =	simm.s32 @!p2 $0x0  }
0x16: {  	s3 =	sld [smem:$0x3FDB];
	s0 =	simm.s32 @p2 $0x1  }
0x17: {  	s4 =	simm.s32 $0x1BF5;
	[smem:$0x3F97] =	sst s0  }
0x18: {  	s0 =	sld [smem:$0x3F7A];
	_ =	swait.ge [sflag:s4], $0x0  }
0x19: {  	s7 =	sld [smem:$0x3F7B]  }
0x1a: {  	s8 =	sadd.s32 $0xFFFFE003, lr  }
0x1b: {  	s9 =	sadd.s32 $0xFFFFFEF7, lr;
	s5 =	simm.s32 $0xFFFFFFFF;
	p2 =	slt.u32 s8, $0xFFFFF086  }
0x1c: {  	p1 =	slt.u32 s9, $0xF7A;
	s5 =	simm.s32 @!p2 $0x0  }
0x1d: {  	s5 =	simm.s32 @p1 $0x1;
	p0 =	seq.s32 s7, s2  }
0x1e: {  	s7 =	smul.u32 @!p0 $0xF7A, s2;
	p2 =	seq.s32 @!p0 s5, $0x0  }
0x1f: {  	s9 =	smul.u32 $0xF7A, s1;
	s8 =	simm.s32 @!p0 $0x1BF5;
	p2 =	por !p2, p0  }
0x20: {  	[sflag:s8] =	ssyncset.s32 @!p0 $0xFFFFF086;
	s6 =	sadd.s32 @!p0 s3, s7;
	s7 =	simm.s32 @!p0 $0x108  }
0x21: {  	s3 =	sadd.s32 s3, s9;
	s6 =	sadd.s32 @!p0 $0x88, s6;
	s7 =	simm.s32 @p2 $0x1082  }
0x22: {  	[simem:s7], [sflag:s8] =	dma.local @!p0 [hbm:s6], $0xF7A  }
0x23: {  	s9 =	sor.u32 $0xD0000000, s2;
	s6 =	simm.s32 $0x108;
	_ =	swait.ge @!p0 [sflag:s8], $0x0  }
0x24: {  	s3 =	sadd.s32 $0x88, s3;
	s6 =	simm.s32 @!p1 $0x1082;
	[sflag:s4] =	ssyncset.s32 $0xFFFFF086  }
0x25: {  	[simem:s6], [sflag:s4] =	dma.local [hbm:s3], $0xF7A  }
0x26: {  	[smem:$0x3F7B] =	sst s1;
	(tag) =	ssettag s2;
	_ =	strace s9  }
0x27: {  	s1 =	sld [smem:$0x3F8B]  }
0x28: {  	s2 =	sld [smem:$0x3F8C]  }
0x29: {  	s4 =	sld [smem:$0x3F8E]  }
0x2a: {  	p0 =	seq.s32 s5, $0x0;
	s5 =	sld [smem:$0x3F8F]  }
0x2b: {  	s6 =	sld [smem:$0x3F90]  }
0x2c: {  	s7 =	sld [smem:$0x3F91]  }
0x2d: {  	s3 =	simm.s32 $0x108;
	s8 =	sld [smem:$0x3F92]  }
0x2e: {  	s3 =	simm.s32 @!p0 $0x1082;
	s9 =	sld [smem:$0x3F93]  }
0x2f: {  	lr =	sadd.s32 s0, s3;
	s0 =	sld [smem:$0x3F8A]  }
0x30: {  	s3 =	sld [smem:$0x3F8D]  }
0x31: {  	[smem:$0x3F96] =	sst s10  }
0x32: {  	s10 =	sld [smem:$0x3F94];
	_ =	sdelay $0x3  }
0x33: {  	p0 =	seq.s32 s10, $0x1;
	s10 =	sld [smem:$0x3F96];
	_ =	sdelay $0x3  }
0x34: {  	[smem:$0x3F96] =	sst s10  }
0x35: {  	s10 =	sld [smem:$0x3F95];
	_ =	sdelay $0x3  }
0x36: {  	p1 =	seq.s32 s10, $0x1;
	s10 =	sld [smem:$0x3F96];
	_ =	sdelay $0x3  }
0x37: {  	[smem:$0x3F96] =	sst s10  }
0x38: {  	s10 =	sld [smem:$0x3F97]  }
0x39: {  	_ = 	snop;
	(pc) =	sbr.ind lr, $3  }
0x3a: {  	_ = 	snop  }
0x3b: {  	_ = 	snop  }
0x3c: {  	p2 =	seq.s32 s10, $0x1;
	s10 =	sld [smem:$0x3F96]  }
0x3d: {  	_ =	shalt  }
0x3e: {  	_ =	shalt  }
0x3f: {  	_ =	shalt  }
0x40: {  	_ =	shalt  }
0x41: {  	_ =	shalt  }
0x42: {  	_ =	shalt  }
0x43: {  	_ =	shalt  }
0x44: {  	_ =	shalt  }
0x45: {  	_ =	shalt  }
0x46: {  	_ =	shalt  }
0x47: {  	_ =	shalt  }
0x48: {  	_ =	shalt  }
0x49: {  	_ =	shalt  }
0x4a: {  	_ =	shalt  }
0x4b: {  	_ =	shalt  }
0x4c: {  	_ =	shalt  }
0x4d: {  	_ =	shalt  }
0x4e: {  	_ =	shalt  }
0x4f: {  	_ =	shalt  }
0x50: {  	_ =	shalt  }
0x51: {  	_ =	shalt  }
0x52: {  	_ =	shalt  }
0x53: {  	_ =	shalt  }
0x54: {  	_ =	shalt  }
0x55: {  	_ =	shalt  }
0x56: {  	_ =	shalt  }
0x57: {  	_ =	shalt  }
0x58: {  	_ =	shalt  }
0x59: {  	_ =	shalt  }
0x5a: {  	_ =	shalt  }
0x5b: {  	_ =	shalt  }
0x5c: {  	_ =	shalt  }
0x5d: {  	_ =	shalt  }
0x5e: {  	_ =	shalt  }
0x5f: {  	_ =	shalt  }
0x60: {  	_ =	shalt  }
0x61: {  	_ =	shalt  }
0x62: {  	_ =	shalt  }
0x63: {  	_ =	shalt  }
0x64: {  	_ =	shalt  }
0x65: {  	_ =	shalt  }
0x66: {  	_ =	shalt  }
0x67: {  	_ =	shalt  }
0x68: {  	_ =	shalt  }
0x69: {  	_ =	shalt  }
0x6a: {  	_ =	shalt  }
0x6b: {  	_ =	shalt  }
0x6c: {  	_ =	shalt  }
0x6d: {  	_ =	shalt  }
0x6e: {  	_ =	shalt  }
0x6f: {  	_ =	shalt  }
0x70: {  	_ =	shalt  }
0x71: {  	_ =	shalt  }
0x72: {  	_ =	shalt  }
0x73: {  	_ =	shalt  }
0x74: {  	_ =	shalt  }
0x75: {  	_ =	shalt  }
0x76: {  	_ =	shalt  }
0x77: {  	_ =	shalt  }
0x78: {  	_ =	shalt  }
0x79: {  	_ =	shalt  }
0x7a: {  	_ =	shalt  }
0x7b: {  	_ =	shalt  }
0x7c: {  	_ =	shalt  }
0x7d: {  	_ =	shalt  }
0x7e: {  	_ =	shalt  }
0x7f: {  	_ =	shalt  }
0x80: {  	_ =	shalt  }
0x81: {  	_ =	shalt  }
0x82: {  	_ =	shalt  }
0x83: {  	_ =	shalt  }
0x84: {  	_ =	shalt  }
0x85: {  	_ =	shalt  }
0x86: {  	_ =	shalt  }
0x87: {  	_ =	shalt  }
.Lfunc_end0:
.L_simem_size_0:
called_computation.3_lowered:
.L_overlay_start_0:
0x88: {  	s2 =	sld [smem:$0x3FD9]  }
0x89: {  	s3 =	sld [smem:$0x3FFE];
	_ =	sdelay $0x1  }
0x8a: {  	s1 =	srdreg.scid  }
0x8b: {  	s0 =	sand.u32 $0x1, s1  }
0x8c: {  	s16 =	sshll.u32 s0, $0xA;
	s2 =	sadd.s32 s3, s2  }
0x8d: {  	s2 =	sadd.s32 s2, s16  }
0x8e: {  	[smem:$0x3FA2] =	sst s2  }
0x8f: {  	_ = 	snop  }
0x90: {  	(tm) =	ssettm $0x1  }
0x91: {  	s17 =	sld [smem:$0x3FFB];
	_ =	sdelay $0x3  }
0x92: {  	_ =	strace s17  }
0x93: {  	s2 =	sld [smem:$0x3FFC];
	_ =	sdelay $0x3  }
0x94: {  	_ =	strace s2  }
0x95: {  	s2 =	sld [smem:$0x3FFD];
	_ =	sdelay $0x3  }
0x96: {  	_ =	strace s2  }
0x97: {  	_ =	strace $0x8FFFFFFF  }
0x98: {  	s18 =	sld [smem:$0x3FDB];
	_ =	sdelay $0x1  }
0x99: {  	s19 =	simm.s32 $_scs_section_size  }
0x9a: {  	s4 =	simm.s32 $_size__tile_overlayer_lowered;
	s5 =	simm.s32 $_tile_overlayer_lowered  }
0x9b: {  	s22 =	simm.s32 $0x1BFF;
	s21 =	sshll.u32 s5, $0x1;
	s2 =	sadd.s32 s19, s18  }
0x9c: {  	s6 =	simm.s32 $0x0;
	s20 =	sshll.u32 s4, $0x1;
	s4 =	sadd.s32 s21, s2  }
0x9d: {  	[timem:s6], [sflag:s22] =	dma.local [hbm:s4], s20  }
0x9e: {  	_ =	swait.ge [sflag:s22], s20  }
0x9f: {  	s3 =	ssub.s32 $0x0, s20;
	[sflag:s22] =	ssyncset.done $0x0  }
0xa0: {  	[sflag:s22] =	ssyncadd.s32 s3;
	_ =	sdelay $0x1  }
0xa1: {  	s23 =	simm.s32 $0x1B8B  }
0xa2: {  	_ =	swait.ge [sflag:s23], $0x1  }
0xa3: {  	[sflag:s23] =	ssyncset.done $0x0  }
0xa4: {  	s25 =	simm.s32 $0x1B8E;
	s24 =	sld [smem:$0x3FFE];
	[sflag:s23] =	ssyncadd.s32 $0xFFFFFFFF  }
0xa5: {  	s26 =	simm.s32 $execute0_lowered;
	[smem:$0x3FD2] =	sst s25  }
0xa6: {  	s4 =	sshll.u32 s26, $0x1;
	_ =	strace $0x8000004F;
	[dreg:$0x1] =	wrdreg $0xFFFFFFFF  }
0xa7: {  	s28 =	simm.s32 $_size_execute0_lowered;
	s2 =	sadd.s32 s2, s4;
	[dreg:$0x0] =	wrdreg $0x0  }
0xa8: {  	s4 =	sshll.u32 s28, $0x1;
	[dreg:$0x2] =	wrdreg s2  }
0xa9: {  	[dreg:$0x3] =	wrdreg s4  }
0xaa: {  	[dreg:$0x4] =	wrdreg $0xC0  }
0xab: {  	_ =	task [dreg:s6], $0x5FFFF  }
0xac: {  	[dreg:$0x1] =	wrdreg $0xFFFFFFFF  }
0xad: {  	[dreg:$0x0] =	wrdreg $0x60  }
0xae: {  	[dreg:$0x2] =	wrdreg s24  }
0xaf: {  	[dreg:$0x3] =	wrdreg $0x0  }
0xb0: {  	[dreg:$0x4] =	wrdreg $0x9  }
0xb1: {  	_ =	task.clear_ibuf [dreg:s6], $0x5FFFF;
	_ =	strace $0x9000004F  }
0xb2: {  	s29 =	simm.s32 $0x9;
	_ =	strace $0x80000051  }
0xb3: {  	_ =	swait.ge [sflag:s29], $0x1  }
0xb4: {  	[sflag:s29] =	ssyncadd.s32 $0xFFFFFFFF  }
0xb5: {  	_ =	strace $0x90000051  }
0xb6: {  	_ =	sfence  }
0xb7: {  	s30 =	sld [smem:$0x0];
	_ =	sdelay $0x2  }
0xb8: {  	s31 =	sshll.u32 s1, $0xD;
	s1 =	sshrl.u32 s1, $0x2  }
0xb9: {  	s3 =	sand.u32 $0x4000, s31;
	s1 =	sadd.s32 s1, s30  }
0xba: {  	s0 =	sor.u32 s3, s0;
	s1 =	sshll.u32 s1, $0x11  }
0xbb: {  	s0 =	sor.u32 s1, s0  }
0xbc: {  	s0 =	sadd.s32 $0x8F2B, s0  }
0xbd: {  	[sflag:s0] =	ssyncadd.remote.s32 $0x1  }
0xbe: {  	_ =	sfence.sel $0xFFFF  }
0xbf: {  	[dreg:$0x0] =	wrdreg $0xFFFFFFFF;
	(pc) =	sbr.abs _section_cstart, $3  }
0xc0: {  	[dreg:$0x1] =	wrdreg $0xFFFFFFFF  }
0xc1: {  	_ =	task.clear_ibuf [dreg:s6], $0x2FFFF;
	_ =	strace $0x9FFFFFFF  }
0xc2: {  	(tm) =	ssettm $0x7FFFFFFF  }
0xc3: {  	_ =	shalt  }
tec
execute0_lowered:
.L_overlay_start_1:
0x0: {  	(tag) =	ssettag $0x1  }
0x1: {  	s8 =	rddreg [dreg:$0x0]  }
0x2: {  	s1 =	rddreg [dreg:$0x1];
	s3 =	simm.s32 $0x0;
	s2 =	stileid.u32  }
0x3: {  	s7 =	srdreg.scid;
	s23 =	simm.s32 $0x14080;
	s24 =	simm.s32 $0x80  }
0x4: {  	s25 =	simm.s32 $0x14100;
	s26 =	simm.s32 $0x1;
	[smem:$0x7FF] =	sst s3  }
0x5: {  	s4 =	sadd.s32 $0x3A400, s8;
	s5 =	sadd.s32 $0xB58800, s8;
	s9 =	smul.u32 $0x50000, s2  }
0x6: {  	s6 =	sadd.s32 $0x25400, s8;
	s13 =	sand.u32 $0x1, s7;
	s14 =	smul.u32 $0x14000, s2  }
0x7: {  	s7 =	sadd.s32 $0x2FC00, s8;
	s18 =	sadd.s32 $0x88800, s8;
	s22 =	sshll.u32 s2, $0x7  }
0x8: {  	_ =	strace $0x80000050;
	s31 =	ssub.s32 $0x2, s13;
	s20 =	smul.u32 $0x140000, s13  }
0x9: {  	s13 =	sshll.u32 s13, $0xB;
	s10 =	sshrl.u32 s31, $0x1;
	s9 =	sshrl.u32 s9, $0x2  }
0xa: {  	s15 =	sadd.s32 $0x4000, s14;
	s16 =	sadd.s32 $0x8000, s14;
	s17 =	sadd.s32 $0xC000, s14  }
0xb: {  	s21 =	sadd.s32 $0x10000, s14;
	s13 =	sor.u32 s22, s13;
	s22 =	simm.s32 $0x14000  }
0xc: {  	s19 =	ssub.s32 s31, s10;
	s8 =	sadd.s32 s9, s1;
	s9 =	sadd.s32 s15, s1  }
0xd: {  	s10 =	sadd.s32 s16, s1;
	s11 =	sadd.s32 s17, s1;
	s12 =	sadd.s32 s21, s1  }
0xe: {  	s14 =	sadd.s32 s14, s20;
	s15 =	sadd.s32 s20, s15;
	s16 =	sadd.s32 s20, s16  }
0xf: {  	s17 =	sadd.s32 s20, s17;
	s20 =	sadd.s32 s20, s21;
	s21 =	simm.s32 $0x2  }
0x10: {  	s14 =	sshrl.u32 s14, $0x3;
	s15 =	sshrl.u32 s15, $0x3;
	s16 =	sshrl.u32 s16, $0x3  }
0x11: {  	s17 =	sshrl.u32 s17, $0x3;
	s20 =	sshrl.u32 s20, $0x3;
	s19 =	smax.u32 s19, $0x1  }
0x12: {  	s14 =	sadd.s32 s18, s14;
	s15 =	sadd.s32 s18, s15;
	s16 =	sadd.s32 s18, s16  }
0x13: {  	v0 =	vimm.f32 $0.0e+00;
	s17 =	sadd.s32 s18, s17;
	s18 =	sadd.s32 s18, s20;
	s20 =	simm.s32 $0x18100  }
.LBB2_1:
0x14: {  	s28 =	simm.s32 $0x0;
	s29 =	simm.s32 $0x200  }
.LBB2_2:
0x15: {  	p0 =	sne.s32 s29, $0xFE00;
	[tilespmem:s28+$0x18170] =	vst v0  }
0x16: {  	[tilespmem:s28+$0x18100] =	vst v0  }
0x17: {  	[tilespmem:s28+$0x18110] =	vst v0  }
.Ltmp0:
0x18: {  	[tilespmem:s28+$0x18120] =	vst v0;
	(pc) =	sbr.rel @p0 .LBB2_2-.Ltmp0, $4  }
0x19: {  	[tilespmem:s28+$0x18130] =	vst v0  }
0x1a: {  	[tilespmem:s28+$0x18140] =	vst v0  }
0x1b: {  	[tilespmem:s28+$0x18150] =	vst v0  }
0x1c: {  	[tilespmem:s28+$0x18160] =	vst v0;
	s28 =	sshra.s32 s29, $0x2;
	s29 =	sadd.s32 $0x200, s29  }
0x1d: {  	[tilespmem:s28+$0x18170] =	vst v0  }
0x1e: {  	[tilespmem:s28+$0x18100] =	vst v0  }
0x1f: {  	[tilespmem:s28+$0x18110] =	vst v0  }
0x20: {  	[tilespmem:s28+$0x18120] =	vst v0  }
0x21: {  	[tilespmem:s28+$0x18130] =	vst v0  }
0x22: {  	[tilespmem:s28+$0x18140] =	vst v0  }
0x23: {  	[tilespmem:s28+$0x18150] =	vst v0  }
0x24: {  	[tilespmem:s28+$0x18160] =	vst v0  }
0x25: {  	[spmem:s8] =	stream.linear.scatter [tilespmem:s20], [sflag:$0x2], $0x4000, $0x38;
	[tilespmem:$0x1C100] =	vst v63  }
0x26: {  	_ =	swait.ge [sflag:s21], $0x4000  }
0x27: {  	[sflag:s21] =	ssyncset.done $0x0  }
0x28: {  	[sflag:s21] =	ssyncadd.s32 $0xFFFFC000  }
0x29: {  	[spmem:s9] =	stream.linear.scatter [tilespmem:s20], [sflag:$0x2], $0x4000, $0x38;
	[tilespmem:$0x1C100] =	vst v63  }
0x2a: {  	_ =	swait.ge [sflag:s21], $0x4000  }
0x2b: {  	[sflag:s21] =	ssyncset.done $0x0  }
0x2c: {  	[sflag:s21] =	ssyncadd.s32 $0xFFFFC000  }
0x2d: {  	[spmem:s10] =	stream.linear.scatter [tilespmem:s20], [sflag:$0x2], $0x4000, $0x38;
	[tilespmem:$0x1C100] =	vst v63  }
0x2e: {  	_ =	swait.ge [sflag:s21], $0x4000  }
0x2f: {  	[sflag:s21] =	ssyncset.done $0x0  }
0x30: {  	[sflag:s21] =	ssyncadd.s32 $0xFFFFC000  }
0x31: {  	[spmem:s11] =	stream.linear.scatter [tilespmem:s20], [sflag:$0x2], $0x4000, $0x38;
	[tilespmem:$0x1C100] =	vst v63  }
0x32: {  	_ =	swait.ge [sflag:s21], $0x4000  }
0x33: {  	[sflag:s21] =	ssyncset.done $0x0  }
0x34: {  	[sflag:s21] =	ssyncadd.s32 $0xFFFFC000  }
0x35: {  	[spmem:s12] =	stream.linear.scatter [tilespmem:s20], [sflag:$0x2], $0x4000, $0x38;
	[tilespmem:$0x1C100] =	vst v63  }
0x36: {  	_ =	swait.ge [sflag:s21], $0x4000  }
0x37: {  	[sflag:s21] =	ssyncset.done $0x0  }
0x38: {  	[sflag:s21] =	ssyncadd.s32 $0xFFFFC000  }
0x39: {  	s28 =	simm.s32 $0x0;
	s29 =	simm.s32 $0x0;
	[bflag:$0x0] =	sbarrier.arrive $0xFFFF  }
.LBB2_4:
0x3a: {  	s30 =	sshll.u32 s29, $0xC  }
0x3b: {  	s30 =	sor.u32 s13, s30  }
0x3c: {  	s31 =	sshrl.u32 s30, $0x3  }
0x3d: {  	s0 =	sadd.s32 s6, s31  }
0x3e: {  	[tilespmem:s22], [sflag:$0x2] =	stream.linear.gather [hbm4b:s0+s28], $0x80, $0x38;
	[tilespmem:$0x1C100] =	vst v63  }
0x3f: {  	_ =	swait.ge [sflag:s21], $0x80  }
0x40: {  	[sflag:s21] =	ssyncset.done $0x0  }
0x41: {  	s0 =	sadd.s32 s7, s31;
	[sflag:s21] =	ssyncadd.s32 $0xFFFFFF80  }
0x42: {  	[tilespmem:s23], [sflag:$0x2] =	stream.linear.gather [hbm4b:s0+s28], $0x80, $0x38;
	[tilespmem:$0x1C100] =	vst v63  }
0x43: {  	_ =	swait.ge [sflag:s21], $0x80  }
0x44: {  	[sflag:s21] =	ssyncset.done $0x0  }
0x45: {  	[sflag:s21] =	ssyncadd.s32 $0xFFFFFF80  }
0x46: {  	[tilespmem:s25], [sflag:$0x1] =	stream.indirect.gather [hbm4b:s4+s24], $0x80, s23, s24, $0xb8;
	[tilespmem:$0x1C100] =	vst v63  }
0x47: {  	_ =	swait.ge [sflag:s26], $0x4000  }
0x48: {  	s0 =	sshll.u32 s30, $0x4;
	[sflag:s26] =	ssyncset.done $0x0  }
0x49: {  	s0 =	sadd.s32 s5, s0;
	[sflag:s26] =	ssyncadd.s32 $0xFFFFC000  }
0x4a: {  	[tilespmem:s20], [sflag:$0x2] =	stream.linear.gather [hbm4b:s0+s28], $0x4000, $0x38;
	[tilespmem:$0x1C100] =	vst v63  }
0x4b: {  	_ =	swait.ge [sflag:s21], $0x4000  }
0x4c: {  	[sflag:s21] =	ssyncset.done $0x0  }
0x4d: {  	s30 =	simm.s32 $0x0;
	[sflag:s21] =	ssyncadd.s32 $0xFFFFC000  }
0x4e: {  	v8 =	vld [tilespmem:s30+$0x18100]  }
0x4f: {  	v12 =	vld [tilespmem:s30+$0x18110]  }
0x50: {  	v6 =	vld [tilespmem:s30+$0x18120]  }
0x51: {  	v5 =	vld [tilespmem:s30+$0x18130]  }
0x52: {  	v4 =	vld [tilespmem:s30+$0x18140]  }
0x53: {  	v3 =	vld [tilespmem:s30+$0x18150]  }
0x54: {  	v2 =	vld [tilespmem:s30+$0x18160]  }
0x55: {  	v1 =	vld [tilespmem:s30+$0x18170]  }
0x56: {  	v13 =	vld [tilespmem:s30+$0x14100]  }
0x57: {  	v14 =	vld [tilespmem:s30+$0x14110]  }
0x58: {  	v11 =	vld [tilespmem:s30+$0x14120]  }
0x59: {  	v10 =	vld [tilespmem:s30+$0x14130]  }
0x5a: {  	v9 =	vld [tilespmem:s30+$0x14140]  }
0x5b: {  	v7 =	vld [tilespmem:s30+$0x14150];
	v13 =	vmul.f32 v8, v13  }
0x5c: {  	s31 =	simm.s32 $0x200;
	v12 =	vmul.f32 v12, v14;
	v8 =	vld [tilespmem:s30+$0x14160]  }
.LBB2_5:
0x5d: {  	s0 =	sshra.s32 s31, $0x2;
	p0 =	sne.s32 s31, $0xFE00;
	[tilespmem:s30+$0x14100] =	vst v13;
	v6 =	vmul.f32 v6, v11;
	v11 =	vld [tilespmem:s30+$0x14170]  }
0x5e: {  	v13 =	vld [tilespmem:s0+$0x18100];
	[tilespmem:s30+$0x14110] =	vst v12;
	v5 =	vmul.f32 v5, v10  }
0x5f: {  	v12 =	vld [tilespmem:s0+$0x18110];
	[tilespmem:s30+$0x14120] =	vst v6;
	v4 =	vmul.f32 v4, v9  }
0x60: {  	v6 =	vld [tilespmem:s0+$0x18120];
	[tilespmem:s30+$0x14130] =	vst v5;
	v3 =	vmul.f32 v3, v7  }
0x61: {  	v5 =	vld [tilespmem:s0+$0x18130];
	[tilespmem:s30+$0x14140] =	vst v4;
	v2 =	vmul.f32 v2, v8  }
0x62: {  	v4 =	vld [tilespmem:s0+$0x18140];
	[tilespmem:s30+$0x14150] =	vst v3;
	v1 =	vmul.f32 v1, v11  }
0x63: {  	v3 =	vld [tilespmem:s0+$0x18150];
	[tilespmem:s30+$0x14160] =	vst v2  }
0x64: {  	v2 =	vld [tilespmem:s0+$0x18160];
	[tilespmem:s30+$0x14170] =	vst v1;
	s30 =	smov.u32 s0  }
0x65: {  	v1 =	vld [tilespmem:s30+$0x18170]  }
0x66: {  	v7 =	vld [tilespmem:s30+$0x14100]  }
0x67: {  	v8 =	vld [tilespmem:s30+$0x14110]  }
.Ltmp1:
0x68: {  	v11 =	vld [tilespmem:s30+$0x14120];
	(pc) =	sbr.rel @p0 .LBB2_5-.Ltmp1, $4  }
0x69: {  	v10 =	vld [tilespmem:s30+$0x14130]  }
0x6a: {  	v9 =	vld [tilespmem:s30+$0x14140]  }
0x6b: {  	v13 =	vmul.f32 v13, v7;
	v7 =	vld [tilespmem:s30+$0x14150]  }
0x6c: {  	s31 =	sadd.s32 $0x200, s31;
	v12 =	vmul.f32 v12, v8;
	v8 =	vld [tilespmem:s30+$0x14160]  }
0x6d: {  	[tilespmem:s30+$0x14100] =	vst v13;
	v6 =	vmul.f32 v6, v11;
	v63 =	vld [tilespmem:s30+$0x14170]  }
0x6e: {  	[tilespmem:s30+$0x14110] =	vst v12;
	v5 =	vmul.f32 v5, v10  }
0x6f: {  	[tilespmem:s30+$0x14120] =	vst v6;
	v4 =	vmul.f32 v4, v9  }
0x70: {  	[tilespmem:s30+$0x14130] =	vst v5;
	v3 =	vmul.f32 v3, v7  }
0x71: {  	[tilespmem:s30+$0x14140] =	vst v4;
	v2 =	vmul.f32 v2, v8  }
0x72: {  	s29 =	sadd.s32 $0x1, s29;
	[tilespmem:s30+$0x14150] =	vst v3;
	v1 =	vmul.f32 v1, v63  }
0x73: {  	p0 =	sne.s32 s29, $0x54;
	[tilespmem:s30+$0x14160] =	vst v2  }
.Ltmp2:
0x74: {  	[tilespmem:s30+$0x14170] =	vst v1;
	(pc) =	sbr.rel @p0 .LBB2_4-.Ltmp2, $4  }
0x75: {  	[spmem:s1] =	stream.indirect.scatter.add.f32 [tilespmem:s25], [sflag:$0x2], $0x80, s22, s24, $0xb8;
	[tilespmem:$0x1C100] =	vst v63  }
0x76: {  	_ =	swait.ge [sflag:s21], $0x4000  }
0x77: {  	[sflag:s21] =	ssyncset.done $0x0  }
0x78: {  	[sflag:s21] =	ssyncadd.s32 $0xFFFFC000  }
0x79: {  	s0 =	sshll.u32 s2, $0x6  }
0x7a: {  	[bflag:$0x0] =	sbarrier.arrive $0xFFFF;
	s28 =	sshrl.u32 s8, $0x3;
	s0 =	sor.u32 $0x1C02, s0  }
0x7b: {  	[hbm:s14], [sflag:s0] =	dma.local [spmem:s28], $0x800  }
0x7c: {  	_ =	swait.ge [sflag:s21], $0x800  }
0x7d: {  	[sflag:s21] =	ssyncset.done $0x0  }
0x7e: {  	s31 =	sshrl.u32 s9, $0x3;
	[sflag:s21] =	ssyncadd.s32 $0xFFFFF800  }
0x7f: {  	[hbm:s15], [sflag:s0] =	dma.local [spmem:s31], $0x800  }
0x80: {  	_ =	swait.ge [sflag:s21], $0x800  }
0x81: {  	[sflag:s21] =	ssyncset.done $0x0  }
0x82: {  	s29 =	sshrl.u32 s10, $0x3;
	[sflag:s21] =	ssyncadd.s32 $0xFFFFF800  }
0x83: {  	[hbm:s16], [sflag:s0] =	dma.local [spmem:s29], $0x800  }
0x84: {  	_ =	swait.ge [sflag:s21], $0x800  }
0x85: {  	[sflag:s21] =	ssyncset.done $0x0  }
0x86: {  	s30 =	sshrl.u32 s11, $0x3;
	[sflag:s21] =	ssyncadd.s32 $0xFFFFF800  }
0x87: {  	[hbm:s17], [sflag:s0] =	dma.local [spmem:s30], $0x800  }
0x88: {  	s3 =	sadd.s32 $0x1, s3;
	_ =	swait.ge [sflag:s21], $0x800  }
0x89: {  	p0 =	sne.s32 s3, s19;
	[sflag:s21] =	ssyncset.done $0x0  }
.Ltmp3:
0x8a: {  	s31 =	sshrl.u32 s12, $0x3;
	[sflag:s21] =	ssyncadd.s32 $0xFFFFF800;
	(pc) =	sbr.rel @p0 .LBB2_1-.Ltmp3, $4  }
0x8b: {  	[hbm:s18], [sflag:s0] =	dma.local [spmem:s31], $0x800  }
0x8c: {  	_ =	swait.ge [sflag:s21], $0x800  }
0x8d: {  	[sflag:s21] =	ssyncset.done $0x0  }
0x8e: {  	[sflag:s21] =	ssyncadd.s32 $0xFFFFF800  }
0x8f: {  	_ =	sfence.sel $0x180000  }
0x90: {  	[bflag:$0x0] =	sbarrier.arrive $0xFFFF  }
0x91: {  	_ =	strace $0x90000050  }
0x92: {  	[bflag:$0x2] =	sbarrier.arrive $0xFFFF  }
0x93: {  	p0 =	sne.s32 s2, $0x0;
	s0 =	rddreg [dreg:$0x2]  }
0x94: {  	s0 =	sadd.s32 @!p0 $0x100000, s0  }
0x95: {  	[sflag:s0] =	ssyncadd.tile.s32 @!p0 $0x1;
	_ =	shalt  }
.Lfunc_end2:
_tile_overlayer_lowered:
.L_overlay_start_2:
0x96: {  	(tag) =	ssettag $0x2  }
0x97: {  	s0 =	rddreg [dreg:$0x0];
	s2 =	stileid.u32  }
0x98: {  	s1 =	rddreg [dreg:$0x1];
	p0 =	sne.s32 s2, $0x0  }
0x99: {  	s3 =	rddreg [dreg:$0x2];
	[bflag:$0x3] =	sbarrier.arrive $0xFFFF;
	s2 =	simm.s32 @!p0 $0x1C02  }
0x9a: {  	[timem:s3], [sflag:s2] =	dma.local @!p0 [hbm:s0], s1  }
0x9b: {  	s0 =	simm.s32 @!p0 $0x2  }
0x9c: {  	_ =	swait.ge @!p0 [sflag:s0], s1  }
0x9d: {  	s1 =	ssub.s32 @!p0 $0x0, s1;
	[sflag:s0] =	ssyncset.done @!p0 $0x0  }
0x9e: {  	[sflag:s0] =	ssyncadd.s32 @!p0 s1  }
0x9f: {  	[bflag:$0x3] =	sbarrier.arrive $0xFFFF  }
0xa0: {  	_ =	shalt  }

</sc_bundles>
